<compile_context>
chip_gen: v7x
topology: tpu7x:2x2x1
jax: 0.10.2.dev20260603
libtpu: 0.0.44.dev20260713+nightly
codegen_flags: <defaults>
</compile_context>

<pallas_src>
import functools

import jax
import jax.numpy as jnp
from jax import lax
from jax.experimental import pallas as pl
from jax.experimental.pallas import tpu as pltpu
from jax.experimental.pallas import tpu_sc as plsc

N_ATOMS = 50000
M_NBRS = 16
F = 64
EF = 41
OUT2 = 128
EPS = 1e-5

R = N_ATOMS * M_NBRS

BC = 512
NBLK = 98
NP = NBLK * BC

NW = 32
CHUNK = 128
HALF_BLKS = 49
NH = HALF_BLKS * BC
RH = NH * M_NBRS
ROWS_PER_W = RH // NW
SROWS = 256
NSTR = ROWS_PER_W // SROWS
NBUF = 3


def _sc_gather(table, idx2d):
    mesh = plsc.VectorSubcoreMesh(core_axis_name="c", subcore_axis_name="s")

    @functools.partial(
        pl.kernel,
        mesh=mesh,
        out_type=jax.ShapeDtypeStruct((RH, OUT2), jnp.float32),
        scratch_types=[
            pltpu.VMEM((ROWS_PER_W,), jnp.int32),
        ] + [pltpu.VMEM((SROWS, OUT2), jnp.float32)] * NBUF
          + [pltpu.SemaphoreType.DMA] * (2 * NBUF),
    )
    def k(table_hbm, idx_hbm, out_hbm, idx_v, *bufs_sems):
        bufs = bufs_sems[:NBUF]
        gsems = bufs_sems[NBUF:2 * NBUF]
        wsems = bufs_sems[2 * NBUF:]
        wid = lax.axis_index("s") * 2 + lax.axis_index("c")
        pltpu.sync_copy(idx_hbm.at[pl.ds(wid * ROWS_PER_W, ROWS_PER_W)],
                        idx_v)
        base = wid * ROWS_PER_W

        def fire(j, p):
            pltpu.async_copy(table_hbm.at[idx_v.at[pl.ds(j * SROWS, SROWS)]],
                             bufs[p], gsems[p])

        def drain_g(p):
            pltpu.make_async_copy(out_hbm.at[pl.ds(base, SROWS)], bufs[p],
                                  gsems[p]).wait()

        def wait_w(p):
            pltpu.make_async_copy(bufs[p], out_hbm.at[pl.ds(base, SROWS)],
                                  wsems[p]).wait()

        def write(j, p):
            pltpu.async_copy(bufs[p], out_hbm.at[pl.ds(base + j * SROWS,
                                                       SROWS)], wsems[p])

        fire(0, 0)
        fire(1, 1)
        nk = NSTR // NBUF

        def body(k_, carry):
            j = 3 * k_
            drain_g(0)
            write(j, 0)

            @pl.when(k_ > 0)
            def _():
                wait_w(2)
            fire(j + 2, 2)
            drain_g(1)
            write(j + 1, 1)
            wait_w(0)
            fire(j + 3, 0)
            drain_g(2)
            write(j + 2, 2)

            @pl.when(k_ < nk - 1)
            def _():
                wait_w(1)
                fire(j + 4, 1)
            return carry

        lax.fori_loop(0, nk, body, 0)
        drain_g(0)
        write(NSTR - 1, 0)
        for p in range(NBUF):
            wait_w(p)

    return k(table, idx2d)


def _softplus(x):
    return jnp.maximum(x, 0.0) + jnp.log1p(jnp.exp(-jnp.abs(x)))


def _lane_mask(i):
    lanes = lax.broadcasted_iota(jnp.int32, (1, BC), 1) + i * BC
    return lanes < N_ATOMS


def _body_pad(a_ref, t_ref):
    t_ref[...] = jnp.concatenate(
        [a_ref[...], jnp.zeros_like(a_ref[...])], axis=1)


def _body_stats(hoff, at_ref, g_ref, et_ref, ws_ref, wn_ref, we_ref,
                acc_ref, y_ref):
    i = pl.program_id(0) + hoff
    gv = g_ref[...].astype(jnp.bfloat16)
    ev = et_ref[...].astype(jnp.bfloat16)
    t2 = jnp.dot(ws_ref[...], at_ref[...].astype(jnp.bfloat16),
                 preferred_element_type=jnp.float32)
    mask = _lane_mask(i)
    acc_s = jnp.zeros((OUT2, 1), jnp.float32)
    acc_q = jnp.zeros((OUT2, 1), jnp.float32)
    for m in range(M_NBRS):
        gm = gv[:, m, :]
        t1n = lax.dot_general(wn_ref[...], gm, (((1,), (1,)), ((), ())),
                              preferred_element_type=jnp.float32)
        em = ev[:, m, :]
        t1e = jnp.dot(we_ref[...], em,
                      preferred_element_type=jnp.float32)
        y = t2 + t1n + t1e
        y_ref[:, m, :] = y.astype(jnp.bfloat16)
        ym = jnp.where(mask, y, 0.0)
        acc_s += jnp.sum(ym, axis=1, keepdims=True)
        acc_q += jnp.sum(ym * ym, axis=1, keepdims=True)
    part = jnp.concatenate([acc_s, acc_q], axis=1)

    @pl.when(pl.program_id(0) == 0)
    def _():
        acc_ref[...] = jnp.zeros_like(acc_ref)

    acc_ref[...] += part


def _body_apply(hoff, y_ref, c1_ref, s_ref, acc2_ref):
    i = pl.program_id(0) + hoff
    c1 = c1_ref[...]
    z = (y_ref[...].astype(jnp.float32) * c1[:, 0:1][:, :, None]
         + c1[:, 1:2][:, :, None])
    f = jax.nn.sigmoid(z[:F])
    c = _softplus(z[F:])
    s = jnp.sum(f * c, axis=1)
    s_ref[...] = s
    sm = jnp.where(_lane_mask(i), s, 0.0)
    part = jnp.concatenate([jnp.sum(sm, axis=1, keepdims=True),
                            jnp.sum(sm * sm, axis=1, keepdims=True)],
                           axis=1)

    @pl.when(pl.program_id(0) == 0)
    def _():
        acc2_ref[...] = jnp.zeros_like(acc2_ref)

    acc2_ref[...] += part


def _body_final(at_ref, s_ref, c2_ref, out_ref):
    c2 = c2_ref[...]
    v = s_ref[...] * c2[:, 0:1] + c2[:, 1:2]
    out_ref[...] = _softplus(at_ref[...] + v)


def _col_spec(rows, cols):
    return pl.BlockSpec((rows, cols), lambda i: (0, i))


def _const_spec(shape):
    return pl.BlockSpec(shape, lambda i: tuple(0 for _ in shape))


PBLK = 2000


def _tc_pad(A, interpret=False):
    return pl.pallas_call(
        _body_pad,
        grid=(N_ATOMS // PBLK,),
        in_specs=[pl.BlockSpec((PBLK, F), lambda i: (i, 0))],
        out_specs=pl.BlockSpec((PBLK, OUT2), lambda i: (i, 0)),
        out_shape=jax.ShapeDtypeStruct((N_ATOMS, OUT2), jnp.float32),
        interpret=interpret,
    )(A)


def _tc_pass1(half, At, G3, Et, Ws, Wn, We, interpret=False):
    hoff = half * HALF_BLKS
    return pl.pallas_call(
        functools.partial(_body_stats, hoff),
        grid=(HALF_BLKS,),
        in_specs=[
            pl.BlockSpec((F, BC), lambda i: (0, i + hoff)),
            pl.BlockSpec((BC, M_NBRS, OUT2), lambda i: (i, 0, 0)),
            pl.BlockSpec((EF, M_NBRS, BC), lambda i: (0, 0, i + hoff)),
            _const_spec((OUT2, F)),
            _const_spec((OUT2, OUT2)),
            _const_spec((OUT2, EF)),
        ],
        out_specs=[
            _const_spec((OUT2, 2)),
            pl.BlockSpec((OUT2, M_NBRS, BC), lambda i: (0, 0, i)),
        ],
        out_shape=[
            jax.ShapeDtypeStruct((OUT2, 2), jnp.float32),
            jax.ShapeDtypeStruct((OUT2, M_NBRS, NH), jnp.bfloat16),
        ],
        interpret=interpret,
    )(At, G3, Et, Ws, Wn, We)


def _tc_pass2(half, Yt, coef1, interpret=False):
    hoff = half * HALF_BLKS
    return pl.pallas_call(
        functools.partial(_body_apply, hoff),
        grid=(HALF_BLKS,),
        in_specs=[
            pl.BlockSpec((OUT2, M_NBRS, BC), lambda i: (0, 0, i)),
            _const_spec((OUT2, 2)),
        ],
        out_specs=[_col_spec(F, BC), _const_spec((F, 2))],
        out_shape=[
            jax.ShapeDtypeStruct((F, NH), jnp.float32),
            jax.ShapeDtypeStruct((F, 2), jnp.float32),
        ],
        interpret=interpret,
    )(Yt, coef1)


def _tc_pass3(half, At, St, coef2, interpret=False):
    hoff = half * HALF_BLKS
    return pl.pallas_call(
        _body_final,
        grid=(HALF_BLKS,),
        in_specs=[
            pl.BlockSpec((F, BC), lambda i: (0, i + hoff)),
            _col_spec(F, BC),
            _const_spec((F, 2)),
        ],
        out_specs=_col_spec(F, BC),
        out_shape=jax.ShapeDtypeStruct((F, NH), jnp.float32),
        interpret=interpret,
    )(At, St, coef2)


def _tc_pipeline(At, G3a, G3b, Et, W_fc, bn1_gamma, bn1_beta, bn2_gamma,
                 bn2_beta, interpret=False):
    Ws = W_fc[:, :F].astype(jnp.bfloat16)
    Wn = jnp.concatenate(
        [W_fc[:, F:2 * F], jnp.zeros((OUT2, OUT2 - F), jnp.float32)],
        axis=1).astype(jnp.bfloat16)
    We = W_fc[:, 2 * F:].astype(jnp.bfloat16)
    acc1a, Yta = _tc_pass1(0, At, G3a, Et, Ws, Wn, We, interpret=interpret)
    acc1b, Ytb = _tc_pass1(1, At, G3b, Et, Ws, Wn, We, interpret=interpret)
    acc1 = acc1a + acc1b
    mean1 = acc1[:, 0] / R
    var1 = acc1[:, 1] / R - mean1 * mean1
    scale1 = bn1_gamma * lax.rsqrt(var1 + EPS)
    shift1 = bn1_beta - mean1 * scale1
    coef1 = jnp.stack([scale1, shift1], axis=1)
    Sta, acc2a = _tc_pass2(0, Yta, coef1, interpret=interpret)
    Stb, acc2b = _tc_pass2(1, Ytb, coef1, interpret=interpret)
    acc2 = acc2a + acc2b
    mean2 = acc2[:, 0] / N_ATOMS
    var2 = acc2[:, 1] / N_ATOMS - mean2 * mean2
    scale2 = bn2_gamma * lax.rsqrt(var2 + EPS)
    shift2 = bn2_beta - mean2 * scale2
    coef2 = jnp.stack([scale2, shift2], axis=1)
    out_ta = _tc_pass3(0, At, Sta, coef2, interpret=interpret)
    out_tb = _tc_pass3(1, At, Stb, coef2, interpret=interpret)
    out = jnp.concatenate(
        [jnp.transpose(out_ta), jnp.transpose(out_tb)], axis=0)
    return out[:N_ATOMS, :]


def kernel(atom_in_fea, nbr_fea, nbr_fea_idx, W_fc, b_fc, bn1_gamma,
           bn1_beta, bn2_gamma, bn2_beta):
    del b_fc
    idx = nbr_fea_idx.reshape(-1).astype(jnp.int32)
    idx_pad = jnp.concatenate([idx, jnp.zeros((2 * RH - R,), jnp.int32)])
    table = _tc_pad(atom_in_fea)
    Ga = _sc_gather(table, idx_pad[:RH])
    Gb = _sc_gather(table, idx_pad[RH:])
    G3a = Ga.reshape(NH, M_NBRS, OUT2)
    G3b = Gb.reshape(NH, M_NBRS, OUT2)
    At = jnp.transpose(atom_in_fea)
    Et = jnp.transpose(nbr_fea, (2, 1, 0))
    return _tc_pipeline(At, G3a, G3b, Et, W_fc, bn1_gamma, bn1_beta,
                        bn2_gamma, bn2_beta)

# --- scband reference (transcript-rebuilt; emitter-appended) ---
"""Pipeline reference for scband-conv-layer-7275674599869 (READ-ONLY COPY).

The authoritative reference and input builder live on the scoring server;
editing this copy changes nothing except your own understanding.
"""

import jax, jax.numpy as jnp
import numpy as np

ATOM_FEA_LEN = 64
NBR_FEA_LEN = 41
N_ATOMS = 50000
M_NBRS = 16
EPS = 1e-5


def setup_inputs(seed: int = 0) -> dict:
    key = jax.random.key(seed)
    k1, k2, k3, k4, k5 = jax.random.split(key, 5)
    atom_in_fea = jax.random.normal(k1, (N_ATOMS, ATOM_FEA_LEN), dtype=jnp.float32)
    nbr_fea = jax.random.normal(k2, (N_ATOMS, M_NBRS, NBR_FEA_LEN), dtype=jnp.float32)
    nbr_fea_idx = jax.random.randint(k3, (N_ATOMS, M_NBRS), 0, N_ATOMS, dtype=jnp.int64)
    in_dim = 2 * ATOM_FEA_LEN + NBR_FEA_LEN
    out_dim = 2 * ATOM_FEA_LEN
    bound = 1.0 / np.sqrt(in_dim)
    W_fc = jax.random.uniform(k4, (out_dim, in_dim), dtype=jnp.float32, minval=-bound, maxval=bound)
    b_fc = jax.random.uniform(k5, (out_dim,), dtype=jnp.float32, minval=-bound, maxval=bound)
    bn1_gamma = jnp.ones((out_dim,), dtype=jnp.float32)
    bn1_beta = jnp.zeros((out_dim,), dtype=jnp.float32)
    bn2_gamma = jnp.ones((ATOM_FEA_LEN,), dtype=jnp.float32)
    bn2_beta = jnp.zeros((ATOM_FEA_LEN,), dtype=jnp.float32)
    return {
        "atom_in_fea": atom_in_fea,
        "nbr_fea": nbr_fea,
        "nbr_fea_idx": nbr_fea_idx,
        "W_fc": W_fc,
        "b_fc": b_fc,
        "bn1_gamma": bn1_gamma,
        "bn1_beta": bn1_beta,
        "bn2_gamma": bn2_gamma,
        "bn2_beta": bn2_beta,
    }


def _batchnorm(x, gamma, beta):
    # training-mode batch statistics (biased variance), matching torch BatchNorm1d
    mean = jnp.mean(x, axis=0)
    var = jnp.var(x, axis=0)
    return (x - mean) / jnp.sqrt(var + EPS) * gamma + beta


def reference(atom_in_fea, nbr_fea, nbr_fea_idx, W_fc, b_fc, bn1_gamma, bn1_beta, bn2_gamma, bn2_beta):
    N_atoms = atom_in_fea.shape[0]
    M = nbr_fea_idx.shape[1]
    # gather neighbor atom features (SparseCore gather)
    atom_nbr_fea = jnp.take(atom_in_fea, nbr_fea_idx, axis=0)  # [N, M, F]
    atom_in_fea_expanded = jnp.broadcast_to(atom_in_fea[:, None, :], (N_atoms, M, ATOM_FEA_LEN))
    total_nbr_fea = jnp.concatenate([atom_in_fea_expanded, atom_nbr_fea, nbr_fea], axis=2)
    total_gated_fea = total_nbr_fea @ W_fc.T + b_fc  # [N, M, 2F]
    flat = total_gated_fea.reshape(-1, 2 * ATOM_FEA_LEN)
    flat = _batchnorm(flat, bn1_gamma, bn1_beta)
    total_gated_fea = flat.reshape(N_atoms, M, 2 * ATOM_FEA_LEN)
    nbr_filter = total_gated_fea[:, :, :ATOM_FEA_LEN]
    nbr_core = total_gated_fea[:, :, ATOM_FEA_LEN:]
    nbr_filter = jax.nn.sigmoid(nbr_filter)
    nbr_core = jax.nn.softplus(nbr_core)
    nbr_sumed = jnp.sum(nbr_filter * nbr_core, axis=1)  # [N, F]
    nbr_sumed = _batchnorm(nbr_sumed, bn2_gamma, bn2_beta)
    out = jax.nn.softplus(atom_in_fea + nbr_sumed)
    return out

if __name__ == "__main__":
    import jax
    _d = setup_inputs()
    print(jax.jit(kernel)(*tuple(_d.values())))

</pallas_src>

<mosaic_0001>
#map = affine_map<(d0, d1) -> (0, 0)>
#map1 = affine_map<(d0, d1) -> (0)>
module attributes {stable_mosaic.version = 14 : i64} {
  func.func @k(%arg0: i32, %arg1: i32, %arg2: memref<50000x128xf32, #tpu.memory_space<hbm>>, %arg3: memref<401408xi32, #tpu.memory_space<hbm>>, %arg4: memref<401408x128xf32, #tpu.memory_space<hbm>>, %arg5: memref<12544xi32, #tpu.memory_space<vmem>>, %arg6: memref<256x128xf32, #tpu.memory_space<vmem>>, %arg7: memref<256x128xf32, #tpu.memory_space<vmem>>, %arg8: memref<256x128xf32, #tpu.memory_space<vmem>>, %arg9: memref<!tpu.dma_semaphore, #tpu.memory_space<semaphore_mem>>, %arg10: memref<!tpu.dma_semaphore, #tpu.memory_space<semaphore_mem>>, %arg11: memref<!tpu.dma_semaphore, #tpu.memory_space<semaphore_mem>>, %arg12: memref<!tpu.dma_semaphore, #tpu.memory_space<semaphore_mem>>, %arg13: memref<!tpu.dma_semaphore, #tpu.memory_space<semaphore_mem>>, %arg14: memref<!tpu.dma_semaphore, #tpu.memory_space<semaphore_mem>>) attributes {dimension_semantics = [#tpu.dimension_semantics<core_parallel>, #tpu.dimension_semantics<subcore_parallel>], iteration_bounds = array<i64: 2, 16>, scalar_prefetch = 0 : i64, scratch_operands = 10 : i64, tpu.core_type = #tpu.core_type<sc_vector_subcore>, window_params = [{transform_indices = #map}, {transform_indices = #map1}, {transform_indices = #map}]} {
    %mul3A = arith.constant 2 : i32
    %mul3A_0 = arith.muli %arg1, %mul3A : i32
    %add3A = arith.addi %mul3A_0, %arg0 : i32
    %mul3A_1 = arith.constant 12544 : i32
    %mul3A_2 = arith.muli %add3A, %mul3A_1 : i32
    "tpu.region"() ({
      %run_scoped3A = tpu.sem_alloc : memref<!tpu.dma_semaphore, #tpu.memory_space<semaphore_mem>>
      %dma_start3A_40 = tpu.memref_slice %arg3[%mul3A_2] : memref<401408xi32, #tpu.memory_space<hbm>> -> memref<12544xi32, #tpu.memory_space<hbm>>
      %dma_start3A_41 = tpu.memref_slice %arg3[%mul3A_2] : memref<401408xi32, #tpu.memory_space<hbm>> -> memref<12544xi32, #tpu.memory_space<hbm>>
      tpu.enqueue_dma source(%dma_start3A_41 : memref<12544xi32, #tpu.memory_space<hbm>>) target(%arg5 : memref<12544xi32, #tpu.memory_space<vmem>>) target_semaphore(%run_scoped3A : memref<!tpu.dma_semaphore, #tpu.memory_space<semaphore_mem>>)
      %dma_wait3A_42 = tpu.memref_slice %arg3[%mul3A_2] : memref<401408xi32, #tpu.memory_space<hbm>> -> memref<12544xi32, #tpu.memory_space<hbm>>
      %dma_wait3A_43 = tpu.memref_slice %arg3[%mul3A_2] : memref<401408xi32, #tpu.memory_space<hbm>> -> memref<12544xi32, #tpu.memory_space<hbm>>
      tpu.wait_dma2 semaphore(%run_scoped3A : memref<!tpu.dma_semaphore, #tpu.memory_space<semaphore_mem>>) src(%dma_wait3A_43 : memref<12544xi32, #tpu.memory_space<hbm>>) dst(%arg5 : memref<12544xi32, #tpu.memory_space<vmem>>)
      tpu.yield
    }) : () -> ()
    %mul3A_3 = arith.constant 12544 : i32
    %mul3A_4 = arith.muli %add3A, %mul3A_3 : i32
    %dma_start3A = arith.constant 0 : i32
    %dma_start3A_5 = tpu.memref_slice %arg5[%dma_start3A] : memref<12544xi32, #tpu.memory_space<vmem>> -> memref<256xi32, #tpu.memory_space<vmem>>
    %dma_start3A_6 = arith.constant 0 : i32
    %dma_start3A_7 = arith.constant 0 : i32
    %dma_start3A_8 = tpu.memref_slice %arg2[%dma_start3A_6, %dma_start3A_7] : memref<50000x128xf32, #tpu.memory_space<hbm>> -> memref<50000x128xf32, #tpu.memory_space<hbm>>
    tpu.enqueue_indirect_dma source(%dma_start3A_8 : memref<50000x128xf32, #tpu.memory_space<hbm>>) target(%arg6 : memref<256x128xf32, #tpu.memory_space<vmem>>) offsets(%dma_start3A_5 : memref<256xi32, #tpu.memory_space<vmem>>) semaphore(%arg9 : memref<!tpu.dma_semaphore, #tpu.memory_space<semaphore_mem>>)
    %dma_start3A_9 = arith.constant 256 : i32
    %dma_start3A_10 = tpu.memref_slice %arg5[%dma_start3A_9] : memref<12544xi32, #tpu.memory_space<vmem>> -> memref<256xi32, #tpu.memory_space<vmem>>
    %dma_start3A_11 = arith.constant 0 : i32
    %dma_start3A_12 = arith.constant 0 : i32
    %dma_start3A_13 = tpu.memref_slice %arg2[%dma_start3A_11, %dma_start3A_12] : memref<50000x128xf32, #tpu.memory_space<hbm>> -> memref<50000x128xf32, #tpu.memory_space<hbm>>
    tpu.enqueue_indirect_dma source(%dma_start3A_13 : memref<50000x128xf32, #tpu.memory_space<hbm>>) target(%arg7 : memref<256x128xf32, #tpu.memory_space<vmem>>) offsets(%dma_start3A_10 : memref<256xi32, #tpu.memory_space<vmem>>) semaphore(%arg10 : memref<!tpu.dma_semaphore, #tpu.memory_space<semaphore_mem>>)
    %scan3A = arith.constant 0 : i32
    %scan3A_14 = arith.constant 0 : i32
    %scan3A_15 = arith.constant 16 : i32
    %scan3A_16 = arith.addi %scan3A_14, %scan3A_15 : i32
    %scan3A_17 = arith.constant 1 : i32
    scf.for %scan3A_40 = %scan3A_14 to %scan3A_16 step %scan3A_17  : i32 {
      %mul3A_41 = arith.constant 3 : i32
      %mul3A_42 = arith.muli %mul3A_41, %scan3A_40 : i32
      %dma_wait3A_43 = arith.constant 0 : i32
      %dma_wait3A_44 = tpu.memref_slice %arg4[%mul3A_4, %dma_wait3A_43] : memref<401408x128xf32, #tpu.memory_space<hbm>> -> memref<256x128xf32, #tpu.memory_space<hbm>>
      %dma_wait3A_45 = arith.constant 0 : i32
      %dma_wait3A_46 = tpu.memref_slice %arg4[%mul3A_4, %dma_wait3A_45] : memref<401408x128xf32, #tpu.memory_space<hbm>> -> memref<256x128xf32, #tpu.memory_space<hbm>>
      tpu.wait_dma2 semaphore(%arg9 : memref<!tpu.dma_semaphore, #tpu.memory_space<semaphore_mem>>) src(%dma_wait3A_46 : memref<256x128xf32, #tpu.memory_space<hbm>>) dst(%arg6 : memref<256x128xf32, #tpu.memory_space<vmem>>)
      %mul3A_47 = arith.constant 256 : i32
      %mul3A_48 = arith.muli %mul3A_42, %mul3A_47 : i32
      %add3A_49 = arith.addi %mul3A_4, %mul3A_48 : i32
      %dma_start3A_50 = arith.constant 0 : i32
      %dma_start3A_51 = tpu.memref_slice %arg4[%add3A_49, %dma_start3A_50] : memref<401408x128xf32, #tpu.memory_space<hbm>> -> memref<256x128xf32, #tpu.memory_space<hbm>>
      %dma_start3A_52 = arith.constant 0 : i32
      %dma_start3A_53 = tpu.memref_slice %arg4[%add3A_49, %dma_start3A_52] : memref<401408x128xf32, #tpu.memory_space<hbm>> -> memref<256x128xf32, #tpu.memory_space<hbm>>
      tpu.enqueue_dma source(%arg6 : memref<256x128xf32, #tpu.memory_space<vmem>>) target(%dma_start3A_53 : memref<256x128xf32, #tpu.memory_space<hbm>>) target_semaphore(%arg12 : memref<!tpu.dma_semaphore, #tpu.memory_space<semaphore_mem>>)
      %gt3A = arith.constant 0 : i32
      %gt3A_54 = arith.cmpi sgt, %scan3A_40, %gt3A : i32
      %convert_element_type3A = arith.extui %gt3A_54 : i1 to i32
      %cond3A = arith.constant 0 : i32
      %cond3A_55 = arith.cmpi ne, %convert_element_type3A, %cond3A : i32
      scf.if %cond3A_55 {
        %dma_wait3A_106 = arith.constant 0 : i32
        %dma_wait3A_107 = tpu.memref_slice %arg4[%mul3A_4, %dma_wait3A_106] : memref<401408x128xf32, #tpu.memory_space<hbm>> -> memref<256x128xf32, #tpu.memory_space<hbm>>
        %dma_wait3A_108 = arith.constant 0 : i32
        %dma_wait3A_109 = tpu.memref_slice %arg4[%mul3A_4, %dma_wait3A_108] : memref<401408x128xf32, #tpu.memory_space<hbm>> -> memref<256x128xf32, #tpu.memory_space<hbm>>
        tpu.wait_dma2 semaphore(%arg14 : memref<!tpu.dma_semaphore, #tpu.memory_space<semaphore_mem>>) src(%arg8 : memref<256x128xf32, #tpu.memory_space<vmem>>) dst(%dma_wait3A_109 : memref<256x128xf32, #tpu.memory_space<hbm>>)
      } else {
      }
      %add3A_56 = arith.constant 2 : i32
      %add3A_57 = arith.addi %mul3A_42, %add3A_56 : i32
      %mul3A_58 = arith.constant 256 : i32
      %mul3A_59 = arith.muli %add3A_57, %mul3A_58 : i32
      %dma_start3A_60 = tpu.memref_slice %arg5[%mul3A_59] : memref<12544xi32, #tpu.memory_space<vmem>> -> memref<256xi32, #tpu.memory_space<vmem>>
      %dma_start3A_61 = arith.constant 0 : i32
      %dma_start3A_62 = arith.constant 0 : i32
      %dma_start3A_63 = tpu.memref_slice %arg2[%dma_start3A_61, %dma_start3A_62] : memref<50000x128xf32, #tpu.memory_space<hbm>> -> memref<50000x128xf32, #tpu.memory_space<hbm>>
      tpu.enqueue_indirect_dma source(%dma_start3A_63 : memref<50000x128xf32, #tpu.memory_space<hbm>>) target(%arg8 : memref<256x128xf32, #tpu.memory_space<vmem>>) offsets(%dma_start3A_60 : memref<256xi32, #tpu.memory_space<vmem>>) semaphore(%arg11 : memref<!tpu.dma_semaphore, #tpu.memory_space<semaphore_mem>>)
      %dma_wait3A_64 = arith.constant 0 : i32
      %dma_wait3A_65 = tpu.memref_slice %arg4[%mul3A_4, %dma_wait3A_64] : memref<401408x128xf32, #tpu.memory_space<hbm>> -> memref<256x128xf32, #tpu.memory_space<hbm>>
      %dma_wait3A_66 = arith.constant 0 : i32
      %dma_wait3A_67 = tpu.memref_slice %arg4[%mul3A_4, %dma_wait3A_66] : memref<401408x128xf32, #tpu.memory_space<hbm>> -> memref<256x128xf32, #tpu.memory_space<hbm>>
      tpu.wait_dma2 semaphore(%arg10 : memref<!tpu.dma_semaphore, #tpu.memory_space<semaphore_mem>>) src(%dma_wait3A_67 : memref<256x128xf32, #tpu.memory_space<hbm>>) dst(%arg7 : memref<256x128xf32, #tpu.memory_space<vmem>>)
      %add3A_68 = arith.constant 1 : i32
      %add3A_69 = arith.addi %mul3A_42, %add3A_68 : i32
      %mul3A_70 = arith.constant 256 : i32
      %mul3A_71 = arith.muli %add3A_69, %mul3A_70 : i32
      %add3A_72 = arith.addi %mul3A_4, %mul3A_71 : i32
      %dma_start3A_73 = arith.constant 0 : i32
      %dma_start3A_74 = tpu.memref_slice %arg4[%add3A_72, %dma_start3A_73] : memref<401408x128xf32, #tpu.memory_space<hbm>> -> memref<256x128xf32, #tpu.memory_space<hbm>>
      %dma_start3A_75 = arith.constant 0 : i32
      %dma_start3A_76 = tpu.memref_slice %arg4[%add3A_72, %dma_start3A_75] : memref<401408x128xf32, #tpu.memory_space<hbm>> -> memref<256x128xf32, #tpu.memory_space<hbm>>
      tpu.enqueue_dma source(%arg7 : memref<256x128xf32, #tpu.memory_space<vmem>>) target(%dma_start3A_76 : memref<256x128xf32, #tpu.memory_space<hbm>>) target_semaphore(%arg13 : memref<!tpu.dma_semaphore, #tpu.memory_space<semaphore_mem>>)
      %dma_wait3A_77 = arith.constant 0 : i32
      %dma_wait3A_78 = tpu.memref_slice %arg4[%mul3A_4, %dma_wait3A_77] : memref<401408x128xf32, #tpu.memory_space<hbm>> -> memref<256x128xf32, #tpu.memory_space<hbm>>
      %dma_wait3A_79 = arith.constant 0 : i32
      %dma_wait3A_80 = tpu.memref_slice %arg4[%mul3A_4, %dma_wait3A_79] : memref<401408x128xf32, #tpu.memory_space<hbm>> -> memref<256x128xf32, #tpu.memory_space<hbm>>
      tpu.wait_dma2 semaphore(%arg12 : memref<!tpu.dma_semaphore, #tpu.memory_space<semaphore_mem>>) src(%arg6 : memref<256x128xf32, #tpu.memory_space<vmem>>) dst(%dma_wait3A_80 : memref<256x128xf32, #tpu.memory_space<hbm>>)
      %add3A_81 = arith.constant 3 : i32
      %add3A_82 = arith.addi %mul3A_42, %add3A_81 : i32
      %mul3A_83 = arith.constant 256 : i32
      %mul3A_84 = arith.muli %add3A_82, %mul3A_83 : i32
      %dma_start3A_85 = tpu.memref_slice %arg5[%mul3A_84] : memref<12544xi32, #tpu.memory_space<vmem>> -> memref<256xi32, #tpu.memory_space<vmem>>
      %dma_start3A_86 = arith.constant 0 : i32
      %dma_start3A_87 = arith.constant 0 : i32
      %dma_start3A_88 = tpu.memref_slice %arg2[%dma_start3A_86, %dma_start3A_87] : memref<50000x128xf32, #tpu.memory_space<hbm>> -> memref<50000x128xf32, #tpu.memory_space<hbm>>
      tpu.enqueue_indirect_dma source(%dma_start3A_88 : memref<50000x128xf32, #tpu.memory_space<hbm>>) target(%arg6 : memref<256x128xf32, #tpu.memory_space<vmem>>) offsets(%dma_start3A_85 : memref<256xi32, #tpu.memory_space<vmem>>) semaphore(%arg9 : memref<!tpu.dma_semaphore, #tpu.memory_space<semaphore_mem>>)
      %dma_wait3A_89 = arith.constant 0 : i32
      %dma_wait3A_90 = tpu.memref_slice %arg4[%mul3A_4, %dma_wait3A_89] : memref<401408x128xf32, #tpu.memory_space<hbm>> -> memref<256x128xf32, #tpu.memory_space<hbm>>
      %dma_wait3A_91 = arith.constant 0 : i32
      %dma_wait3A_92 = tpu.memref_slice %arg4[%mul3A_4, %dma_wait3A_91] : memref<401408x128xf32, #tpu.memory_space<hbm>> -> memref<256x128xf32, #tpu.memory_space<hbm>>
      tpu.wait_dma2 semaphore(%arg11 : memref<!tpu.dma_semaphore, #tpu.memory_space<semaphore_mem>>) src(%dma_wait3A_92 : memref<256x128xf32, #tpu.memory_space<hbm>>) dst(%arg8 : memref<256x128xf32, #tpu.memory_space<vmem>>)
      %add3A_93 = arith.constant 2 : i32
      %add3A_94 = arith.addi %mul3A_42, %add3A_93 : i32
      %mul3A_95 = arith.constant 256 : i32
      %mul3A_96 = arith.muli %add3A_94, %mul3A_95 : i32
      %add3A_97 = arith.addi %mul3A_4, %mul3A_96 : i32
      %dma_start3A_98 = arith.constant 0 : i32
      %dma_start3A_99 = tpu.memref_slice %arg4[%add3A_97, %dma_start3A_98] : memref<401408x128xf32, #tpu.memory_space<hbm>> -> memref<256x128xf32, #tpu.memory_space<hbm>>
      %dma_start3A_100 = arith.constant 0 : i32
      %dma_start3A_101 = tpu.memref_slice %arg4[%add3A_97, %dma_start3A_100] : memref<401408x128xf32, #tpu.memory_space<hbm>> -> memref<256x128xf32, #tpu.memory_space<hbm>>
      tpu.enqueue_dma source(%arg8 : memref<256x128xf32, #tpu.memory_space<vmem>>) target(%dma_start3A_101 : memref<256x128xf32, #tpu.memory_space<hbm>>) target_semaphore(%arg14 : memref<!tpu.dma_semaphore, #tpu.memory_space<semaphore_mem>>)
      %lt3A = arith.constant 15 : i32
      %lt3A_102 = arith.cmpi slt, %scan3A_40, %lt3A : i32
      %convert_element_type3A_103 = arith.extui %lt3A_102 : i1 to i32
      %cond3A_104 = arith.constant 0 : i32
      %cond3A_105 = arith.cmpi ne, %convert_element_type3A_103, %cond3A_104 : i32
      scf.if %cond3A_105 {
        %dma_wait3A_106 = arith.constant 0 : i32
        %dma_wait3A_107 = tpu.memref_slice %arg4[%mul3A_4, %dma_wait3A_106] : memref<401408x128xf32, #tpu.memory_space<hbm>> -> memref<256x128xf32, #tpu.memory_space<hbm>>
        %dma_wait3A_108 = arith.constant 0 : i32
        %dma_wait3A_109 = tpu.memref_slice %arg4[%mul3A_4, %dma_wait3A_108] : memref<401408x128xf32, #tpu.memory_space<hbm>> -> memref<256x128xf32, #tpu.memory_space<hbm>>
        tpu.wait_dma2 semaphore(%arg13 : memref<!tpu.dma_semaphore, #tpu.memory_space<semaphore_mem>>) src(%arg7 : memref<256x128xf32, #tpu.memory_space<vmem>>) dst(%dma_wait3A_109 : memref<256x128xf32, #tpu.memory_space<hbm>>)
        %add3A_110 = arith.constant 4 : i32
        %add3A_111 = arith.addi %mul3A_42, %add3A_110 : i32
        %mul3A_112 = arith.constant 256 : i32
        %mul3A_113 = arith.muli %add3A_111, %mul3A_112 : i32
        %dma_start3A_114 = tpu.memref_slice %arg5[%mul3A_113] : memref<12544xi32, #tpu.memory_space<vmem>> -> memref<256xi32, #tpu.memory_space<vmem>>
        %dma_start3A_115 = arith.constant 0 : i32
        %dma_start3A_116 = arith.constant 0 : i32
        %dma_start3A_117 = tpu.memref_slice %arg2[%dma_start3A_115, %dma_start3A_116] : memref<50000x128xf32, #tpu.memory_space<hbm>> -> memref<50000x128xf32, #tpu.memory_space<hbm>>
        tpu.enqueue_indirect_dma source(%dma_start3A_117 : memref<50000x128xf32, #tpu.memory_space<hbm>>) target(%arg7 : memref<256x128xf32, #tpu.memory_space<vmem>>) offsets(%dma_start3A_114 : memref<256xi32, #tpu.memory_space<vmem>>) semaphore(%arg10 : memref<!tpu.dma_semaphore, #tpu.memory_space<semaphore_mem>>)
      } else {
      }
    }
    %scan3A_18 = arith.constant 16 : i32
    %dma_wait3A = arith.constant 0 : i32
    %dma_wait3A_19 = tpu.memref_slice %arg4[%mul3A_4, %dma_wait3A] : memref<401408x128xf32, #tpu.memory_space<hbm>> -> memref<256x128xf32, #tpu.memory_space<hbm>>
    %dma_wait3A_20 = arith.constant 0 : i32
    %dma_wait3A_21 = tpu.memref_slice %arg4[%mul3A_4, %dma_wait3A_20] : memref<401408x128xf32, #tpu.memory_space<hbm>> -> memref<256x128xf32, #tpu.memory_space<hbm>>
    tpu.wait_dma2 semaphore(%arg9 : memref<!tpu.dma_semaphore, #tpu.memory_space<semaphore_mem>>) src(%dma_wait3A_21 : memref<256x128xf32, #tpu.memory_space<hbm>>) dst(%arg6 : memref<256x128xf32, #tpu.memory_space<vmem>>)
    %add3A_22 = arith.constant 12288 : i32
    %add3A_23 = arith.addi %mul3A_4, %add3A_22 : i32
    %dma_start3A_24 = arith.constant 0 : i32
    %dma_start3A_25 = tpu.memref_slice %arg4[%add3A_23, %dma_start3A_24] : memref<401408x128xf32, #tpu.memory_space<hbm>> -> memref<256x128xf32, #tpu.memory_space<hbm>>
    %dma_start3A_26 = arith.constant 0 : i32
    %dma_start3A_27 = tpu.memref_slice %arg4[%add3A_23, %dma_start3A_26] : memref<401408x128xf32, #tpu.memory_space<hbm>> -> memref<256x128xf32, #tpu.memory_space<hbm>>
    tpu.enqueue_dma source(%arg6 : memref<256x128xf32, #tpu.memory_space<vmem>>) target(%dma_start3A_27 : memref<256x128xf32, #tpu.memory_space<hbm>>) target_semaphore(%arg12 : memref<!tpu.dma_semaphore, #tpu.memory_space<semaphore_mem>>)
    %dma_wait3A_28 = arith.constant 0 : i32
    %dma_wait3A_29 = tpu.memref_slice %arg4[%mul3A_4, %dma_wait3A_28] : memref<401408x128xf32, #tpu.memory_space<hbm>> -> memref<256x128xf32, #tpu.memory_space<hbm>>
    %dma_wait3A_30 = arith.constant 0 : i32
    %dma_wait3A_31 = tpu.memref_slice %arg4[%mul3A_4, %dma_wait3A_30] : memref<401408x128xf32, #tpu.memory_space<hbm>> -> memref<256x128xf32, #tpu.memory_space<hbm>>
    tpu.wait_dma2 semaphore(%arg12 : memref<!tpu.dma_semaphore, #tpu.memory_space<semaphore_mem>>) src(%arg6 : memref<256x128xf32, #tpu.memory_space<vmem>>) dst(%dma_wait3A_31 : memref<256x128xf32, #tpu.memory_space<hbm>>)
    %dma_wait3A_32 = arith.constant 0 : i32
    %dma_wait3A_33 = tpu.memref_slice %arg4[%mul3A_4, %dma_wait3A_32] : memref<401408x128xf32, #tpu.memory_space<hbm>> -> memref<256x128xf32, #tpu.memory_space<hbm>>
    %dma_wait3A_34 = arith.constant 0 : i32
    %dma_wait3A_35 = tpu.memref_slice %arg4[%mul3A_4, %dma_wait3A_34] : memref<401408x128xf32, #tpu.memory_space<hbm>> -> memref<256x128xf32, #tpu.memory_space<hbm>>
    tpu.wait_dma2 semaphore(%arg13 : memref<!tpu.dma_semaphore, #tpu.memory_space<semaphore_mem>>) src(%arg7 : memref<256x128xf32, #tpu.memory_space<vmem>>) dst(%dma_wait3A_35 : memref<256x128xf32, #tpu.memory_space<hbm>>)
    %dma_wait3A_36 = arith.constant 0 : i32
    %dma_wait3A_37 = tpu.memref_slice %arg4[%mul3A_4, %dma_wait3A_36] : memref<401408x128xf32, #tpu.memory_space<hbm>> -> memref<256x128xf32, #tpu.memory_space<hbm>>
    %dma_wait3A_38 = arith.constant 0 : i32
    %dma_wait3A_39 = tpu.memref_slice %arg4[%mul3A_4, %dma_wait3A_38] : memref<401408x128xf32, #tpu.memory_space<hbm>> -> memref<256x128xf32, #tpu.memory_space<hbm>>
    tpu.wait_dma2 semaphore(%arg14 : memref<!tpu.dma_semaphore, #tpu.memory_space<semaphore_mem>>) src(%arg8 : memref<256x128xf32, #tpu.memory_space<vmem>>) dst(%dma_wait3A_39 : memref<256x128xf32, #tpu.memory_space<hbm>>)
    return
  }
}

#map = affine_map<(d0, d1) -> (0, 0)>
#map1 = affine_map<(d0, d1) -> (0)>
module attributes {stable_mosaic.version = 14 : i64} {
  func.func @k(%arg0: i32, %arg1: i32, %arg2: memref<50000x128xf32, #tpu.memory_space<hbm>>, %arg3: memref<401408xi32, #tpu.memory_space<hbm>>, %arg4: memref<401408x128xf32, #tpu.memory_space<hbm>>, %arg5: memref<12544xi32, #tpu.memory_space<vmem>>, %arg6: memref<256x128xf32, #tpu.memory_space<vmem>>, %arg7: memref<256x128xf32, #tpu.memory_space<vmem>>, %arg8: memref<256x128xf32, #tpu.memory_space<vmem>>, %arg9: memref<!tpu.dma_semaphore, #tpu.memory_space<semaphore_mem>>, %arg10: memref<!tpu.dma_semaphore, #tpu.memory_space<semaphore_mem>>, %arg11: memref<!tpu.dma_semaphore, #tpu.memory_space<semaphore_mem>>, %arg12: memref<!tpu.dma_semaphore, #tpu.memory_space<semaphore_mem>>, %arg13: memref<!tpu.dma_semaphore, #tpu.memory_space<semaphore_mem>>, %arg14: memref<!tpu.dma_semaphore, #tpu.memory_space<semaphore_mem>>) attributes {dimension_semantics = [#tpu.dimension_semantics<core_parallel>, #tpu.dimension_semantics<subcore_parallel>], iteration_bounds = array<i64: 2, 16>, scalar_prefetch = 0 : i64, scratch_operands = 10 : i64, tpu.core_type = #tpu.core_type<sc_vector_subcore>, window_params = [{transform_indices = #map}, {transform_indices = #map1}, {transform_indices = #map}]} {
    %mul3A = arith.constant 2 : i32
    %mul3A_0 = arith.muli %arg1, %mul3A : i32
    %add3A = arith.addi %mul3A_0, %arg0 : i32
    %mul3A_1 = arith.constant 12544 : i32
    %mul3A_2 = arith.muli %add3A, %mul3A_1 : i32
    "tpu.region"() ({
      %run_scoped3A = tpu.sem_alloc : memref<!tpu.dma_semaphore, #tpu.memory_space<semaphore_mem>>
      %dma_start3A_40 = tpu.memref_slice %arg3[%mul3A_2] : memref<401408xi32, #tpu.memory_space<hbm>> -> memref<12544xi32, #tpu.memory_space<hbm>>
      %dma_start3A_41 = tpu.memref_slice %arg3[%mul3A_2] : memref<401408xi32, #tpu.memory_space<hbm>> -> memref<12544xi32, #tpu.memory_space<hbm>>
      tpu.enqueue_dma source(%dma_start3A_41 : memref<12544xi32, #tpu.memory_space<hbm>>) target(%arg5 : memref<12544xi32, #tpu.memory_space<vmem>>) target_semaphore(%run_scoped3A : memref<!tpu.dma_semaphore, #tpu.memory_space<semaphore_mem>>)
      %dma_wait3A_42 = tpu.memref_slice %arg3[%mul3A_2] : memref<401408xi32, #tpu.memory_space<hbm>> -> memref<12544xi32, #tpu.memory_space<hbm>>
      %dma_wait3A_43 = tpu.memref_slice %arg3[%mul3A_2] : memref<401408xi32, #tpu.memory_space<hbm>> -> memref<12544xi32, #tpu.memory_space<hbm>>
      tpu.wait_dma2 semaphore(%run_scoped3A : memref<!tpu.dma_semaphore, #tpu.memory_space<semaphore_mem>>) src(%dma_wait3A_43 : memref<12544xi32, #tpu.memory_space<hbm>>) dst(%arg5 : memref<12544xi32, #tpu.memory_space<vmem>>)
      tpu.yield
    }) : () -> ()
    %mul3A_3 = arith.constant 12544 : i32
    %mul3A_4 = arith.muli %add3A, %mul3A_3 : i32
    %dma_start3A = arith.constant 0 : i32
    %dma_start3A_5 = tpu.memref_slice %arg5[%dma_start3A] : memref<12544xi32, #tpu.memory_space<vmem>> -> memref<256xi32, #tpu.memory_space<vmem>>
    %dma_start3A_6 = arith.constant 0 : i32
    %dma_start3A_7 = arith.constant 0 : i32
    %dma_start3A_8 = tpu.memref_slice %arg2[%dma_start3A_6, %dma_start3A_7] : memref<50000x128xf32, #tpu.memory_space<hbm>> -> memref<50000x128xf32, #tpu.memory_space<hbm>>
    tpu.enqueue_indirect_dma source(%dma_start3A_8 : memref<50000x128xf32, #tpu.memory_space<hbm>>) target(%arg6 : memref<256x128xf32, #tpu.memory_space<vmem>>) offsets(%dma_start3A_5 : memref<256xi32, #tpu.memory_space<vmem>>) semaphore(%arg9 : memref<!tpu.dma_semaphore, #tpu.memory_space<semaphore_mem>>)
    %dma_start3A_9 = arith.constant 256 : i32
    %dma_start3A_10 = tpu.memref_slice %arg5[%dma_start3A_9] : memref<12544xi32, #tpu.memory_space<vmem>> -> memref<256xi32, #tpu.memory_space<vmem>>
    %dma_start3A_11 = arith.constant 0 : i32
    %dma_start3A_12 = arith.constant 0 : i32
    %dma_start3A_13 = tpu.memref_slice %arg2[%dma_start3A_11, %dma_start3A_12] : memref<50000x128xf32, #tpu.memory_space<hbm>> -> memref<50000x128xf32, #tpu.memory_space<hbm>>
    tpu.enqueue_indirect_dma source(%dma_start3A_13 : memref<50000x128xf32, #tpu.memory_space<hbm>>) target(%arg7 : memref<256x128xf32, #tpu.memory_space<vmem>>) offsets(%dma_start3A_10 : memref<256xi32, #tpu.memory_space<vmem>>) semaphore(%arg10 : memref<!tpu.dma_semaphore, #tpu.memory_space<semaphore_mem>>)
    %scan3A = arith.constant 0 : i32
    %scan3A_14 = arith.constant 0 : i32
    %scan3A_15 = arith.constant 16 : i32
    %scan3A_16 = arith.addi %scan3A_14, %scan3A_15 : i32
    %scan3A_17 = arith.constant 1 : i32
    scf.for %scan3A_40 = %scan3A_14 to %scan3A_16 step %scan3A_17  : i32 {
      %mul3A_41 = arith.constant 3 : i32
      %mul3A_42 = arith.muli %mul3A_41, %scan3A_40 : i32
      %dma_wait3A_43 = arith.constant 0 : i32
      %dma_wait3A_44 = tpu.memref_slice %arg4[%mul3A_4, %dma_wait3A_43] : memref<401408x128xf32, #tpu.memory_space<hbm>> -> memref<256x128xf32, #tpu.memory_space<hbm>>
      %dma_wait3A_45 = arith.constant 0 : i32
      %dma_wait3A_46 = tpu.memref_slice %arg4[%mul3A_4, %dma_wait3A_45] : memref<401408x128xf32, #tpu.memory_space<hbm>> -> memref<256x128xf32, #tpu.memory_space<hbm>>
      tpu.wait_dma2 semaphore(%arg9 : memref<!tpu.dma_semaphore, #tpu.memory_space<semaphore_mem>>) src(%dma_wait3A_46 : memref<256x128xf32, #tpu.memory_space<hbm>>) dst(%arg6 : memref<256x128xf32, #tpu.memory_space<vmem>>)
      %mul3A_47 = arith.constant 256 : i32
      %mul3A_48 = arith.muli %mul3A_42, %mul3A_47 : i32
      %add3A_49 = arith.addi %mul3A_4, %mul3A_48 : i32
      %dma_start3A_50 = arith.constant 0 : i32
      %dma_start3A_51 = tpu.memref_slice %arg4[%add3A_49, %dma_start3A_50] : memref<401408x128xf32, #tpu.memory_space<hbm>> -> memref<256x128xf32, #tpu.memory_space<hbm>>
      %dma_start3A_52 = arith.constant 0 : i32
      %dma_start3A_53 = tpu.memref_slice %arg4[%add3A_49, %dma_start3A_52] : memref<401408x128xf32, #tpu.memory_space<hbm>> -> memref<256x128xf32, #tpu.memory_space<hbm>>
      tpu.enqueue_dma source(%arg6 : memref<256x128xf32, #tpu.memory_space<vmem>>) target(%dma_start3A_53 : memref<256x128xf32, #tpu.memory_space<hbm>>) target_semaphore(%arg12 : memref<!tpu.dma_semaphore, #tpu.memory_space<semaphore_mem>>)
      %gt3A = arith.constant 0 : i32
      %gt3A_54 = arith.cmpi sgt, %scan3A_40, %gt3A : i32
      %convert_element_type3A = arith.extui %gt3A_54 : i1 to i32
      %cond3A = arith.constant 0 : i32
      %cond3A_55 = arith.cmpi ne, %convert_element_type3A, %cond3A : i32
      scf.if %cond3A_55 {
        %dma_wait3A_106 = arith.constant 0 : i32
        %dma_wait3A_107 = tpu.memref_slice %arg4[%mul3A_4, %dma_wait3A_106] : memref<401408x128xf32, #tpu.memory_space<hbm>> -> memref<256x128xf32, #tpu.memory_space<hbm>>
        %dma_wait3A_108 = arith.constant 0 : i32
        %dma_wait3A_109 = tpu.memref_slice %arg4[%mul3A_4, %dma_wait3A_108] : memref<401408x128xf32, #tpu.memory_space<hbm>> -> memref<256x128xf32, #tpu.memory_space<hbm>>
        tpu.wait_dma2 semaphore(%arg14 : memref<!tpu.dma_semaphore, #tpu.memory_space<semaphore_mem>>) src(%arg8 : memref<256x128xf32, #tpu.memory_space<vmem>>) dst(%dma_wait3A_109 : memref<256x128xf32, #tpu.memory_space<hbm>>)
      } else {
      }
      %add3A_56 = arith.constant 2 : i32
      %add3A_57 = arith.addi %mul3A_42, %add3A_56 : i32
      %mul3A_58 = arith.constant 256 : i32
      %mul3A_59 = arith.muli %add3A_57, %mul3A_58 : i32
      %dma_start3A_60 = tpu.memref_slice %arg5[%mul3A_59] : memref<12544xi32, #tpu.memory_space<vmem>> -> memref<256xi32, #tpu.memory_space<vmem>>
      %dma_start3A_61 = arith.constant 0 : i32
      %dma_start3A_62 = arith.constant 0 : i32
      %dma_start3A_63 = tpu.memref_slice %arg2[%dma_start3A_61, %dma_start3A_62] : memref<50000x128xf32, #tpu.memory_space<hbm>> -> memref<50000x128xf32, #tpu.memory_space<hbm>>
      tpu.enqueue_indirect_dma source(%dma_start3A_63 : memref<50000x128xf32, #tpu.memory_space<hbm>>) target(%arg8 : memref<256x128xf32, #tpu.memory_space<vmem>>) offsets(%dma_start3A_60 : memref<256xi32, #tpu.memory_space<vmem>>) semaphore(%arg11 : memref<!tpu.dma_semaphore, #tpu.memory_space<semaphore_mem>>)
      %dma_wait3A_64 = arith.constant 0 : i32
      %dma_wait3A_65 = tpu.memref_slice %arg4[%mul3A_4, %dma_wait3A_64] : memref<401408x128xf32, #tpu.memory_space<hbm>> -> memref<256x128xf32, #tpu.memory_space<hbm>>
      %dma_wait3A_66 = arith.constant 0 : i32
      %dma_wait3A_67 = tpu.memref_slice %arg4[%mul3A_4, %dma_wait3A_66] : memref<401408x128xf32, #tpu.memory_space<hbm>> -> memref<256x128xf32, #tpu.memory_space<hbm>>
      tpu.wait_dma2 semaphore(%arg10 : memref<!tpu.dma_semaphore, #tpu.memory_space<semaphore_mem>>) src(%dma_wait3A_67 : memref<256x128xf32, #tpu.memory_space<hbm>>) dst(%arg7 : memref<256x128xf32, #tpu.memory_space<vmem>>)
      %add3A_68 = arith.constant 1 : i32
      %add3A_69 = arith.addi %mul3A_42, %add3A_68 : i32
      %mul3A_70 = arith.constant 256 : i32
      %mul3A_71 = arith.muli %add3A_69, %mul3A_70 : i32
      %add3A_72 = arith.addi %mul3A_4, %mul3A_71 : i32
      %dma_start3A_73 = arith.constant 0 : i32
      %dma_start3A_74 = tpu.memref_slice %arg4[%add3A_72, %dma_start3A_73] : memref<401408x128xf32, #tpu.memory_space<hbm>> -> memref<256x128xf32, #tpu.memory_space<hbm>>
      %dma_start3A_75 = arith.constant 0 : i32
      %dma_start3A_76 = tpu.memref_slice %arg4[%add3A_72, %dma_start3A_75] : memref<401408x128xf32, #tpu.memory_space<hbm>> -> memref<256x128xf32, #tpu.memory_space<hbm>>
      tpu.enqueue_dma source(%arg7 : memref<256x128xf32, #tpu.memory_space<vmem>>) target(%dma_start3A_76 : memref<256x128xf32, #tpu.memory_space<hbm>>) target_semaphore(%arg13 : memref<!tpu.dma_semaphore, #tpu.memory_space<semaphore_mem>>)
      %dma_wait3A_77 = arith.constant 0 : i32
      %dma_wait3A_78 = tpu.memref_slice %arg4[%mul3A_4, %dma_wait3A_77] : memref<401408x128xf32, #tpu.memory_space<hbm>> -> memref<256x128xf32, #tpu.memory_space<hbm>>
      %dma_wait3A_79 = arith.constant 0 : i32
      %dma_wait3A_80 = tpu.memref_slice %arg4[%mul3A_4, %dma_wait3A_79] : memref<401408x128xf32, #tpu.memory_space<hbm>> -> memref<256x128xf32, #tpu.memory_space<hbm>>
      tpu.wait_dma2 semaphore(%arg12 : memref<!tpu.dma_semaphore, #tpu.memory_space<semaphore_mem>>) src(%arg6 : memref<256x128xf32, #tpu.memory_space<vmem>>) dst(%dma_wait3A_80 : memref<256x128xf32, #tpu.memory_space<hbm>>)
      %add3A_81 = arith.constant 3 : i32
      %add3A_82 = arith.addi %mul3A_42, %add3A_81 : i32
      %mul3A_83 = arith.constant 256 : i32
      %mul3A_84 = arith.muli %add3A_82, %mul3A_83 : i32
      %dma_start3A_85 = tpu.memref_slice %arg5[%mul3A_84] : memref<12544xi32, #tpu.memory_space<vmem>> -> memref<256xi32, #tpu.memory_space<vmem>>
      %dma_start3A_86 = arith.constant 0 : i32
      %dma_start3A_87 = arith.constant 0 : i32
      %dma_start3A_88 = tpu.memref_slice %arg2[%dma_start3A_86, %dma_start3A_87] : memref<50000x128xf32, #tpu.memory_space<hbm>> -> memref<50000x128xf32, #tpu.memory_space<hbm>>
      tpu.enqueue_indirect_dma source(%dma_start3A_88 : memref<50000x128xf32, #tpu.memory_space<hbm>>) target(%arg6 : memref<256x128xf32, #tpu.memory_space<vmem>>) offsets(%dma_start3A_85 : memref<256xi32, #tpu.memory_space<vmem>>) semaphore(%arg9 : memref<!tpu.dma_semaphore, #tpu.memory_space<semaphore_mem>>)
      %dma_wait3A_89 = arith.constant 0 : i32
      %dma_wait3A_90 = tpu.memref_slice %arg4[%mul3A_4, %dma_wait3A_89] : memref<401408x128xf32, #tpu.memory_space<hbm>> -> memref<256x128xf32, #tpu.memory_space<hbm>>
      %dma_wait3A_91 = arith.constant 0 : i32
      %dma_wait3A_92 = tpu.memref_slice %arg4[%mul3A_4, %dma_wait3A_91] : memref<401408x128xf32, #tpu.memory_space<hbm>> -> memref<256x128xf32, #tpu.memory_space<hbm>>
      tpu.wait_dma2 semaphore(%arg11 : memref<!tpu.dma_semaphore, #tpu.memory_space<semaphore_mem>>) src(%dma_wait3A_92 : memref<256x128xf32, #tpu.memory_space<hbm>>) dst(%arg8 : memref<256x128xf32, #tpu.memory_space<vmem>>)
      %add3A_93 = arith.constant 2 : i32
      %add3A_94 = arith.addi %mul3A_42, %add3A_93 : i32
      %mul3A_95 = arith.constant 256 : i32
      %mul3A_96 = arith.muli %add3A_94, %mul3A_95 : i32
      %add3A_97 = arith.addi %mul3A_4, %mul3A_96 : i32
      %dma_start3A_98 = arith.constant 0 : i32
      %dma_start3A_99 = tpu.memref_slice %arg4[%add3A_97, %dma_start3A_98] : memref<401408x128xf32, #tpu.memory_space<hbm>> -> memref<256x128xf32, #tpu.memory_space<hbm>>
      %dma_start3A_100 = arith.constant 0 : i32
      %dma_start3A_101 = tpu.memref_slice %arg4[%add3A_97, %dma_start3A_100] : memref<401408x128xf32, #tpu.memory_space<hbm>> -> memref<256x128xf32, #tpu.memory_space<hbm>>
      tpu.enqueue_dma source(%arg8 : memref<256x128xf32, #tpu.memory_space<vmem>>) target(%dma_start3A_101 : memref<256x128xf32, #tpu.memory_space<hbm>>) target_semaphore(%arg14 : memref<!tpu.dma_semaphore, #tpu.memory_space<semaphore_mem>>)
      %lt3A = arith.constant 15 : i32
      %lt3A_102 = arith.cmpi slt, %scan3A_40, %lt3A : i32
      %convert_element_type3A_103 = arith.extui %lt3A_102 : i1 to i32
      %cond3A_104 = arith.constant 0 : i32
      %cond3A_105 = arith.cmpi ne, %convert_element_type3A_103, %cond3A_104 : i32
      scf.if %cond3A_105 {
        %dma_wait3A_106 = arith.constant 0 : i32
        %dma_wait3A_107 = tpu.memref_slice %arg4[%mul3A_4, %dma_wait3A_106] : memref<401408x128xf32, #tpu.memory_space<hbm>> -> memref<256x128xf32, #tpu.memory_space<hbm>>
        %dma_wait3A_108 = arith.constant 0 : i32
        %dma_wait3A_109 = tpu.memref_slice %arg4[%mul3A_4, %dma_wait3A_108] : memref<401408x128xf32, #tpu.memory_space<hbm>> -> memref<256x128xf32, #tpu.memory_space<hbm>>
        tpu.wait_dma2 semaphore(%arg13 : memref<!tpu.dma_semaphore, #tpu.memory_space<semaphore_mem>>) src(%arg7 : memref<256x128xf32, #tpu.memory_space<vmem>>) dst(%dma_wait3A_109 : memref<256x128xf32, #tpu.memory_space<hbm>>)
        %add3A_110 = arith.constant 4 : i32
        %add3A_111 = arith.addi %mul3A_42, %add3A_110 : i32
        %mul3A_112 = arith.constant 256 : i32
        %mul3A_113 = arith.muli %add3A_111, %mul3A_112 : i32
        %dma_start3A_114 = tpu.memref_slice %arg5[%mul3A_113] : memref<12544xi32, #tpu.memory_space<vmem>> -> memref<256xi32, #tpu.memory_space<vmem>>
        %dma_start3A_115 = arith.constant 0 : i32
        %dma_start3A_116 = arith.constant 0 : i32
        %dma_start3A_117 = tpu.memref_slice %arg2[%dma_start3A_115, %dma_start3A_116] : memref<50000x128xf32, #tpu.memory_space<hbm>> -> memref<50000x128xf32, #tpu.memory_space<hbm>>
        tpu.enqueue_indirect_dma source(%dma_start3A_117 : memref<50000x128xf32, #tpu.memory_space<hbm>>) target(%arg7 : memref<256x128xf32, #tpu.memory_space<vmem>>) offsets(%dma_start3A_114 : memref<256xi32, #tpu.memory_space<vmem>>) semaphore(%arg10 : memref<!tpu.dma_semaphore, #tpu.memory_space<semaphore_mem>>)
      } else {
      }
    }
    %scan3A_18 = arith.constant 16 : i32
    %dma_wait3A = arith.constant 0 : i32
    %dma_wait3A_19 = tpu.memref_slice %arg4[%mul3A_4, %dma_wait3A] : memref<401408x128xf32, #tpu.memory_space<hbm>> -> memref<256x128xf32, #tpu.memory_space<hbm>>
    %dma_wait3A_20 = arith.constant 0 : i32
    %dma_wait3A_21 = tpu.memref_slice %arg4[%mul3A_4, %dma_wait3A_20] : memref<401408x128xf32, #tpu.memory_space<hbm>> -> memref<256x128xf32, #tpu.memory_space<hbm>>
    tpu.wait_dma2 semaphore(%arg9 : memref<!tpu.dma_semaphore, #tpu.memory_space<semaphore_mem>>) src(%dma_wait3A_21 : memref<256x128xf32, #tpu.memory_space<hbm>>) dst(%arg6 : memref<256x128xf32, #tpu.memory_space<vmem>>)
    %add3A_22 = arith.constant 12288 : i32
    %add3A_23 = arith.addi %mul3A_4, %add3A_22 : i32
    %dma_start3A_24 = arith.constant 0 : i32
    %dma_start3A_25 = tpu.memref_slice %arg4[%add3A_23, %dma_start3A_24] : memref<401408x128xf32, #tpu.memory_space<hbm>> -> memref<256x128xf32, #tpu.memory_space<hbm>>
    %dma_start3A_26 = arith.constant 0 : i32
    %dma_start3A_27 = tpu.memref_slice %arg4[%add3A_23, %dma_start3A_26] : memref<401408x128xf32, #tpu.memory_space<hbm>> -> memref<256x128xf32, #tpu.memory_space<hbm>>
    tpu.enqueue_dma source(%arg6 : memref<256x128xf32, #tpu.memory_space<vmem>>) target(%dma_start3A_27 : memref<256x128xf32, #tpu.memory_space<hbm>>) target_semaphore(%arg12 : memref<!tpu.dma_semaphore, #tpu.memory_space<semaphore_mem>>)
    %dma_wait3A_28 = arith.constant 0 : i32
    %dma_wait3A_29 = tpu.memref_slice %arg4[%mul3A_4, %dma_wait3A_28] : memref<401408x128xf32, #tpu.memory_space<hbm>> -> memref<256x128xf32, #tpu.memory_space<hbm>>
    %dma_wait3A_30 = arith.constant 0 : i32
    %dma_wait3A_31 = tpu.memref_slice %arg4[%mul3A_4, %dma_wait3A_30] : memref<401408x128xf32, #tpu.memory_space<hbm>> -> memref<256x128xf32, #tpu.memory_space<hbm>>
    tpu.wait_dma2 semaphore(%arg12 : memref<!tpu.dma_semaphore, #tpu.memory_space<semaphore_mem>>) src(%arg6 : memref<256x128xf32, #tpu.memory_space<vmem>>) dst(%dma_wait3A_31 : memref<256x128xf32, #tpu.memory_space<hbm>>)
    %dma_wait3A_32 = arith.constant 0 : i32
    %dma_wait3A_33 = tpu.memref_slice %arg4[%mul3A_4, %dma_wait3A_32] : memref<401408x128xf32, #tpu.memory_space<hbm>> -> memref<256x128xf32, #tpu.memory_space<hbm>>
    %dma_wait3A_34 = arith.constant 0 : i32
    %dma_wait3A_35 = tpu.memref_slice %arg4[%mul3A_4, %dma_wait3A_34] : memref<401408x128xf32, #tpu.memory_space<hbm>> -> memref<256x128xf32, #tpu.memory_space<hbm>>
    tpu.wait_dma2 semaphore(%arg13 : memref<!tpu.dma_semaphore, #tpu.memory_space<semaphore_mem>>) src(%arg7 : memref<256x128xf32, #tpu.memory_space<vmem>>) dst(%dma_wait3A_35 : memref<256x128xf32, #tpu.memory_space<hbm>>)
    %dma_wait3A_36 = arith.constant 0 : i32
    %dma_wait3A_37 = tpu.memref_slice %arg4[%mul3A_4, %dma_wait3A_36] : memref<401408x128xf32, #tpu.memory_space<hbm>> -> memref<256x128xf32, #tpu.memory_space<hbm>>
    %dma_wait3A_38 = arith.constant 0 : i32
    %dma_wait3A_39 = tpu.memref_slice %arg4[%mul3A_4, %dma_wait3A_38] : memref<401408x128xf32, #tpu.memory_space<hbm>> -> memref<256x128xf32, #tpu.memory_space<hbm>>
    tpu.wait_dma2 semaphore(%arg14 : memref<!tpu.dma_semaphore, #tpu.memory_space<semaphore_mem>>) src(%arg8 : memref<256x128xf32, #tpu.memory_space<vmem>>) dst(%dma_wait3A_39 : memref<256x128xf32, #tpu.memory_space<hbm>>)
    return
  }
}

module attributes {stable_mosaic.version = 14 : i64} {
  func.func @_body_pad(%arg0: i32, %arg1: memref<2000x64xf32, #tpu.memory_space<vmem>>, %arg2: memref<2000x128xf32, #tpu.memory_space<vmem>>) attributes {dimension_semantics = [#tpu.dimension_semantics<arbitrary>], iteration_bounds = array<i64: 25>, scalar_prefetch = 0 : i64, scratch_operands = 0 : i64, tpu.core_type = #tpu.core_type<tc>, window_params = [{transform_indices = @transform_0, window_bounds = array<i64: 2000, 64>}, {transform_indices = @transform_1, window_bounds = array<i64: 2000, 128>}]} {
    %get3A = arith.constant 0 : index
    %get3A_0 = arith.constant 0 : index
    %get3A_1 = vector.load %arg1[%get3A, %get3A_0] : memref<2000x64xf32, #tpu.memory_space<vmem>>, vector<2000x64xf32>
    %broadcast_in_dim3A = arith.constant 0.000000e+00 : f32
    %broadcast_in_dim3A_2 = vector.broadcast %broadcast_in_dim3A : f32 to vector<2000x64xf32>
    %concatenate3A = tpu.concatenate %get3A_1, %broadcast_in_dim3A_2 in 1 : vector<2000x64xf32>, vector<2000x64xf32> -> vector<2000x128xf32>
    %swap3A = arith.constant 0 : index
    %swap3A_3 = arith.constant 0 : index
    %swap3A_4 = vector.load %arg2[%swap3A, %swap3A_3] : memref<2000x128xf32, #tpu.memory_space<vmem>>, vector<2000x128xf32>
    tpu.vector_store %arg2[%swap3A, %swap3A_3], %concatenate3A {strides = array<i32>} : memref<2000x128xf32, #tpu.memory_space<vmem>>, vector<2000x128xf32>,
    return
  }
  func.func @transform_0(%arg0: i32) -> (i32, i32) {
    %c0_i32 = arith.constant 0 : i32
    %c0_i32_0 = arith.constant 0 : i32
    return %arg0, %c0_i32 : i32, i32
  }
  func.func @transform_1(%arg0: i32) -> (i32, i32) {
    %c0_i32 = arith.constant 0 : i32
    %c0_i32_0 = arith.constant 0 : i32
    return %arg0, %c0_i32 : i32, i32
  }
}

module attributes {stable_mosaic.version = 14 : i64} {
  func.func @_body_stats(%arg0: i32, %arg1: memref<64x512xf32, #tpu.memory_space<vmem>>, %arg2: memref<512x16x128xf32, #tpu.memory_space<vmem>>, %arg3: memref<41x16x512xf32, #tpu.memory_space<vmem>>, %arg4: memref<128x64xbf16, #tpu.memory_space<vmem>>, %arg5: memref<128x128xbf16, #tpu.memory_space<vmem>>, %arg6: memref<128x41xbf16, #tpu.memory_space<vmem>>, %arg7: memref<128x2xf32, #tpu.memory_space<vmem>>, %arg8: memref<128x16x512xbf16, #tpu.memory_space<vmem>>) attributes {dimension_semantics = [#tpu.dimension_semantics<arbitrary>], iteration_bounds = array<i64: 49>, scalar_prefetch = 0 : i64, scratch_operands = 0 : i64, tpu.core_type = #tpu.core_type<tc>, window_params = [{transform_indices = @transform_0, window_bounds = array<i64: 64, 512>}, {transform_indices = @transform_1, window_bounds = array<i64: 512, 16, 128>}, {transform_indices = @transform_2, window_bounds = array<i64: 41, 16, 512>}, {pipeline_mode = #tpu.pipeline_mode<synchronous>, transform_indices = @transform_3, window_bounds = array<i64: 128, 64>}, {pipeline_mode = #tpu.pipeline_mode<synchronous>, transform_indices = @transform_4, window_bounds = array<i64: 128, 128>}, {pipeline_mode = #tpu.pipeline_mode<synchronous>, transform_indices = @transform_5, window_bounds = array<i64: 128, 41>}, {pipeline_mode = #tpu.pipeline_mode<synchronous>, transform_indices = @transform_6, window_bounds = array<i64: 128, 2>}, {transform_indices = @transform_7, window_bounds = array<i64: 128, 16, 512>}]} {
    %add3A = arith.constant 49 : i32
    %add3A_0 = arith.addi %arg0, %add3A : i32
    %get3A = arith.constant 0 : index
    %get3A_1 = arith.constant 0 : index
    %get3A_2 = arith.constant 0 : index
    %get3A_3 = vector.load %arg2[%get3A, %get3A_1, %get3A_2] : memref<512x16x128xf32, #tpu.memory_space<vmem>>, vector<512x16x128xf32>
    %convert_element_type3A = arith.truncf %get3A_3 : vector<512x16x128xf32> to vector<512x16x128xbf16>
    %get3A_4 = arith.constant 0 : index
    %get3A_5 = arith.constant 0 : index
    %get3A_6 = arith.constant 0 : index
    %get3A_7 = vector.load %arg3[%get3A_4, %get3A_5, %get3A_6] : memref<41x16x512xf32, #tpu.memory_space<vmem>>, vector<41x16x512xf32>
    %convert_element_type3A_8 = arith.truncf %get3A_7 : vector<41x16x512xf32> to vector<41x16x512xbf16>
    %get3A_9 = arith.constant 0 : index
    %get3A_10 = arith.constant 0 : index
    %get3A_11 = vector.load %arg4[%get3A_9, %get3A_10] : memref<128x64xbf16, #tpu.memory_space<vmem>>, vector<128x64xbf16>
    %get3A_12 = arith.constant 0 : index
    %get3A_13 = arith.constant 0 : index
    %get3A_14 = vector.load %arg1[%get3A_12, %get3A_13] : memref<64x512xf32, #tpu.memory_space<vmem>>, vector<64x512xf32>
    %convert_element_type3A_15 = arith.truncf %get3A_14 : vector<64x512xf32> to vector<64x512xbf16>
    %dot_general3A = arith.constant dense<0.000000e+00> : vector<128x512xf32>
    %dot_general3A_16 = tpu.matmul %get3A_11, %convert_element_type3A_15, %dot_general3A {dimension_numbers = #tpu.dot_dimension_numbers<[1], [0], [0], [1], [0, 0, 1, 1], [], []>, transpose_lhs_hint = false} : vector<128x64xbf16>, vector<64x512xbf16>, vector<128x512xf32> -> vector<128x512xf32>
    %iota3A = tpu.iota {dimensions = array<i32: 1>} : vector<1x512xi32>
    %mul3A = arith.constant 512 : i32
    %mul3A_17 = arith.muli %add3A_0, %mul3A : i32
    %add3A_18 = vector.broadcast %mul3A_17 : i32 to vector<1x512xi32>
    %add3A_19 = arith.addi %iota3A, %add3A_18 : vector<1x512xi32>
    %lt3A = arith.constant 50000 : i32
    %lt3A_20 = vector.broadcast %lt3A : i32 to vector<1x512xi32>
    %lt3A_21 = arith.cmpi slt, %add3A_19, %lt3A_20 : vector<1x512xi32>
    %broadcast_in_dim3A = arith.constant 0.000000e+00 : f32
    %broadcast_in_dim3A_22 = vector.broadcast %broadcast_in_dim3A : f32 to vector<128x1xf32>
    %broadcast_in_dim3A_23 = arith.constant 0.000000e+00 : f32
    %broadcast_in_dim3A_24 = vector.broadcast %broadcast_in_dim3A_23 : f32 to vector<128x1xf32>
    %slice3A = vector.extract_strided_slice %convert_element_type3A {offsets = [0, 0, 0], sizes = [512, 1, 128], strides = [1, 1, 1]} : vector<512x16x128xbf16> to vector<512x1x128xbf16>
    %squeeze3A = vector.shape_cast %slice3A : vector<512x1x128xbf16> to vector<512x128xbf16>
    %get3A_25 = arith.constant 0 : index
    %get3A_26 = arith.constant 0 : index
    %get3A_27 = vector.load %arg5[%get3A_25, %get3A_26] : memref<128x128xbf16, #tpu.memory_space<vmem>>, vector<128x128xbf16>
    %dot_general3A_28 = arith.constant dense<0.000000e+00> : vector<128x512xf32>
    %dot_general3A_29 = tpu.matmul %get3A_27, %squeeze3A, %dot_general3A_28 {dimension_numbers = #tpu.dot_dimension_numbers<[1], [1], [0], [0], [0, 0, 1, 0], [], []>, transpose_lhs_hint = false} : vector<128x128xbf16>, vector<512x128xbf16>, vector<128x512xf32> -> vector<128x512xf32>
    %slice3A_30 = vector.extract_strided_slice %convert_element_type3A_8 {offsets = [0, 0, 0], sizes = [41, 1, 512], strides = [1, 1, 1]} : vector<41x16x512xbf16> to vector<41x1x512xbf16>
    %squeeze3A_31 = vector.shape_cast %slice3A_30 : vector<41x1x512xbf16> to vector<41x512xbf16>
    %get3A_32 = arith.constant 0 : index
    %get3A_33 = arith.constant 0 : index
    %get3A_34 = vector.load %arg6[%get3A_32, %get3A_33] : memref<128x41xbf16, #tpu.memory_space<vmem>>, vector<128x41xbf16>
    %dot_general3A_35 = arith.constant dense<0.000000e+00> : vector<128x512xf32>
    %dot_general3A_36 = tpu.matmul %get3A_34, %squeeze3A_31, %dot_general3A_35 {dimension_numbers = #tpu.dot_dimension_numbers<[1], [0], [0], [1], [0, 0, 1, 1], [], []>, transpose_lhs_hint = false} : vector<128x41xbf16>, vector<41x512xbf16>, vector<128x512xf32> -> vector<128x512xf32>
    %add3A_37 = arith.addf %dot_general3A_16, %dot_general3A_29 : vector<128x512xf32>
    %add3A_38 = arith.addf %add3A_37, %dot_general3A_36 : vector<128x512xf32>
    %convert_element_type3A_39 = arith.truncf %add3A_38 : vector<128x512xf32> to vector<128x512xbf16>
    %swap3A = arith.constant 0 : index
    %swap3A_40 = arith.constant 0 : index
    %swap3A_41 = arith.constant 0 : index
    %swap3A_42 = vector.load %arg8[%swap3A, %swap3A_40, %swap3A_41] : memref<128x16x512xbf16, #tpu.memory_space<vmem>>, vector<128x1x512xbf16>
    %swap3A_43 = vector.shape_cast %swap3A_42 : vector<128x1x512xbf16> to vector<128x512xbf16>
    %swap3A_44 = vector.shape_cast %convert_element_type3A_39 : vector<128x512xbf16> to vector<128x1x512xbf16>
    tpu.vector_store %arg8[%swap3A, %swap3A_40, %swap3A_41], %swap3A_44 {strides = array<i32>} : memref<128x16x512xbf16, #tpu.memory_space<vmem>>, vector<128x1x512xbf16>,
    %jit3A = arith.constant 0.000000e+00 : f32
    %broadcast_in_dim3A_45 = vector.shape_cast %lt3A_21 : vector<1x512xi1> to vector<1x512xi1>
    %broadcast_in_dim3A_46 = vector.broadcast %broadcast_in_dim3A_45 : vector<1x512xi1> to vector<128x512xi1>
    %broadcast_in_dim3A_47 = vector.broadcast %jit3A : f32 to vector<128x512xf32>
    %select_n3A = arith.select %broadcast_in_dim3A_46, %add3A_38, %broadcast_in_dim3A_47 : vector<128x512xi1>, vector<128x512xf32>
    %reduce_sum3A = arith.constant dense<0.000000e+00> : vector<128xf32>
    %reduce_sum3A_48 = vector.multi_reduction <add>, %select_n3A, %reduce_sum3A [1] : vector<128x512xf32> to vector<128xf32>
    %broadcast_in_dim3A_49 = vector.shape_cast %reduce_sum3A_48 : vector<128xf32> to vector<128x1xf32>
    %add3A_50 = arith.addf %broadcast_in_dim3A_22, %broadcast_in_dim3A_49 : vector<128x1xf32>
    %mul3A_51 = arith.mulf %select_n3A, %select_n3A : vector<128x512xf32>
    %reduce_sum3A_52 = arith.constant dense<0.000000e+00> : vector<128xf32>
    %reduce_sum3A_53 = vector.multi_reduction <add>, %mul3A_51, %reduce_sum3A_52 [1] : vector<128x512xf32> to vector<128xf32>
    %broadcast_in_dim3A_54 = vector.shape_cast %reduce_sum3A_53 : vector<128xf32> to vector<128x1xf32>
    %add3A_55 = arith.addf %broadcast_in_dim3A_24, %broadcast_in_dim3A_54 : vector<128x1xf32>
    %slice3A_56 = vector.extract_strided_slice %convert_element_type3A {offsets = [0, 1, 0], sizes = [512, 1, 128], strides = [1, 1, 1]} : vector<512x16x128xbf16> to vector<512x1x128xbf16>
    %squeeze3A_57 = vector.shape_cast %slice3A_56 : vector<512x1x128xbf16> to vector<512x128xbf16>
    %get3A_58 = arith.constant 0 : index
    %get3A_59 = arith.constant 0 : index
    %get3A_60 = vector.load %arg5[%get3A_58, %get3A_59] : memref<128x128xbf16, #tpu.memory_space<vmem>>, vector<128x128xbf16>
    %dot_general3A_61 = arith.constant dense<0.000000e+00> : vector<128x512xf32>
    %dot_general3A_62 = tpu.matmul %get3A_60, %squeeze3A_57, %dot_general3A_61 {dimension_numbers = #tpu.dot_dimension_numbers<[1], [1], [0], [0], [0, 0, 1, 0], [], []>, transpose_lhs_hint = false} : vector<128x128xbf16>, vector<512x128xbf16>, vector<128x512xf32> -> vector<128x512xf32>
    %slice3A_63 = vector.extract_strided_slice %convert_element_type3A_8 {offsets = [0, 1, 0], sizes = [41, 1, 512], strides = [1, 1, 1]} : vector<41x16x512xbf16> to vector<41x1x512xbf16>
    %squeeze3A_64 = vector.shape_cast %slice3A_63 : vector<41x1x512xbf16> to vector<41x512xbf16>
    %get3A_65 = arith.constant 0 : index
    %get3A_66 = arith.constant 0 : index
    %get3A_67 = vector.load %arg6[%get3A_65, %get3A_66] : memref<128x41xbf16, #tpu.memory_space<vmem>>, vector<128x41xbf16>
    %dot_general3A_68 = arith.constant dense<0.000000e+00> : vector<128x512xf32>
    %dot_general3A_69 = tpu.matmul %get3A_67, %squeeze3A_64, %dot_general3A_68 {dimension_numbers = #tpu.dot_dimension_numbers<[1], [0], [0], [1], [0, 0, 1, 1], [], []>, transpose_lhs_hint = false} : vector<128x41xbf16>, vector<41x512xbf16>, vector<128x512xf32> -> vector<128x512xf32>
    %add3A_70 = arith.addf %dot_general3A_16, %dot_general3A_62 : vector<128x512xf32>
    %add3A_71 = arith.addf %add3A_70, %dot_general3A_69 : vector<128x512xf32>
    %convert_element_type3A_72 = arith.truncf %add3A_71 : vector<128x512xf32> to vector<128x512xbf16>
    %swap3A_73 = arith.constant 0 : index
    %swap3A_74 = arith.constant 1 : index
    %swap3A_75 = arith.constant 0 : index
    %swap3A_76 = vector.load %arg8[%swap3A_73, %swap3A_74, %swap3A_75] : memref<128x16x512xbf16, #tpu.memory_space<vmem>>, vector<128x1x512xbf16>
    %swap3A_77 = vector.shape_cast %swap3A_76 : vector<128x1x512xbf16> to vector<128x512xbf16>
    %swap3A_78 = vector.shape_cast %convert_element_type3A_72 : vector<128x512xbf16> to vector<128x1x512xbf16>
    tpu.vector_store %arg8[%swap3A_73, %swap3A_74, %swap3A_75], %swap3A_78 {strides = array<i32>} : memref<128x16x512xbf16, #tpu.memory_space<vmem>>, vector<128x1x512xbf16>,
    %jit3A_79 = arith.constant 0.000000e+00 : f32
    %broadcast_in_dim3A_80 = vector.shape_cast %lt3A_21 : vector<1x512xi1> to vector<1x512xi1>
    %broadcast_in_dim3A_81 = vector.broadcast %broadcast_in_dim3A_80 : vector<1x512xi1> to vector<128x512xi1>
    %broadcast_in_dim3A_82 = vector.broadcast %jit3A_79 : f32 to vector<128x512xf32>
    %select_n3A_83 = arith.select %broadcast_in_dim3A_81, %add3A_71, %broadcast_in_dim3A_82 : vector<128x512xi1>, vector<128x512xf32>
    %reduce_sum3A_84 = arith.constant dense<0.000000e+00> : vector<128xf32>
    %reduce_sum3A_85 = vector.multi_reduction <add>, %select_n3A_83, %reduce_sum3A_84 [1] : vector<128x512xf32> to vector<128xf32>
    %broadcast_in_dim3A_86 = vector.shape_cast %reduce_sum3A_85 : vector<128xf32> to vector<128x1xf32>
    %add3A_87 = arith.addf %add3A_50, %broadcast_in_dim3A_86 : vector<128x1xf32>
    %mul3A_88 = arith.mulf %select_n3A_83, %select_n3A_83 : vector<128x512xf32>
    %reduce_sum3A_89 = arith.constant dense<0.000000e+00> : vector<128xf32>
    %reduce_sum3A_90 = vector.multi_reduction <add>, %mul3A_88, %reduce_sum3A_89 [1] : vector<128x512xf32> to vector<128xf32>
    %broadcast_in_dim3A_91 = vector.shape_cast %reduce_sum3A_90 : vector<128xf32> to vector<128x1xf32>
    %add3A_92 = arith.addf %add3A_55, %broadcast_in_dim3A_91 : vector<128x1xf32>
    %slice3A_93 = vector.extract_strided_slice %convert_element_type3A {offsets = [0, 2, 0], sizes = [512, 1, 128], strides = [1, 1, 1]} : vector<512x16x128xbf16> to vector<512x1x128xbf16>
    %squeeze3A_94 = vector.shape_cast %slice3A_93 : vector<512x1x128xbf16> to vector<512x128xbf16>
    %get3A_95 = arith.constant 0 : index
    %get3A_96 = arith.constant 0 : index
    %get3A_97 = vector.load %arg5[%get3A_95, %get3A_96] : memref<128x128xbf16, #tpu.memory_space<vmem>>, vector<128x128xbf16>
    %dot_general3A_98 = arith.constant dense<0.000000e+00> : vector<128x512xf32>
    %dot_general3A_99 = tpu.matmul %get3A_97, %squeeze3A_94, %dot_general3A_98 {dimension_numbers = #tpu.dot_dimension_numbers<[1], [1], [0], [0], [0, 0, 1, 0], [], []>, transpose_lhs_hint = false} : vector<128x128xbf16>, vector<512x128xbf16>, vector<128x512xf32> -> vector<128x512xf32>
    %slice3A_100 = vector.extract_strided_slice %convert_element_type3A_8 {offsets = [0, 2, 0], sizes = [41, 1, 512], strides = [1, 1, 1]} : vector<41x16x512xbf16> to vector<41x1x512xbf16>
    %squeeze3A_101 = vector.shape_cast %slice3A_100 : vector<41x1x512xbf16> to vector<41x512xbf16>
    %get3A_102 = arith.constant 0 : index
    %get3A_103 = arith.constant 0 : index
    %get3A_104 = vector.load %arg6[%get3A_102, %get3A_103] : memref<128x41xbf16, #tpu.memory_space<vmem>>, vector<128x41xbf16>
    %dot_general3A_105 = arith.constant dense<0.000000e+00> : vector<128x512xf32>
    %dot_general3A_106 = tpu.matmul %get3A_104, %squeeze3A_101, %dot_general3A_105 {dimension_numbers = #tpu.dot_dimension_numbers<[1], [0], [0], [1], [0, 0, 1, 1], [], []>, transpose_lhs_hint = false} : vector<128x41xbf16>, vector<41x512xbf16>, vector<128x512xf32> -> vector<128x512xf32>
    %add3A_107 = arith.addf %dot_general3A_16, %dot_general3A_99 : vector<128x512xf32>
    %add3A_108 = arith.addf %add3A_107, %dot_general3A_106 : vector<128x512xf32>
    %convert_element_type3A_109 = arith.truncf %add3A_108 : vector<128x512xf32> to vector<128x512xbf16>
    %swap3A_110 = arith.constant 0 : index
    %swap3A_111 = arith.constant 2 : index
    %swap3A_112 = arith.constant 0 : index
    %swap3A_113 = vector.load %arg8[%swap3A_110, %swap3A_111, %swap3A_112] : memref<128x16x512xbf16, #tpu.memory_space<vmem>>, vector<128x1x512xbf16>
    %swap3A_114 = vector.shape_cast %swap3A_113 : vector<128x1x512xbf16> to vector<128x512xbf16>
    %swap3A_115 = vector.shape_cast %convert_element_type3A_109 : vector<128x512xbf16> to vector<128x1x512xbf16>
    tpu.vector_store %arg8[%swap3A_110, %swap3A_111, %swap3A_112], %swap3A_115 {strides = array<i32>} : memref<128x16x512xbf16, #tpu.memory_space<vmem>>, vector<128x1x512xbf16>,
    %jit3A_116 = arith.constant 0.000000e+00 : f32
    %broadcast_in_dim3A_117 = vector.shape_cast %lt3A_21 : vector<1x512xi1> to vector<1x512xi1>
    %broadcast_in_dim3A_118 = vector.broadcast %broadcast_in_dim3A_117 : vector<1x512xi1> to vector<128x512xi1>
    %broadcast_in_dim3A_119 = vector.broadcast %jit3A_116 : f32 to vector<128x512xf32>
    %select_n3A_120 = arith.select %broadcast_in_dim3A_118, %add3A_108, %broadcast_in_dim3A_119 : vector<128x512xi1>, vector<128x512xf32>
    %reduce_sum3A_121 = arith.constant dense<0.000000e+00> : vector<128xf32>
    %reduce_sum3A_122 = vector.multi_reduction <add>, %select_n3A_120, %reduce_sum3A_121 [1] : vector<128x512xf32> to vector<128xf32>
    %broadcast_in_dim3A_123 = vector.shape_cast %reduce_sum3A_122 : vector<128xf32> to vector<128x1xf32>
    %add3A_124 = arith.addf %add3A_87, %broadcast_in_dim3A_123 : vector<128x1xf32>
    %mul3A_125 = arith.mulf %select_n3A_120, %select_n3A_120 : vector<128x512xf32>
    %reduce_sum3A_126 = arith.constant dense<0.000000e+00> : vector<128xf32>
    %reduce_sum3A_127 = vector.multi_reduction <add>, %mul3A_125, %reduce_sum3A_126 [1] : vector<128x512xf32> to vector<128xf32>
    %broadcast_in_dim3A_128 = vector.shape_cast %reduce_sum3A_127 : vector<128xf32> to vector<128x1xf32>
    %add3A_129 = arith.addf %add3A_92, %broadcast_in_dim3A_128 : vector<128x1xf32>
    %slice3A_130 = vector.extract_strided_slice %convert_element_type3A {offsets = [0, 3, 0], sizes = [512, 1, 128], strides = [1, 1, 1]} : vector<512x16x128xbf16> to vector<512x1x128xbf16>
    %squeeze3A_131 = vector.shape_cast %slice3A_130 : vector<512x1x128xbf16> to vector<512x128xbf16>
    %get3A_132 = arith.constant 0 : index
    %get3A_133 = arith.constant 0 : index
    %get3A_134 = vector.load %arg5[%get3A_132, %get3A_133] : memref<128x128xbf16, #tpu.memory_space<vmem>>, vector<128x128xbf16>
    %dot_general3A_135 = arith.constant dense<0.000000e+00> : vector<128x512xf32>
    %dot_general3A_136 = tpu.matmul %get3A_134, %squeeze3A_131, %dot_general3A_135 {dimension_numbers = #tpu.dot_dimension_numbers<[1], [1], [0], [0], [0, 0, 1, 0], [], []>, transpose_lhs_hint = false} : vector<128x128xbf16>, vector<512x128xbf16>, vector<128x512xf32> -> vector<128x512xf32>
    %slice3A_137 = vector.extract_strided_slice %convert_element_type3A_8 {offsets = [0, 3, 0], sizes = [41, 1, 512], strides = [1, 1, 1]} : vector<41x16x512xbf16> to vector<41x1x512xbf16>
    %squeeze3A_138 = vector.shape_cast %slice3A_137 : vector<41x1x512xbf16> to vector<41x512xbf16>
    %get3A_139 = arith.constant 0 : index
    %get3A_140 = arith.constant 0 : index
    %get3A_141 = vector.load %arg6[%get3A_139, %get3A_140] : memref<128x41xbf16, #tpu.memory_space<vmem>>, vector<128x41xbf16>
    %dot_general3A_142 = arith.constant dense<0.000000e+00> : vector<128x512xf32>
    %dot_general3A_143 = tpu.matmul %get3A_141, %squeeze3A_138, %dot_general3A_142 {dimension_numbers = #tpu.dot_dimension_numbers<[1], [0], [0], [1], [0, 0, 1, 1], [], []>, transpose_lhs_hint = false} : vector<128x41xbf16>, vector<41x512xbf16>, vector<128x512xf32> -> vector<128x512xf32>
    %add3A_144 = arith.addf %dot_general3A_16, %dot_general3A_136 : vector<128x512xf32>
    %add3A_145 = arith.addf %add3A_144, %dot_general3A_143 : vector<128x512xf32>
    %convert_element_type3A_146 = arith.truncf %add3A_145 : vector<128x512xf32> to vector<128x512xbf16>
    %swap3A_147 = arith.constant 0 : index
    %swap3A_148 = arith.constant 3 : index
    %swap3A_149 = arith.constant 0 : index
    %swap3A_150 = vector.load %arg8[%swap3A_147, %swap3A_148, %swap3A_149] : memref<128x16x512xbf16, #tpu.memory_space<vmem>>, vector<128x1x512xbf16>
    %swap3A_151 = vector.shape_cast %swap3A_150 : vector<128x1x512xbf16> to vector<128x512xbf16>
    %swap3A_152 = vector.shape_cast %convert_element_type3A_146 : vector<128x512xbf16> to vector<128x1x512xbf16>
    tpu.vector_store %arg8[%swap3A_147, %swap3A_148, %swap3A_149], %swap3A_152 {strides = array<i32>} : memref<128x16x512xbf16, #tpu.memory_space<vmem>>, vector<128x1x512xbf16>,
    %jit3A_153 = arith.constant 0.000000e+00 : f32
    %broadcast_in_dim3A_154 = vector.shape_cast %lt3A_21 : vector<1x512xi1> to vector<1x512xi1>
    %broadcast_in_dim3A_155 = vector.broadcast %broadcast_in_dim3A_154 : vector<1x512xi1> to vector<128x512xi1>
    %broadcast_in_dim3A_156 = vector.broadcast %jit3A_153 : f32 to vector<128x512xf32>
    %select_n3A_157 = arith.select %broadcast_in_dim3A_155, %add3A_145, %broadcast_in_dim3A_156 : vector<128x512xi1>, vector<128x512xf32>
    %reduce_sum3A_158 = arith.constant dense<0.000000e+00> : vector<128xf32>
    %reduce_sum3A_159 = vector.multi_reduction <add>, %select_n3A_157, %reduce_sum3A_158 [1] : vector<128x512xf32> to vector<128xf32>
    %broadcast_in_dim3A_160 = vector.shape_cast %reduce_sum3A_159 : vector<128xf32> to vector<128x1xf32>
    %add3A_161 = arith.addf %add3A_124, %broadcast_in_dim3A_160 : vector<128x1xf32>
    %mul3A_162 = arith.mulf %select_n3A_157, %select_n3A_157 : vector<128x512xf32>
    %reduce_sum3A_163 = arith.constant dense<0.000000e+00> : vector<128xf32>
    %reduce_sum3A_164 = vector.multi_reduction <add>, %mul3A_162, %reduce_sum3A_163 [1] : vector<128x512xf32> to vector<128xf32>
    %broadcast_in_dim3A_165 = vector.shape_cast %reduce_sum3A_164 : vector<128xf32> to vector<128x1xf32>
    %add3A_166 = arith.addf %add3A_129, %broadcast_in_dim3A_165 : vector<128x1xf32>
    %slice3A_167 = vector.extract_strided_slice %convert_element_type3A {offsets = [0, 4, 0], sizes = [512, 1, 128], strides = [1, 1, 1]} : vector<512x16x128xbf16> to vector<512x1x128xbf16>
    %squeeze3A_168 = vector.shape_cast %slice3A_167 : vector<512x1x128xbf16> to vector<512x128xbf16>
    %get3A_169 = arith.constant 0 : index
    %get3A_170 = arith.constant 0 : index
    %get3A_171 = vector.load %arg5[%get3A_169, %get3A_170] : memref<128x128xbf16, #tpu.memory_space<vmem>>, vector<128x128xbf16>
    %dot_general3A_172 = arith.constant dense<0.000000e+00> : vector<128x512xf32>
    %dot_general3A_173 = tpu.matmul %get3A_171, %squeeze3A_168, %dot_general3A_172 {dimension_numbers = #tpu.dot_dimension_numbers<[1], [1], [0], [0], [0, 0, 1, 0], [], []>, transpose_lhs_hint = false} : vector<128x128xbf16>, vector<512x128xbf16>, vector<128x512xf32> -> vector<128x512xf32>
    %slice3A_174 = vector.extract_strided_slice %convert_element_type3A_8 {offsets = [0, 4, 0], sizes = [41, 1, 512], strides = [1, 1, 1]} : vector<41x16x512xbf16> to vector<41x1x512xbf16>
    %squeeze3A_175 = vector.shape_cast %slice3A_174 : vector<41x1x512xbf16> to vector<41x512xbf16>
    %get3A_176 = arith.constant 0 : index
    %get3A_177 = arith.constant 0 : index
    %get3A_178 = vector.load %arg6[%get3A_176, %get3A_177] : memref<128x41xbf16, #tpu.memory_space<vmem>>, vector<128x41xbf16>
    %dot_general3A_179 = arith.constant dense<0.000000e+00> : vector<128x512xf32>
    %dot_general3A_180 = tpu.matmul %get3A_178, %squeeze3A_175, %dot_general3A_179 {dimension_numbers = #tpu.dot_dimension_numbers<[1], [0], [0], [1], [0, 0, 1, 1], [], []>, transpose_lhs_hint = false} : vector<128x41xbf16>, vector<41x512xbf16>, vector<128x512xf32> -> vector<128x512xf32>
    %add3A_181 = arith.addf %dot_general3A_16, %dot_general3A_173 : vector<128x512xf32>
    %add3A_182 = arith.addf %add3A_181, %dot_general3A_180 : vector<128x512xf32>
    %convert_element_type3A_183 = arith.truncf %add3A_182 : vector<128x512xf32> to vector<128x512xbf16>
    %swap3A_184 = arith.constant 0 : index
    %swap3A_185 = arith.constant 4 : index
    %swap3A_186 = arith.constant 0 : index
    %swap3A_187 = vector.load %arg8[%swap3A_184, %swap3A_185, %swap3A_186] : memref<128x16x512xbf16, #tpu.memory_space<vmem>>, vector<128x1x512xbf16>
    %swap3A_188 = vector.shape_cast %swap3A_187 : vector<128x1x512xbf16> to vector<128x512xbf16>
    %swap3A_189 = vector.shape_cast %convert_element_type3A_183 : vector<128x512xbf16> to vector<128x1x512xbf16>
    tpu.vector_store %arg8[%swap3A_184, %swap3A_185, %swap3A_186], %swap3A_189 {strides = array<i32>} : memref<128x16x512xbf16, #tpu.memory_space<vmem>>, vector<128x1x512xbf16>,
    %jit3A_190 = arith.constant 0.000000e+00 : f32
    %broadcast_in_dim3A_191 = vector.shape_cast %lt3A_21 : vector<1x512xi1> to vector<1x512xi1>
    %broadcast_in_dim3A_192 = vector.broadcast %broadcast_in_dim3A_191 : vector<1x512xi1> to vector<128x512xi1>
    %broadcast_in_dim3A_193 = vector.broadcast %jit3A_190 : f32 to vector<128x512xf32>
    %select_n3A_194 = arith.select %broadcast_in_dim3A_192, %add3A_182, %broadcast_in_dim3A_193 : vector<128x512xi1>, vector<128x512xf32>
    %reduce_sum3A_195 = arith.constant dense<0.000000e+00> : vector<128xf32>
    %reduce_sum3A_196 = vector.multi_reduction <add>, %select_n3A_194, %reduce_sum3A_195 [1] : vector<128x512xf32> to vector<128xf32>
    %broadcast_in_dim3A_197 = vector.shape_cast %reduce_sum3A_196 : vector<128xf32> to vector<128x1xf32>
    %add3A_198 = arith.addf %add3A_161, %broadcast_in_dim3A_197 : vector<128x1xf32>
    %mul3A_199 = arith.mulf %select_n3A_194, %select_n3A_194 : vector<128x512xf32>
    %reduce_sum3A_200 = arith.constant dense<0.000000e+00> : vector<128xf32>
    %reduce_sum3A_201 = vector.multi_reduction <add>, %mul3A_199, %reduce_sum3A_200 [1] : vector<128x512xf32> to vector<128xf32>
    %broadcast_in_dim3A_202 = vector.shape_cast %reduce_sum3A_201 : vector<128xf32> to vector<128x1xf32>
    %add3A_203 = arith.addf %add3A_166, %broadcast_in_dim3A_202 : vector<128x1xf32>
    %slice3A_204 = vector.extract_strided_slice %convert_element_type3A {offsets = [0, 5, 0], sizes = [512, 1, 128], strides = [1, 1, 1]} : vector<512x16x128xbf16> to vector<512x1x128xbf16>
    %squeeze3A_205 = vector.shape_cast %slice3A_204 : vector<512x1x128xbf16> to vector<512x128xbf16>
    %get3A_206 = arith.constant 0 : index
    %get3A_207 = arith.constant 0 : index
    %get3A_208 = vector.load %arg5[%get3A_206, %get3A_207] : memref<128x128xbf16, #tpu.memory_space<vmem>>, vector<128x128xbf16>
    %dot_general3A_209 = arith.constant dense<0.000000e+00> : vector<128x512xf32>
    %dot_general3A_210 = tpu.matmul %get3A_208, %squeeze3A_205, %dot_general3A_209 {dimension_numbers = #tpu.dot_dimension_numbers<[1], [1], [0], [0], [0, 0, 1, 0], [], []>, transpose_lhs_hint = false} : vector<128x128xbf16>, vector<512x128xbf16>, vector<128x512xf32> -> vector<128x512xf32>
    %slice3A_211 = vector.extract_strided_slice %convert_element_type3A_8 {offsets = [0, 5, 0], sizes = [41, 1, 512], strides = [1, 1, 1]} : vector<41x16x512xbf16> to vector<41x1x512xbf16>
    %squeeze3A_212 = vector.shape_cast %slice3A_211 : vector<41x1x512xbf16> to vector<41x512xbf16>
    %get3A_213 = arith.constant 0 : index
    %get3A_214 = arith.constant 0 : index
    %get3A_215 = vector.load %arg6[%get3A_213, %get3A_214] : memref<128x41xbf16, #tpu.memory_space<vmem>>, vector<128x41xbf16>
    %dot_general3A_216 = arith.constant dense<0.000000e+00> : vector<128x512xf32>
    %dot_general3A_217 = tpu.matmul %get3A_215, %squeeze3A_212, %dot_general3A_216 {dimension_numbers = #tpu.dot_dimension_numbers<[1], [0], [0], [1], [0, 0, 1, 1], [], []>, transpose_lhs_hint = false} : vector<128x41xbf16>, vector<41x512xbf16>, vector<128x512xf32> -> vector<128x512xf32>
    %add3A_218 = arith.addf %dot_general3A_16, %dot_general3A_210 : vector<128x512xf32>
    %add3A_219 = arith.addf %add3A_218, %dot_general3A_217 : vector<128x512xf32>
    %convert_element_type3A_220 = arith.truncf %add3A_219 : vector<128x512xf32> to vector<128x512xbf16>
    %swap3A_221 = arith.constant 0 : index
    %swap3A_222 = arith.constant 5 : index
    %swap3A_223 = arith.constant 0 : index
    %swap3A_224 = vector.load %arg8[%swap3A_221, %swap3A_222, %swap3A_223] : memref<128x16x512xbf16, #tpu.memory_space<vmem>>, vector<128x1x512xbf16>
    %swap3A_225 = vector.shape_cast %swap3A_224 : vector<128x1x512xbf16> to vector<128x512xbf16>
    %swap3A_226 = vector.shape_cast %convert_element_type3A_220 : vector<128x512xbf16> to vector<128x1x512xbf16>
    tpu.vector_store %arg8[%swap3A_221, %swap3A_222, %swap3A_223], %swap3A_226 {strides = array<i32>} : memref<128x16x512xbf16, #tpu.memory_space<vmem>>, vector<128x1x512xbf16>,
    %jit3A_227 = arith.constant 0.000000e+00 : f32
    %broadcast_in_dim3A_228 = vector.shape_cast %lt3A_21 : vector<1x512xi1> to vector<1x512xi1>
    %broadcast_in_dim3A_229 = vector.broadcast %broadcast_in_dim3A_228 : vector<1x512xi1> to vector<128x512xi1>
    %broadcast_in_dim3A_230 = vector.broadcast %jit3A_227 : f32 to vector<128x512xf32>
    %select_n3A_231 = arith.select %broadcast_in_dim3A_229, %add3A_219, %broadcast_in_dim3A_230 : vector<128x512xi1>, vector<128x512xf32>
    %reduce_sum3A_232 = arith.constant dense<0.000000e+00> : vector<128xf32>
    %reduce_sum3A_233 = vector.multi_reduction <add>, %select_n3A_231, %reduce_sum3A_232 [1] : vector<128x512xf32> to vector<128xf32>
    %broadcast_in_dim3A_234 = vector.shape_cast %reduce_sum3A_233 : vector<128xf32> to vector<128x1xf32>
    %add3A_235 = arith.addf %add3A_198, %broadcast_in_dim3A_234 : vector<128x1xf32>
    %mul3A_236 = arith.mulf %select_n3A_231, %select_n3A_231 : vector<128x512xf32>
    %reduce_sum3A_237 = arith.constant dense<0.000000e+00> : vector<128xf32>
    %reduce_sum3A_238 = vector.multi_reduction <add>, %mul3A_236, %reduce_sum3A_237 [1] : vector<128x512xf32> to vector<128xf32>
    %broadcast_in_dim3A_239 = vector.shape_cast %reduce_sum3A_238 : vector<128xf32> to vector<128x1xf32>
    %add3A_240 = arith.addf %add3A_203, %broadcast_in_dim3A_239 : vector<128x1xf32>
    %slice3A_241 = vector.extract_strided_slice %convert_element_type3A {offsets = [0, 6, 0], sizes = [512, 1, 128], strides = [1, 1, 1]} : vector<512x16x128xbf16> to vector<512x1x128xbf16>
    %squeeze3A_242 = vector.shape_cast %slice3A_241 : vector<512x1x128xbf16> to vector<512x128xbf16>
    %get3A_243 = arith.constant 0 : index
    %get3A_244 = arith.constant 0 : index
    %get3A_245 = vector.load %arg5[%get3A_243, %get3A_244] : memref<128x128xbf16, #tpu.memory_space<vmem>>, vector<128x128xbf16>
    %dot_general3A_246 = arith.constant dense<0.000000e+00> : vector<128x512xf32>
    %dot_general3A_247 = tpu.matmul %get3A_245, %squeeze3A_242, %dot_general3A_246 {dimension_numbers = #tpu.dot_dimension_numbers<[1], [1], [0], [0], [0, 0, 1, 0], [], []>, transpose_lhs_hint = false} : vector<128x128xbf16>, vector<512x128xbf16>, vector<128x512xf32> -> vector<128x512xf32>
    %slice3A_248 = vector.extract_strided_slice %convert_element_type3A_8 {offsets = [0, 6, 0], sizes = [41, 1, 512], strides = [1, 1, 1]} : vector<41x16x512xbf16> to vector<41x1x512xbf16>
    %squeeze3A_249 = vector.shape_cast %slice3A_248 : vector<41x1x512xbf16> to vector<41x512xbf16>
    %get3A_250 = arith.constant 0 : index
    %get3A_251 = arith.constant 0 : index
    %get3A_252 = vector.load %arg6[%get3A_250, %get3A_251] : memref<128x41xbf16, #tpu.memory_space<vmem>>, vector<128x41xbf16>
    %dot_general3A_253 = arith.constant dense<0.000000e+00> : vector<128x512xf32>
    %dot_general3A_254 = tpu.matmul %get3A_252, %squeeze3A_249, %dot_general3A_253 {dimension_numbers = #tpu.dot_dimension_numbers<[1], [0], [0], [1], [0, 0, 1, 1], [], []>, transpose_lhs_hint = false} : vector<128x41xbf16>, vector<41x512xbf16>, vector<128x512xf32> -> vector<128x512xf32>
    %add3A_255 = arith.addf %dot_general3A_16, %dot_general3A_247 : vector<128x512xf32>
    %add3A_256 = arith.addf %add3A_255, %dot_general3A_254 : vector<128x512xf32>
    %convert_element_type3A_257 = arith.truncf %add3A_256 : vector<128x512xf32> to vector<128x512xbf16>
    %swap3A_258 = arith.constant 0 : index
    %swap3A_259 = arith.constant 6 : index
    %swap3A_260 = arith.constant 0 : index
    %swap3A_261 = vector.load %arg8[%swap3A_258, %swap3A_259, %swap3A_260] : memref<128x16x512xbf16, #tpu.memory_space<vmem>>, vector<128x1x512xbf16>
    %swap3A_262 = vector.shape_cast %swap3A_261 : vector<128x1x512xbf16> to vector<128x512xbf16>
    %swap3A_263 = vector.shape_cast %convert_element_type3A_257 : vector<128x512xbf16> to vector<128x1x512xbf16>
    tpu.vector_store %arg8[%swap3A_258, %swap3A_259, %swap3A_260], %swap3A_263 {strides = array<i32>} : memref<128x16x512xbf16, #tpu.memory_space<vmem>>, vector<128x1x512xbf16>,
    %jit3A_264 = arith.constant 0.000000e+00 : f32
    %broadcast_in_dim3A_265 = vector.shape_cast %lt3A_21 : vector<1x512xi1> to vector<1x512xi1>
    %broadcast_in_dim3A_266 = vector.broadcast %broadcast_in_dim3A_265 : vector<1x512xi1> to vector<128x512xi1>
    %broadcast_in_dim3A_267 = vector.broadcast %jit3A_264 : f32 to vector<128x512xf32>
    %select_n3A_268 = arith.select %broadcast_in_dim3A_266, %add3A_256, %broadcast_in_dim3A_267 : vector<128x512xi1>, vector<128x512xf32>
    %reduce_sum3A_269 = arith.constant dense<0.000000e+00> : vector<128xf32>
    %reduce_sum3A_270 = vector.multi_reduction <add>, %select_n3A_268, %reduce_sum3A_269 [1] : vector<128x512xf32> to vector<128xf32>
    %broadcast_in_dim3A_271 = vector.shape_cast %reduce_sum3A_270 : vector<128xf32> to vector<128x1xf32>
    %add3A_272 = arith.addf %add3A_235, %broadcast_in_dim3A_271 : vector<128x1xf32>
    %mul3A_273 = arith.mulf %select_n3A_268, %select_n3A_268 : vector<128x512xf32>
    %reduce_sum3A_274 = arith.constant dense<0.000000e+00> : vector<128xf32>
    %reduce_sum3A_275 = vector.multi_reduction <add>, %mul3A_273, %reduce_sum3A_274 [1] : vector<128x512xf32> to vector<128xf32>
    %broadcast_in_dim3A_276 = vector.shape_cast %reduce_sum3A_275 : vector<128xf32> to vector<128x1xf32>
    %add3A_277 = arith.addf %add3A_240, %broadcast_in_dim3A_276 : vector<128x1xf32>
    %slice3A_278 = vector.extract_strided_slice %convert_element_type3A {offsets = [0, 7, 0], sizes = [512, 1, 128], strides = [1, 1, 1]} : vector<512x16x128xbf16> to vector<512x1x128xbf16>
    %squeeze3A_279 = vector.shape_cast %slice3A_278 : vector<512x1x128xbf16> to vector<512x128xbf16>
    %get3A_280 = arith.constant 0 : index
    %get3A_281 = arith.constant 0 : index
    %get3A_282 = vector.load %arg5[%get3A_280, %get3A_281] : memref<128x128xbf16, #tpu.memory_space<vmem>>, vector<128x128xbf16>
    %dot_general3A_283 = arith.constant dense<0.000000e+00> : vector<128x512xf32>
    %dot_general3A_284 = tpu.matmul %get3A_282, %squeeze3A_279, %dot_general3A_283 {dimension_numbers = #tpu.dot_dimension_numbers<[1], [1], [0], [0], [0, 0, 1, 0], [], []>, transpose_lhs_hint = false} : vector<128x128xbf16>, vector<512x128xbf16>, vector<128x512xf32> -> vector<128x512xf32>
    %slice3A_285 = vector.extract_strided_slice %convert_element_type3A_8 {offsets = [0, 7, 0], sizes = [41, 1, 512], strides = [1, 1, 1]} : vector<41x16x512xbf16> to vector<41x1x512xbf16>
    %squeeze3A_286 = vector.shape_cast %slice3A_285 : vector<41x1x512xbf16> to vector<41x512xbf16>
    %get3A_287 = arith.constant 0 : index
    %get3A_288 = arith.constant 0 : index
    %get3A_289 = vector.load %arg6[%get3A_287, %get3A_288] : memref<128x41xbf16, #tpu.memory_space<vmem>>, vector<128x41xbf16>
    %dot_general3A_290 = arith.constant dense<0.000000e+00> : vector<128x512xf32>
    %dot_general3A_291 = tpu.matmul %get3A_289, %squeeze3A_286, %dot_general3A_290 {dimension_numbers = #tpu.dot_dimension_numbers<[1], [0], [0], [1], [0, 0, 1, 1], [], []>, transpose_lhs_hint = false} : vector<128x41xbf16>, vector<41x512xbf16>, vector<128x512xf32> -> vector<128x512xf32>
    %add3A_292 = arith.addf %dot_general3A_16, %dot_general3A_284 : vector<128x512xf32>
    %add3A_293 = arith.addf %add3A_292, %dot_general3A_291 : vector<128x512xf32>
    %convert_element_type3A_294 = arith.truncf %add3A_293 : vector<128x512xf32> to vector<128x512xbf16>
    %swap3A_295 = arith.constant 0 : index
    %swap3A_296 = arith.constant 7 : index
    %swap3A_297 = arith.constant 0 : index
    %swap3A_298 = vector.load %arg8[%swap3A_295, %swap3A_296, %swap3A_297] : memref<128x16x512xbf16, #tpu.memory_space<vmem>>, vector<128x1x512xbf16>
    %swap3A_299 = vector.shape_cast %swap3A_298 : vector<128x1x512xbf16> to vector<128x512xbf16>
    %swap3A_300 = vector.shape_cast %convert_element_type3A_294 : vector<128x512xbf16> to vector<128x1x512xbf16>
    tpu.vector_store %arg8[%swap3A_295, %swap3A_296, %swap3A_297], %swap3A_300 {strides = array<i32>} : memref<128x16x512xbf16, #tpu.memory_space<vmem>>, vector<128x1x512xbf16>,
    %jit3A_301 = arith.constant 0.000000e+00 : f32
    %broadcast_in_dim3A_302 = vector.shape_cast %lt3A_21 : vector<1x512xi1> to vector<1x512xi1>
    %broadcast_in_dim3A_303 = vector.broadcast %broadcast_in_dim3A_302 : vector<1x512xi1> to vector<128x512xi1>
    %broadcast_in_dim3A_304 = vector.broadcast %jit3A_301 : f32 to vector<128x512xf32>
    %select_n3A_305 = arith.select %broadcast_in_dim3A_303, %add3A_293, %broadcast_in_dim3A_304 : vector<128x512xi1>, vector<128x512xf32>
    %reduce_sum3A_306 = arith.constant dense<0.000000e+00> : vector<128xf32>
    %reduce_sum3A_307 = vector.multi_reduction <add>, %select_n3A_305, %reduce_sum3A_306 [1] : vector<128x512xf32> to vector<128xf32>
    %broadcast_in_dim3A_308 = vector.shape_cast %reduce_sum3A_307 : vector<128xf32> to vector<128x1xf32>
    %add3A_309 = arith.addf %add3A_272, %broadcast_in_dim3A_308 : vector<128x1xf32>
    %mul3A_310 = arith.mulf %select_n3A_305, %select_n3A_305 : vector<128x512xf32>
    %reduce_sum3A_311 = arith.constant dense<0.000000e+00> : vector<128xf32>
    %reduce_sum3A_312 = vector.multi_reduction <add>, %mul3A_310, %reduce_sum3A_311 [1] : vector<128x512xf32> to vector<128xf32>
    %broadcast_in_dim3A_313 = vector.shape_cast %reduce_sum3A_312 : vector<128xf32> to vector<128x1xf32>
    %add3A_314 = arith.addf %add3A_277, %broadcast_in_dim3A_313 : vector<128x1xf32>
    %slice3A_315 = vector.extract_strided_slice %convert_element_type3A {offsets = [0, 8, 0], sizes = [512, 1, 128], strides = [1, 1, 1]} : vector<512x16x128xbf16> to vector<512x1x128xbf16>
    %squeeze3A_316 = vector.shape_cast %slice3A_315 : vector<512x1x128xbf16> to vector<512x128xbf16>
    %get3A_317 = arith.constant 0 : index
    %get3A_318 = arith.constant 0 : index
    %get3A_319 = vector.load %arg5[%get3A_317, %get3A_318] : memref<128x128xbf16, #tpu.memory_space<vmem>>, vector<128x128xbf16>
    %dot_general3A_320 = arith.constant dense<0.000000e+00> : vector<128x512xf32>
    %dot_general3A_321 = tpu.matmul %get3A_319, %squeeze3A_316, %dot_general3A_320 {dimension_numbers = #tpu.dot_dimension_numbers<[1], [1], [0], [0], [0, 0, 1, 0], [], []>, transpose_lhs_hint = false} : vector<128x128xbf16>, vector<512x128xbf16>, vector<128x512xf32> -> vector<128x512xf32>
    %slice3A_322 = vector.extract_strided_slice %convert_element_type3A_8 {offsets = [0, 8, 0], sizes = [41, 1, 512], strides = [1, 1, 1]} : vector<41x16x512xbf16> to vector<41x1x512xbf16>
    %squeeze3A_323 = vector.shape_cast %slice3A_322 : vector<41x1x512xbf16> to vector<41x512xbf16>
    %get3A_324 = arith.constant 0 : index
    %get3A_325 = arith.constant 0 : index
    %get3A_326 = vector.load %arg6[%get3A_324, %get3A_325] : memref<128x41xbf16, #tpu.memory_space<vmem>>, vector<128x41xbf16>
    %dot_general3A_327 = arith.constant dense<0.000000e+00> : vector<128x512xf32>
    %dot_general3A_328 = tpu.matmul %get3A_326, %squeeze3A_323, %dot_general3A_327 {dimension_numbers = #tpu.dot_dimension_numbers<[1], [0], [0], [1], [0, 0, 1, 1], [], []>, transpose_lhs_hint = false} : vector<128x41xbf16>, vector<41x512xbf16>, vector<128x512xf32> -> vector<128x512xf32>
    %add3A_329 = arith.addf %dot_general3A_16, %dot_general3A_321 : vector<128x512xf32>
    %add3A_330 = arith.addf %add3A_329, %dot_general3A_328 : vector<128x512xf32>
    %convert_element_type3A_331 = arith.truncf %add3A_330 : vector<128x512xf32> to vector<128x512xbf16>
    %swap3A_332 = arith.constant 0 : index
    %swap3A_333 = arith.constant 8 : index
    %swap3A_334 = arith.constant 0 : index
    %swap3A_335 = vector.load %arg8[%swap3A_332, %swap3A_333, %swap3A_334] : memref<128x16x512xbf16, #tpu.memory_space<vmem>>, vector<128x1x512xbf16>
    %swap3A_336 = vector.shape_cast %swap3A_335 : vector<128x1x512xbf16> to vector<128x512xbf16>
    %swap3A_337 = vector.shape_cast %convert_element_type3A_331 : vector<128x512xbf16> to vector<128x1x512xbf16>
    tpu.vector_store %arg8[%swap3A_332, %swap3A_333, %swap3A_334], %swap3A_337 {strides = array<i32>} : memref<128x16x512xbf16, #tpu.memory_space<vmem>>, vector<128x1x512xbf16>,
    %jit3A_338 = arith.constant 0.000000e+00 : f32
    %broadcast_in_dim3A_339 = vector.shape_cast %lt3A_21 : vector<1x512xi1> to vector<1x512xi1>
    %broadcast_in_dim3A_340 = vector.broadcast %broadcast_in_dim3A_339 : vector<1x512xi1> to vector<128x512xi1>
    %broadcast_in_dim3A_341 = vector.broadcast %jit3A_338 : f32 to vector<128x512xf32>
    %select_n3A_342 = arith.select %broadcast_in_dim3A_340, %add3A_330, %broadcast_in_dim3A_341 : vector<128x512xi1>, vector<128x512xf32>
    %reduce_sum3A_343 = arith.constant dense<0.000000e+00> : vector<128xf32>
    %reduce_sum3A_344 = vector.multi_reduction <add>, %select_n3A_342, %reduce_sum3A_343 [1] : vector<128x512xf32> to vector<128xf32>
    %broadcast_in_dim3A_345 = vector.shape_cast %reduce_sum3A_344 : vector<128xf32> to vector<128x1xf32>
    %add3A_346 = arith.addf %add3A_309, %broadcast_in_dim3A_345 : vector<128x1xf32>
    %mul3A_347 = arith.mulf %select_n3A_342, %select_n3A_342 : vector<128x512xf32>
    %reduce_sum3A_348 = arith.constant dense<0.000000e+00> : vector<128xf32>
    %reduce_sum3A_349 = vector.multi_reduction <add>, %mul3A_347, %reduce_sum3A_348 [1] : vector<128x512xf32> to vector<128xf32>
    %broadcast_in_dim3A_350 = vector.shape_cast %reduce_sum3A_349 : vector<128xf32> to vector<128x1xf32>
    %add3A_351 = arith.addf %add3A_314, %broadcast_in_dim3A_350 : vector<128x1xf32>
    %slice3A_352 = vector.extract_strided_slice %convert_element_type3A {offsets = [0, 9, 0], sizes = [512, 1, 128], strides = [1, 1, 1]} : vector<512x16x128xbf16> to vector<512x1x128xbf16>
    %squeeze3A_353 = vector.shape_cast %slice3A_352 : vector<512x1x128xbf16> to vector<512x128xbf16>
    %get3A_354 = arith.constant 0 : index
    %get3A_355 = arith.constant 0 : index
    %get3A_356 = vector.load %arg5[%get3A_354, %get3A_355] : memref<128x128xbf16, #tpu.memory_space<vmem>>, vector<128x128xbf16>
    %dot_general3A_357 = arith.constant dense<0.000000e+00> : vector<128x512xf32>
    %dot_general3A_358 = tpu.matmul %get3A_356, %squeeze3A_353, %dot_general3A_357 {dimension_numbers = #tpu.dot_dimension_numbers<[1], [1], [0], [0], [0, 0, 1, 0], [], []>, transpose_lhs_hint = false} : vector<128x128xbf16>, vector<512x128xbf16>, vector<128x512xf32> -> vector<128x512xf32>
    %slice3A_359 = vector.extract_strided_slice %convert_element_type3A_8 {offsets = [0, 9, 0], sizes = [41, 1, 512], strides = [1, 1, 1]} : vector<41x16x512xbf16> to vector<41x1x512xbf16>
    %squeeze3A_360 = vector.shape_cast %slice3A_359 : vector<41x1x512xbf16> to vector<41x512xbf16>
    %get3A_361 = arith.constant 0 : index
    %get3A_362 = arith.constant 0 : index
    %get3A_363 = vector.load %arg6[%get3A_361, %get3A_362] : memref<128x41xbf16, #tpu.memory_space<vmem>>, vector<128x41xbf16>
    %dot_general3A_364 = arith.constant dense<0.000000e+00> : vector<128x512xf32>
    %dot_general3A_365 = tpu.matmul %get3A_363, %squeeze3A_360, %dot_general3A_364 {dimension_numbers = #tpu.dot_dimension_numbers<[1], [0], [0], [1], [0, 0, 1, 1], [], []>, transpose_lhs_hint = false} : vector<128x41xbf16>, vector<41x512xbf16>, vector<128x512xf32> -> vector<128x512xf32>
    %add3A_366 = arith.addf %dot_general3A_16, %dot_general3A_358 : vector<128x512xf32>
    %add3A_367 = arith.addf %add3A_366, %dot_general3A_365 : vector<128x512xf32>
    %convert_element_type3A_368 = arith.truncf %add3A_367 : vector<128x512xf32> to vector<128x512xbf16>
    %swap3A_369 = arith.constant 0 : index
    %swap3A_370 = arith.constant 9 : index
    %swap3A_371 = arith.constant 0 : index
    %swap3A_372 = vector.load %arg8[%swap3A_369, %swap3A_370, %swap3A_371] : memref<128x16x512xbf16, #tpu.memory_space<vmem>>, vector<128x1x512xbf16>
    %swap3A_373 = vector.shape_cast %swap3A_372 : vector<128x1x512xbf16> to vector<128x512xbf16>
    %swap3A_374 = vector.shape_cast %convert_element_type3A_368 : vector<128x512xbf16> to vector<128x1x512xbf16>
    tpu.vector_store %arg8[%swap3A_369, %swap3A_370, %swap3A_371], %swap3A_374 {strides = array<i32>} : memref<128x16x512xbf16, #tpu.memory_space<vmem>>, vector<128x1x512xbf16>,
    %jit3A_375 = arith.constant 0.000000e+00 : f32
    %broadcast_in_dim3A_376 = vector.shape_cast %lt3A_21 : vector<1x512xi1> to vector<1x512xi1>
    %broadcast_in_dim3A_377 = vector.broadcast %broadcast_in_dim3A_376 : vector<1x512xi1> to vector<128x512xi1>
    %broadcast_in_dim3A_378 = vector.broadcast %jit3A_375 : f32 to vector<128x512xf32>
    %select_n3A_379 = arith.select %broadcast_in_dim3A_377, %add3A_367, %broadcast_in_dim3A_378 : vector<128x512xi1>, vector<128x512xf32>
    %reduce_sum3A_380 = arith.constant dense<0.000000e+00> : vector<128xf32>
    %reduce_sum3A_381 = vector.multi_reduction <add>, %select_n3A_379, %reduce_sum3A_380 [1] : vector<128x512xf32> to vector<128xf32>
    %broadcast_in_dim3A_382 = vector.shape_cast %reduce_sum3A_381 : vector<128xf32> to vector<128x1xf32>
    %add3A_383 = arith.addf %add3A_346, %broadcast_in_dim3A_382 : vector<128x1xf32>
    %mul3A_384 = arith.mulf %select_n3A_379, %select_n3A_379 : vector<128x512xf32>
    %reduce_sum3A_385 = arith.constant dense<0.000000e+00> : vector<128xf32>
    %reduce_sum3A_386 = vector.multi_reduction <add>, %mul3A_384, %reduce_sum3A_385 [1] : vector<128x512xf32> to vector<128xf32>
    %broadcast_in_dim3A_387 = vector.shape_cast %reduce_sum3A_386 : vector<128xf32> to vector<128x1xf32>
    %add3A_388 = arith.addf %add3A_351, %broadcast_in_dim3A_387 : vector<128x1xf32>
    %slice3A_389 = vector.extract_strided_slice %convert_element_type3A {offsets = [0, 10, 0], sizes = [512, 1, 128], strides = [1, 1, 1]} : vector<512x16x128xbf16> to vector<512x1x128xbf16>
    %squeeze3A_390 = vector.shape_cast %slice3A_389 : vector<512x1x128xbf16> to vector<512x128xbf16>
    %get3A_391 = arith.constant 0 : index
    %get3A_392 = arith.constant 0 : index
    %get3A_393 = vector.load %arg5[%get3A_391, %get3A_392] : memref<128x128xbf16, #tpu.memory_space<vmem>>, vector<128x128xbf16>
    %dot_general3A_394 = arith.constant dense<0.000000e+00> : vector<128x512xf32>
    %dot_general3A_395 = tpu.matmul %get3A_393, %squeeze3A_390, %dot_general3A_394 {dimension_numbers = #tpu.dot_dimension_numbers<[1], [1], [0], [0], [0, 0, 1, 0], [], []>, transpose_lhs_hint = false} : vector<128x128xbf16>, vector<512x128xbf16>, vector<128x512xf32> -> vector<128x512xf32>
    %slice3A_396 = vector.extract_strided_slice %convert_element_type3A_8 {offsets = [0, 10, 0], sizes = [41, 1, 512], strides = [1, 1, 1]} : vector<41x16x512xbf16> to vector<41x1x512xbf16>
    %squeeze3A_397 = vector.shape_cast %slice3A_396 : vector<41x1x512xbf16> to vector<41x512xbf16>
    %get3A_398 = arith.constant 0 : index
    %get3A_399 = arith.constant 0 : index
    %get3A_400 = vector.load %arg6[%get3A_398, %get3A_399] : memref<128x41xbf16, #tpu.memory_space<vmem>>, vector<128x41xbf16>
    %dot_general3A_401 = arith.constant dense<0.000000e+00> : vector<128x512xf32>
    %dot_general3A_402 = tpu.matmul %get3A_400, %squeeze3A_397, %dot_general3A_401 {dimension_numbers = #tpu.dot_dimension_numbers<[1], [0], [0], [1], [0, 0, 1, 1], [], []>, transpose_lhs_hint = false} : vector<128x41xbf16>, vector<41x512xbf16>, vector<128x512xf32> -> vector<128x512xf32>
    %add3A_403 = arith.addf %dot_general3A_16, %dot_general3A_395 : vector<128x512xf32>
    %add3A_404 = arith.addf %add3A_403, %dot_general3A_402 : vector<128x512xf32>
    %convert_element_type3A_405 = arith.truncf %add3A_404 : vector<128x512xf32> to vector<128x512xbf16>
    %swap3A_406 = arith.constant 0 : index
    %swap3A_407 = arith.constant 10 : index
    %swap3A_408 = arith.constant 0 : index
    %swap3A_409 = vector.load %arg8[%swap3A_406, %swap3A_407, %swap3A_408] : memref<128x16x512xbf16, #tpu.memory_space<vmem>>, vector<128x1x512xbf16>
    %swap3A_410 = vector.shape_cast %swap3A_409 : vector<128x1x512xbf16> to vector<128x512xbf16>
    %swap3A_411 = vector.shape_cast %convert_element_type3A_405 : vector<128x512xbf16> to vector<128x1x512xbf16>
    tpu.vector_store %arg8[%swap3A_406, %swap3A_407, %swap3A_408], %swap3A_411 {strides = array<i32>} : memref<128x16x512xbf16, #tpu.memory_space<vmem>>, vector<128x1x512xbf16>,
    %jit3A_412 = arith.constant 0.000000e+00 : f32
    %broadcast_in_dim3A_413 = vector.shape_cast %lt3A_21 : vector<1x512xi1> to vector<1x512xi1>
    %broadcast_in_dim3A_414 = vector.broadcast %broadcast_in_dim3A_413 : vector<1x512xi1> to vector<128x512xi1>
    %broadcast_in_dim3A_415 = vector.broadcast %jit3A_412 : f32 to vector<128x512xf32>
    %select_n3A_416 = arith.select %broadcast_in_dim3A_414, %add3A_404, %broadcast_in_dim3A_415 : vector<128x512xi1>, vector<128x512xf32>
    %reduce_sum3A_417 = arith.constant dense<0.000000e+00> : vector<128xf32>
    %reduce_sum3A_418 = vector.multi_reduction <add>, %select_n3A_416, %reduce_sum3A_417 [1] : vector<128x512xf32> to vector<128xf32>
    %broadcast_in_dim3A_419 = vector.shape_cast %reduce_sum3A_418 : vector<128xf32> to vector<128x1xf32>
    %add3A_420 = arith.addf %add3A_383, %broadcast_in_dim3A_419 : vector<128x1xf32>
    %mul3A_421 = arith.mulf %select_n3A_416, %select_n3A_416 : vector<128x512xf32>
    %reduce_sum3A_422 = arith.constant dense<0.000000e+00> : vector<128xf32>
    %reduce_sum3A_423 = vector.multi_reduction <add>, %mul3A_421, %reduce_sum3A_422 [1] : vector<128x512xf32> to vector<128xf32>
    %broadcast_in_dim3A_424 = vector.shape_cast %reduce_sum3A_423 : vector<128xf32> to vector<128x1xf32>
    %add3A_425 = arith.addf %add3A_388, %broadcast_in_dim3A_424 : vector<128x1xf32>
    %slice3A_426 = vector.extract_strided_slice %convert_element_type3A {offsets = [0, 11, 0], sizes = [512, 1, 128], strides = [1, 1, 1]} : vector<512x16x128xbf16> to vector<512x1x128xbf16>
    %squeeze3A_427 = vector.shape_cast %slice3A_426 : vector<512x1x128xbf16> to vector<512x128xbf16>
    %get3A_428 = arith.constant 0 : index
    %get3A_429 = arith.constant 0 : index
    %get3A_430 = vector.load %arg5[%get3A_428, %get3A_429] : memref<128x128xbf16, #tpu.memory_space<vmem>>, vector<128x128xbf16>
    %dot_general3A_431 = arith.constant dense<0.000000e+00> : vector<128x512xf32>
    %dot_general3A_432 = tpu.matmul %get3A_430, %squeeze3A_427, %dot_general3A_431 {dimension_numbers = #tpu.dot_dimension_numbers<[1], [1], [0], [0], [0, 0, 1, 0], [], []>, transpose_lhs_hint = false} : vector<128x128xbf16>, vector<512x128xbf16>, vector<128x512xf32> -> vector<128x512xf32>
    %slice3A_433 = vector.extract_strided_slice %convert_element_type3A_8 {offsets = [0, 11, 0], sizes = [41, 1, 512], strides = [1, 1, 1]} : vector<41x16x512xbf16> to vector<41x1x512xbf16>
    %squeeze3A_434 = vector.shape_cast %slice3A_433 : vector<41x1x512xbf16> to vector<41x512xbf16>
    %get3A_435 = arith.constant 0 : index
    %get3A_436 = arith.constant 0 : index
    %get3A_437 = vector.load %arg6[%get3A_435, %get3A_436] : memref<128x41xbf16, #tpu.memory_space<vmem>>, vector<128x41xbf16>
    %dot_general3A_438 = arith.constant dense<0.000000e+00> : vector<128x512xf32>
    %dot_general3A_439 = tpu.matmul %get3A_437, %squeeze3A_434, %dot_general3A_438 {dimension_numbers = #tpu.dot_dimension_numbers<[1], [0], [0], [1], [0, 0, 1, 1], [], []>, transpose_lhs_hint = false} : vector<128x41xbf16>, vector<41x512xbf16>, vector<128x512xf32> -> vector<128x512xf32>
    %add3A_440 = arith.addf %dot_general3A_16, %dot_general3A_432 : vector<128x512xf32>
    %add3A_441 = arith.addf %add3A_440, %dot_general3A_439 : vector<128x512xf32>
    %convert_element_type3A_442 = arith.truncf %add3A_441 : vector<128x512xf32> to vector<128x512xbf16>
    %swap3A_443 = arith.constant 0 : index
    %swap3A_444 = arith.constant 11 : index
    %swap3A_445 = arith.constant 0 : index
    %swap3A_446 = vector.load %arg8[%swap3A_443, %swap3A_444, %swap3A_445] : memref<128x16x512xbf16, #tpu.memory_space<vmem>>, vector<128x1x512xbf16>
    %swap3A_447 = vector.shape_cast %swap3A_446 : vector<128x1x512xbf16> to vector<128x512xbf16>
    %swap3A_448 = vector.shape_cast %convert_element_type3A_442 : vector<128x512xbf16> to vector<128x1x512xbf16>
    tpu.vector_store %arg8[%swap3A_443, %swap3A_444, %swap3A_445], %swap3A_448 {strides = array<i32>} : memref<128x16x512xbf16, #tpu.memory_space<vmem>>, vector<128x1x512xbf16>,
    %jit3A_449 = arith.constant 0.000000e+00 : f32
    %broadcast_in_dim3A_450 = vector.shape_cast %lt3A_21 : vector<1x512xi1> to vector<1x512xi1>
    %broadcast_in_dim3A_451 = vector.broadcast %broadcast_in_dim3A_450 : vector<1x512xi1> to vector<128x512xi1>
    %broadcast_in_dim3A_452 = vector.broadcast %jit3A_449 : f32 to vector<128x512xf32>
    %select_n3A_453 = arith.select %broadcast_in_dim3A_451, %add3A_441, %broadcast_in_dim3A_452 : vector<128x512xi1>, vector<128x512xf32>
    %reduce_sum3A_454 = arith.constant dense<0.000000e+00> : vector<128xf32>
    %reduce_sum3A_455 = vector.multi_reduction <add>, %select_n3A_453, %reduce_sum3A_454 [1] : vector<128x512xf32> to vector<128xf32>
    %broadcast_in_dim3A_456 = vector.shape_cast %reduce_sum3A_455 : vector<128xf32> to vector<128x1xf32>
    %add3A_457 = arith.addf %add3A_420, %broadcast_in_dim3A_456 : vector<128x1xf32>
    %mul3A_458 = arith.mulf %select_n3A_453, %select_n3A_453 : vector<128x512xf32>
    %reduce_sum3A_459 = arith.constant dense<0.000000e+00> : vector<128xf32>
    %reduce_sum3A_460 = vector.multi_reduction <add>, %mul3A_458, %reduce_sum3A_459 [1] : vector<128x512xf32> to vector<128xf32>
    %broadcast_in_dim3A_461 = vector.shape_cast %reduce_sum3A_460 : vector<128xf32> to vector<128x1xf32>
    %add3A_462 = arith.addf %add3A_425, %broadcast_in_dim3A_461 : vector<128x1xf32>
    %slice3A_463 = vector.extract_strided_slice %convert_element_type3A {offsets = [0, 12, 0], sizes = [512, 1, 128], strides = [1, 1, 1]} : vector<512x16x128xbf16> to vector<512x1x128xbf16>
    %squeeze3A_464 = vector.shape_cast %slice3A_463 : vector<512x1x128xbf16> to vector<512x128xbf16>
    %get3A_465 = arith.constant 0 : index
    %get3A_466 = arith.constant 0 : index
    %get3A_467 = vector.load %arg5[%get3A_465, %get3A_466] : memref<128x128xbf16, #tpu.memory_space<vmem>>, vector<128x128xbf16>
    %dot_general3A_468 = arith.constant dense<0.000000e+00> : vector<128x512xf32>
    %dot_general3A_469 = tpu.matmul %get3A_467, %squeeze3A_464, %dot_general3A_468 {dimension_numbers = #tpu.dot_dimension_numbers<[1], [1], [0], [0], [0, 0, 1, 0], [], []>, transpose_lhs_hint = false} : vector<128x128xbf16>, vector<512x128xbf16>, vector<128x512xf32> -> vector<128x512xf32>
    %slice3A_470 = vector.extract_strided_slice %convert_element_type3A_8 {offsets = [0, 12, 0], sizes = [41, 1, 512], strides = [1, 1, 1]} : vector<41x16x512xbf16> to vector<41x1x512xbf16>
    %squeeze3A_471 = vector.shape_cast %slice3A_470 : vector<41x1x512xbf16> to vector<41x512xbf16>
    %get3A_472 = arith.constant 0 : index
    %get3A_473 = arith.constant 0 : index
    %get3A_474 = vector.load %arg6[%get3A_472, %get3A_473] : memref<128x41xbf16, #tpu.memory_space<vmem>>, vector<128x41xbf16>
    %dot_general3A_475 = arith.constant dense<0.000000e+00> : vector<128x512xf32>
    %dot_general3A_476 = tpu.matmul %get3A_474, %squeeze3A_471, %dot_general3A_475 {dimension_numbers = #tpu.dot_dimension_numbers<[1], [0], [0], [1], [0, 0, 1, 1], [], []>, transpose_lhs_hint = false} : vector<128x41xbf16>, vector<41x512xbf16>, vector<128x512xf32> -> vector<128x512xf32>
    %add3A_477 = arith.addf %dot_general3A_16, %dot_general3A_469 : vector<128x512xf32>
    %add3A_478 = arith.addf %add3A_477, %dot_general3A_476 : vector<128x512xf32>
    %convert_element_type3A_479 = arith.truncf %add3A_478 : vector<128x512xf32> to vector<128x512xbf16>
    %swap3A_480 = arith.constant 0 : index
    %swap3A_481 = arith.constant 12 : index
    %swap3A_482 = arith.constant 0 : index
    %swap3A_483 = vector.load %arg8[%swap3A_480, %swap3A_481, %swap3A_482] : memref<128x16x512xbf16, #tpu.memory_space<vmem>>, vector<128x1x512xbf16>
    %swap3A_484 = vector.shape_cast %swap3A_483 : vector<128x1x512xbf16> to vector<128x512xbf16>
    %swap3A_485 = vector.shape_cast %convert_element_type3A_479 : vector<128x512xbf16> to vector<128x1x512xbf16>
    tpu.vector_store %arg8[%swap3A_480, %swap3A_481, %swap3A_482], %swap3A_485 {strides = array<i32>} : memref<128x16x512xbf16, #tpu.memory_space<vmem>>, vector<128x1x512xbf16>,
    %jit3A_486 = arith.constant 0.000000e+00 : f32
    %broadcast_in_dim3A_487 = vector.shape_cast %lt3A_21 : vector<1x512xi1> to vector<1x512xi1>
    %broadcast_in_dim3A_488 = vector.broadcast %broadcast_in_dim3A_487 : vector<1x512xi1> to vector<128x512xi1>
    %broadcast_in_dim3A_489 = vector.broadcast %jit3A_486 : f32 to vector<128x512xf32>
    %select_n3A_490 = arith.select %broadcast_in_dim3A_488, %add3A_478, %broadcast_in_dim3A_489 : vector<128x512xi1>, vector<128x512xf32>
    %reduce_sum3A_491 = arith.constant dense<0.000000e+00> : vector<128xf32>
    %reduce_sum3A_492 = vector.multi_reduction <add>, %select_n3A_490, %reduce_sum3A_491 [1] : vector<128x512xf32> to vector<128xf32>
    %broadcast_in_dim3A_493 = vector.shape_cast %reduce_sum3A_492 : vector<128xf32> to vector<128x1xf32>
    %add3A_494 = arith.addf %add3A_457, %broadcast_in_dim3A_493 : vector<128x1xf32>
    %mul3A_495 = arith.mulf %select_n3A_490, %select_n3A_490 : vector<128x512xf32>
    %reduce_sum3A_496 = arith.constant dense<0.000000e+00> : vector<128xf32>
    %reduce_sum3A_497 = vector.multi_reduction <add>, %mul3A_495, %reduce_sum3A_496 [1] : vector<128x512xf32> to vector<128xf32>
    %broadcast_in_dim3A_498 = vector.shape_cast %reduce_sum3A_497 : vector<128xf32> to vector<128x1xf32>
    %add3A_499 = arith.addf %add3A_462, %broadcast_in_dim3A_498 : vector<128x1xf32>
    %slice3A_500 = vector.extract_strided_slice %convert_element_type3A {offsets = [0, 13, 0], sizes = [512, 1, 128], strides = [1, 1, 1]} : vector<512x16x128xbf16> to vector<512x1x128xbf16>
    %squeeze3A_501 = vector.shape_cast %slice3A_500 : vector<512x1x128xbf16> to vector<512x128xbf16>
    %get3A_502 = arith.constant 0 : index
    %get3A_503 = arith.constant 0 : index
    %get3A_504 = vector.load %arg5[%get3A_502, %get3A_503] : memref<128x128xbf16, #tpu.memory_space<vmem>>, vector<128x128xbf16>
    %dot_general3A_505 = arith.constant dense<0.000000e+00> : vector<128x512xf32>
    %dot_general3A_506 = tpu.matmul %get3A_504, %squeeze3A_501, %dot_general3A_505 {dimension_numbers = #tpu.dot_dimension_numbers<[1], [1], [0], [0], [0, 0, 1, 0], [], []>, transpose_lhs_hint = false} : vector<128x128xbf16>, vector<512x128xbf16>, vector<128x512xf32> -> vector<128x512xf32>
    %slice3A_507 = vector.extract_strided_slice %convert_element_type3A_8 {offsets = [0, 13, 0], sizes = [41, 1, 512], strides = [1, 1, 1]} : vector<41x16x512xbf16> to vector<41x1x512xbf16>
    %squeeze3A_508 = vector.shape_cast %slice3A_507 : vector<41x1x512xbf16> to vector<41x512xbf16>
    %get3A_509 = arith.constant 0 : index
    %get3A_510 = arith.constant 0 : index
    %get3A_511 = vector.load %arg6[%get3A_509, %get3A_510] : memref<128x41xbf16, #tpu.memory_space<vmem>>, vector<128x41xbf16>
    %dot_general3A_512 = arith.constant dense<0.000000e+00> : vector<128x512xf32>
    %dot_general3A_513 = tpu.matmul %get3A_511, %squeeze3A_508, %dot_general3A_512 {dimension_numbers = #tpu.dot_dimension_numbers<[1], [0], [0], [1], [0, 0, 1, 1], [], []>, transpose_lhs_hint = false} : vector<128x41xbf16>, vector<41x512xbf16>, vector<128x512xf32> -> vector<128x512xf32>
    %add3A_514 = arith.addf %dot_general3A_16, %dot_general3A_506 : vector<128x512xf32>
    %add3A_515 = arith.addf %add3A_514, %dot_general3A_513 : vector<128x512xf32>
    %convert_element_type3A_516 = arith.truncf %add3A_515 : vector<128x512xf32> to vector<128x512xbf16>
    %swap3A_517 = arith.constant 0 : index
    %swap3A_518 = arith.constant 13 : index
    %swap3A_519 = arith.constant 0 : index
    %swap3A_520 = vector.load %arg8[%swap3A_517, %swap3A_518, %swap3A_519] : memref<128x16x512xbf16, #tpu.memory_space<vmem>>, vector<128x1x512xbf16>
    %swap3A_521 = vector.shape_cast %swap3A_520 : vector<128x1x512xbf16> to vector<128x512xbf16>
    %swap3A_522 = vector.shape_cast %convert_element_type3A_516 : vector<128x512xbf16> to vector<128x1x512xbf16>
    tpu.vector_store %arg8[%swap3A_517, %swap3A_518, %swap3A_519], %swap3A_522 {strides = array<i32>} : memref<128x16x512xbf16, #tpu.memory_space<vmem>>, vector<128x1x512xbf16>,
    %jit3A_523 = arith.constant 0.000000e+00 : f32
    %broadcast_in_dim3A_524 = vector.shape_cast %lt3A_21 : vector<1x512xi1> to vector<1x512xi1>
    %broadcast_in_dim3A_525 = vector.broadcast %broadcast_in_dim3A_524 : vector<1x512xi1> to vector<128x512xi1>
    %broadcast_in_dim3A_526 = vector.broadcast %jit3A_523 : f32 to vector<128x512xf32>
    %select_n3A_527 = arith.select %broadcast_in_dim3A_525, %add3A_515, %broadcast_in_dim3A_526 : vector<128x512xi1>, vector<128x512xf32>
    %reduce_sum3A_528 = arith.constant dense<0.000000e+00> : vector<128xf32>
    %reduce_sum3A_529 = vector.multi_reduction <add>, %select_n3A_527, %reduce_sum3A_528 [1] : vector<128x512xf32> to vector<128xf32>
    %broadcast_in_dim3A_530 = vector.shape_cast %reduce_sum3A_529 : vector<128xf32> to vector<128x1xf32>
    %add3A_531 = arith.addf %add3A_494, %broadcast_in_dim3A_530 : vector<128x1xf32>
    %mul3A_532 = arith.mulf %select_n3A_527, %select_n3A_527 : vector<128x512xf32>
    %reduce_sum3A_533 = arith.constant dense<0.000000e+00> : vector<128xf32>
    %reduce_sum3A_534 = vector.multi_reduction <add>, %mul3A_532, %reduce_sum3A_533 [1] : vector<128x512xf32> to vector<128xf32>
    %broadcast_in_dim3A_535 = vector.shape_cast %reduce_sum3A_534 : vector<128xf32> to vector<128x1xf32>
    %add3A_536 = arith.addf %add3A_499, %broadcast_in_dim3A_535 : vector<128x1xf32>
    %slice3A_537 = vector.extract_strided_slice %convert_element_type3A {offsets = [0, 14, 0], sizes = [512, 1, 128], strides = [1, 1, 1]} : vector<512x16x128xbf16> to vector<512x1x128xbf16>
    %squeeze3A_538 = vector.shape_cast %slice3A_537 : vector<512x1x128xbf16> to vector<512x128xbf16>
    %get3A_539 = arith.constant 0 : index
    %get3A_540 = arith.constant 0 : index
    %get3A_541 = vector.load %arg5[%get3A_539, %get3A_540] : memref<128x128xbf16, #tpu.memory_space<vmem>>, vector<128x128xbf16>
    %dot_general3A_542 = arith.constant dense<0.000000e+00> : vector<128x512xf32>
    %dot_general3A_543 = tpu.matmul %get3A_541, %squeeze3A_538, %dot_general3A_542 {dimension_numbers = #tpu.dot_dimension_numbers<[1], [1], [0], [0], [0, 0, 1, 0], [], []>, transpose_lhs_hint = false} : vector<128x128xbf16>, vector<512x128xbf16>, vector<128x512xf32> -> vector<128x512xf32>
    %slice3A_544 = vector.extract_strided_slice %convert_element_type3A_8 {offsets = [0, 14, 0], sizes = [41, 1, 512], strides = [1, 1, 1]} : vector<41x16x512xbf16> to vector<41x1x512xbf16>
    %squeeze3A_545 = vector.shape_cast %slice3A_544 : vector<41x1x512xbf16> to vector<41x512xbf16>
    %get3A_546 = arith.constant 0 : index
    %get3A_547 = arith.constant 0 : index
    %get3A_548 = vector.load %arg6[%get3A_546, %get3A_547] : memref<128x41xbf16, #tpu.memory_space<vmem>>, vector<128x41xbf16>
    %dot_general3A_549 = arith.constant dense<0.000000e+00> : vector<128x512xf32>
    %dot_general3A_550 = tpu.matmul %get3A_548, %squeeze3A_545, %dot_general3A_549 {dimension_numbers = #tpu.dot_dimension_numbers<[1], [0], [0], [1], [0, 0, 1, 1], [], []>, transpose_lhs_hint = false} : vector<128x41xbf16>, vector<41x512xbf16>, vector<128x512xf32> -> vector<128x512xf32>
    %add3A_551 = arith.addf %dot_general3A_16, %dot_general3A_543 : vector<128x512xf32>
    %add3A_552 = arith.addf %add3A_551, %dot_general3A_550 : vector<128x512xf32>
    %convert_element_type3A_553 = arith.truncf %add3A_552 : vector<128x512xf32> to vector<128x512xbf16>
    %swap3A_554 = arith.constant 0 : index
    %swap3A_555 = arith.constant 14 : index
    %swap3A_556 = arith.constant 0 : index
    %swap3A_557 = vector.load %arg8[%swap3A_554, %swap3A_555, %swap3A_556] : memref<128x16x512xbf16, #tpu.memory_space<vmem>>, vector<128x1x512xbf16>
    %swap3A_558 = vector.shape_cast %swap3A_557 : vector<128x1x512xbf16> to vector<128x512xbf16>
    %swap3A_559 = vector.shape_cast %convert_element_type3A_553 : vector<128x512xbf16> to vector<128x1x512xbf16>
    tpu.vector_store %arg8[%swap3A_554, %swap3A_555, %swap3A_556], %swap3A_559 {strides = array<i32>} : memref<128x16x512xbf16, #tpu.memory_space<vmem>>, vector<128x1x512xbf16>,
    %jit3A_560 = arith.constant 0.000000e+00 : f32
    %broadcast_in_dim3A_561 = vector.shape_cast %lt3A_21 : vector<1x512xi1> to vector<1x512xi1>
    %broadcast_in_dim3A_562 = vector.broadcast %broadcast_in_dim3A_561 : vector<1x512xi1> to vector<128x512xi1>
    %broadcast_in_dim3A_563 = vector.broadcast %jit3A_560 : f32 to vector<128x512xf32>
    %select_n3A_564 = arith.select %broadcast_in_dim3A_562, %add3A_552, %broadcast_in_dim3A_563 : vector<128x512xi1>, vector<128x512xf32>
    %reduce_sum3A_565 = arith.constant dense<0.000000e+00> : vector<128xf32>
    %reduce_sum3A_566 = vector.multi_reduction <add>, %select_n3A_564, %reduce_sum3A_565 [1] : vector<128x512xf32> to vector<128xf32>
    %broadcast_in_dim3A_567 = vector.shape_cast %reduce_sum3A_566 : vector<128xf32> to vector<128x1xf32>
    %add3A_568 = arith.addf %add3A_531, %broadcast_in_dim3A_567 : vector<128x1xf32>
    %mul3A_569 = arith.mulf %select_n3A_564, %select_n3A_564 : vector<128x512xf32>
    %reduce_sum3A_570 = arith.constant dense<0.000000e+00> : vector<128xf32>
    %reduce_sum3A_571 = vector.multi_reduction <add>, %mul3A_569, %reduce_sum3A_570 [1] : vector<128x512xf32> to vector<128xf32>
    %broadcast_in_dim3A_572 = vector.shape_cast %reduce_sum3A_571 : vector<128xf32> to vector<128x1xf32>
    %add3A_573 = arith.addf %add3A_536, %broadcast_in_dim3A_572 : vector<128x1xf32>
    %slice3A_574 = vector.extract_strided_slice %convert_element_type3A {offsets = [0, 15, 0], sizes = [512, 1, 128], strides = [1, 1, 1]} : vector<512x16x128xbf16> to vector<512x1x128xbf16>
    %squeeze3A_575 = vector.shape_cast %slice3A_574 : vector<512x1x128xbf16> to vector<512x128xbf16>
    %get3A_576 = arith.constant 0 : index
    %get3A_577 = arith.constant 0 : index
    %get3A_578 = vector.load %arg5[%get3A_576, %get3A_577] : memref<128x128xbf16, #tpu.memory_space<vmem>>, vector<128x128xbf16>
    %dot_general3A_579 = arith.constant dense<0.000000e+00> : vector<128x512xf32>
    %dot_general3A_580 = tpu.matmul %get3A_578, %squeeze3A_575, %dot_general3A_579 {dimension_numbers = #tpu.dot_dimension_numbers<[1], [1], [0], [0], [0, 0, 1, 0], [], []>, transpose_lhs_hint = false} : vector<128x128xbf16>, vector<512x128xbf16>, vector<128x512xf32> -> vector<128x512xf32>
    %slice3A_581 = vector.extract_strided_slice %convert_element_type3A_8 {offsets = [0, 15, 0], sizes = [41, 1, 512], strides = [1, 1, 1]} : vector<41x16x512xbf16> to vector<41x1x512xbf16>
    %squeeze3A_582 = vector.shape_cast %slice3A_581 : vector<41x1x512xbf16> to vector<41x512xbf16>
    %get3A_583 = arith.constant 0 : index
    %get3A_584 = arith.constant 0 : index
    %get3A_585 = vector.load %arg6[%get3A_583, %get3A_584] : memref<128x41xbf16, #tpu.memory_space<vmem>>, vector<128x41xbf16>
    %dot_general3A_586 = arith.constant dense<0.000000e+00> : vector<128x512xf32>
    %dot_general3A_587 = tpu.matmul %get3A_585, %squeeze3A_582, %dot_general3A_586 {dimension_numbers = #tpu.dot_dimension_numbers<[1], [0], [0], [1], [0, 0, 1, 1], [], []>, transpose_lhs_hint = false} : vector<128x41xbf16>, vector<41x512xbf16>, vector<128x512xf32> -> vector<128x512xf32>
    %add3A_588 = arith.addf %dot_general3A_16, %dot_general3A_580 : vector<128x512xf32>
    %add3A_589 = arith.addf %add3A_588, %dot_general3A_587 : vector<128x512xf32>
    %convert_element_type3A_590 = arith.truncf %add3A_589 : vector<128x512xf32> to vector<128x512xbf16>
    %swap3A_591 = arith.constant 0 : index
    %swap3A_592 = arith.constant 15 : index
    %swap3A_593 = arith.constant 0 : index
    %swap3A_594 = vector.load %arg8[%swap3A_591, %swap3A_592, %swap3A_593] : memref<128x16x512xbf16, #tpu.memory_space<vmem>>, vector<128x1x512xbf16>
    %swap3A_595 = vector.shape_cast %swap3A_594 : vector<128x1x512xbf16> to vector<128x512xbf16>
    %swap3A_596 = vector.shape_cast %convert_element_type3A_590 : vector<128x512xbf16> to vector<128x1x512xbf16>
    tpu.vector_store %arg8[%swap3A_591, %swap3A_592, %swap3A_593], %swap3A_596 {strides = array<i32>} : memref<128x16x512xbf16, #tpu.memory_space<vmem>>, vector<128x1x512xbf16>,
    %jit3A_597 = arith.constant 0.000000e+00 : f32
    %broadcast_in_dim3A_598 = vector.shape_cast %lt3A_21 : vector<1x512xi1> to vector<1x512xi1>
    %broadcast_in_dim3A_599 = vector.broadcast %broadcast_in_dim3A_598 : vector<1x512xi1> to vector<128x512xi1>
    %broadcast_in_dim3A_600 = vector.broadcast %jit3A_597 : f32 to vector<128x512xf32>
    %select_n3A_601 = arith.select %broadcast_in_dim3A_599, %add3A_589, %broadcast_in_dim3A_600 : vector<128x512xi1>, vector<128x512xf32>
    %reduce_sum3A_602 = arith.constant dense<0.000000e+00> : vector<128xf32>
    %reduce_sum3A_603 = vector.multi_reduction <add>, %select_n3A_601, %reduce_sum3A_602 [1] : vector<128x512xf32> to vector<128xf32>
    %broadcast_in_dim3A_604 = vector.shape_cast %reduce_sum3A_603 : vector<128xf32> to vector<128x1xf32>
    %add3A_605 = arith.addf %add3A_568, %broadcast_in_dim3A_604 : vector<128x1xf32>
    %mul3A_606 = arith.mulf %select_n3A_601, %select_n3A_601 : vector<128x512xf32>
    %reduce_sum3A_607 = arith.constant dense<0.000000e+00> : vector<128xf32>
    %reduce_sum3A_608 = vector.multi_reduction <add>, %mul3A_606, %reduce_sum3A_607 [1] : vector<128x512xf32> to vector<128xf32>
    %broadcast_in_dim3A_609 = vector.shape_cast %reduce_sum3A_608 : vector<128xf32> to vector<128x1xf32>
    %add3A_610 = arith.addf %add3A_573, %broadcast_in_dim3A_609 : vector<128x1xf32>
    %concatenate3A = tpu.concatenate %add3A_605, %add3A_610 in 1 : vector<128x1xf32>, vector<128x1xf32> -> vector<128x2xf32>
    %eq3A = arith.constant 0 : i32
    %eq3A_611 = arith.cmpi eq, %arg0, %eq3A : i32
    %convert_element_type3A_612 = arith.extui %eq3A_611 : i1 to i32
    %cond3A = arith.constant 0 : i32
    %cond3A_613 = arith.cmpi ne, %convert_element_type3A_612, %cond3A : i32
    scf.if %cond3A_613 {
      %broadcast_in_dim3A_621 = arith.constant 0.000000e+00 : f32
      %broadcast_in_dim3A_622 = vector.broadcast %broadcast_in_dim3A_621 : f32 to vector<128x2xf32>
      %swap3A_623 = arith.constant 0 : index
      %swap3A_624 = arith.constant 0 : index
      %swap3A_625 = vector.load %arg7[%swap3A_623, %swap3A_624] : memref<128x2xf32, #tpu.memory_space<vmem>>, vector<128x2xf32>
      tpu.vector_store %arg7[%swap3A_623, %swap3A_624], %broadcast_in_dim3A_622 {strides = array<i32>} : memref<128x2xf32, #tpu.memory_space<vmem>>, vector<128x2xf32>,
    } else {
    }
    %get3A_614 = arith.constant 0 : index
    %get3A_615 = arith.constant 0 : index
    %get3A_616 = vector.load %arg7[%get3A_614, %get3A_615] : memref<128x2xf32, #tpu.memory_space<vmem>>, vector<128x2xf32>
    %add3A_617 = arith.addf %get3A_616, %concatenate3A : vector<128x2xf32>
    %swap3A_618 = arith.constant 0 : index
    %swap3A_619 = arith.constant 0 : index
    %swap3A_620 = vector.load %arg7[%swap3A_618, %swap3A_619] : memref<128x2xf32, #tpu.memory_space<vmem>>, vector<128x2xf32>
    tpu.vector_store %arg7[%swap3A_618, %swap3A_619], %add3A_617 {strides = array<i32>} : memref<128x2xf32, #tpu.memory_space<vmem>>, vector<128x2xf32>,
    return
  }
  func.func @transform_0(%arg0: i32) -> (i32, i32) {
    %add3A = arith.constant 49 : i32
    %add3A_0 = arith.addi %arg0, %add3A : i32
    %c0_i32 = arith.constant 0 : i32
    %c0_i32_1 = arith.constant 0 : i32
    return %c0_i32, %add3A_0 : i32, i32
  }
  func.func @transform_1(%arg0: i32) -> (i32, i32, i32) {
    %c0_i32 = arith.constant 0 : i32
    %c0_i32_0 = arith.constant 0 : i32
    %c0_i32_1 = arith.constant 0 : i32
    return %arg0, %c0_i32, %c0_i32_0 : i32, i32, i32
  }
  func.func @transform_2(%arg0: i32) -> (i32, i32, i32) {
    %add3A = arith.constant 49 : i32
    %add3A_0 = arith.addi %arg0, %add3A : i32
    %c0_i32 = arith.constant 0 : i32
    %c0_i32_1 = arith.constant 0 : i32
    %c0_i32_2 = arith.constant 0 : i32
    return %c0_i32, %c0_i32_1, %add3A_0 : i32, i32, i32
  }
  func.func @transform_3(%arg0: i32) -> (i32, i32) {
    %c0_i32 = arith.constant 0 : i32
    %c0_i32_0 = arith.constant 0 : i32
    %c0_i32_1 = arith.constant 0 : i32
    return %c0_i32, %c0_i32_0 : i32, i32
  }
  func.func @transform_4(%arg0: i32) -> (i32, i32) {
    %c0_i32 = arith.constant 0 : i32
    %c0_i32_0 = arith.constant 0 : i32
    %c0_i32_1 = arith.constant 0 : i32
    return %c0_i32, %c0_i32_0 : i32, i32
  }
  func.func @transform_5(%arg0: i32) -> (i32, i32) {
    %c0_i32 = arith.constant 0 : i32
    %c0_i32_0 = arith.constant 0 : i32
    %c0_i32_1 = arith.constant 0 : i32
    return %c0_i32, %c0_i32_0 : i32, i32
  }
  func.func @transform_6(%arg0: i32) -> (i32, i32) {
    %c0_i32 = arith.constant 0 : i32
    %c0_i32_0 = arith.constant 0 : i32
    %c0_i32_1 = arith.constant 0 : i32
    return %c0_i32, %c0_i32_0 : i32, i32
  }
  func.func @transform_7(%arg0: i32) -> (i32, i32, i32) {
    %c0_i32 = arith.constant 0 : i32
    %c0_i32_0 = arith.constant 0 : i32
    %c0_i32_1 = arith.constant 0 : i32
    return %c0_i32, %c0_i32_0, %arg0 : i32, i32, i32
  }
}

module attributes {stable_mosaic.version = 14 : i64} {
  func.func @_body_stats(%arg0: i32, %arg1: memref<64x512xf32, #tpu.memory_space<vmem>>, %arg2: memref<512x16x128xf32, #tpu.memory_space<vmem>>, %arg3: memref<41x16x512xf32, #tpu.memory_space<vmem>>, %arg4: memref<128x64xbf16, #tpu.memory_space<vmem>>, %arg5: memref<128x128xbf16, #tpu.memory_space<vmem>>, %arg6: memref<128x41xbf16, #tpu.memory_space<vmem>>, %arg7: memref<128x2xf32, #tpu.memory_space<vmem>>, %arg8: memref<128x16x512xbf16, #tpu.memory_space<vmem>>) attributes {dimension_semantics = [#tpu.dimension_semantics<arbitrary>], iteration_bounds = array<i64: 49>, scalar_prefetch = 0 : i64, scratch_operands = 0 : i64, tpu.core_type = #tpu.core_type<tc>, window_params = [{transform_indices = @transform_0, window_bounds = array<i64: 64, 512>}, {transform_indices = @transform_1, window_bounds = array<i64: 512, 16, 128>}, {transform_indices = @transform_2, window_bounds = array<i64: 41, 16, 512>}, {pipeline_mode = #tpu.pipeline_mode<synchronous>, transform_indices = @transform_3, window_bounds = array<i64: 128, 64>}, {pipeline_mode = #tpu.pipeline_mode<synchronous>, transform_indices = @transform_4, window_bounds = array<i64: 128, 128>}, {pipeline_mode = #tpu.pipeline_mode<synchronous>, transform_indices = @transform_5, window_bounds = array<i64: 128, 41>}, {pipeline_mode = #tpu.pipeline_mode<synchronous>, transform_indices = @transform_6, window_bounds = array<i64: 128, 2>}, {transform_indices = @transform_7, window_bounds = array<i64: 128, 16, 512>}]} {
    %add3A = arith.constant 0 : i32
    %add3A_0 = arith.addi %arg0, %add3A : i32
    %get3A = arith.constant 0 : index
    %get3A_1 = arith.constant 0 : index
    %get3A_2 = arith.constant 0 : index
    %get3A_3 = vector.load %arg2[%get3A, %get3A_1, %get3A_2] : memref<512x16x128xf32, #tpu.memory_space<vmem>>, vector<512x16x128xf32>
    %convert_element_type3A = arith.truncf %get3A_3 : vector<512x16x128xf32> to vector<512x16x128xbf16>
    %get3A_4 = arith.constant 0 : index
    %get3A_5 = arith.constant 0 : index
    %get3A_6 = arith.constant 0 : index
    %get3A_7 = vector.load %arg3[%get3A_4, %get3A_5, %get3A_6] : memref<41x16x512xf32, #tpu.memory_space<vmem>>, vector<41x16x512xf32>
    %convert_element_type3A_8 = arith.truncf %get3A_7 : vector<41x16x512xf32> to vector<41x16x512xbf16>
    %get3A_9 = arith.constant 0 : index
    %get3A_10 = arith.constant 0 : index
    %get3A_11 = vector.load %arg4[%get3A_9, %get3A_10] : memref<128x64xbf16, #tpu.memory_space<vmem>>, vector<128x64xbf16>
    %get3A_12 = arith.constant 0 : index
    %get3A_13 = arith.constant 0 : index
    %get3A_14 = vector.load %arg1[%get3A_12, %get3A_13] : memref<64x512xf32, #tpu.memory_space<vmem>>, vector<64x512xf32>
    %convert_element_type3A_15 = arith.truncf %get3A_14 : vector<64x512xf32> to vector<64x512xbf16>
    %dot_general3A = arith.constant dense<0.000000e+00> : vector<128x512xf32>
    %dot_general3A_16 = tpu.matmul %get3A_11, %convert_element_type3A_15, %dot_general3A {dimension_numbers = #tpu.dot_dimension_numbers<[1], [0], [0], [1], [0, 0, 1, 1], [], []>, transpose_lhs_hint = false} : vector<128x64xbf16>, vector<64x512xbf16>, vector<128x512xf32> -> vector<128x512xf32>
    %iota3A = tpu.iota {dimensions = array<i32: 1>} : vector<1x512xi32>
    %mul3A = arith.constant 512 : i32
    %mul3A_17 = arith.muli %add3A_0, %mul3A : i32
    %add3A_18 = vector.broadcast %mul3A_17 : i32 to vector<1x512xi32>
    %add3A_19 = arith.addi %iota3A, %add3A_18 : vector<1x512xi32>
    %lt3A = arith.constant 50000 : i32
    %lt3A_20 = vector.broadcast %lt3A : i32 to vector<1x512xi32>
    %lt3A_21 = arith.cmpi slt, %add3A_19, %lt3A_20 : vector<1x512xi32>
    %broadcast_in_dim3A = arith.constant 0.000000e+00 : f32
    %broadcast_in_dim3A_22 = vector.broadcast %broadcast_in_dim3A : f32 to vector<128x1xf32>
    %broadcast_in_dim3A_23 = arith.constant 0.000000e+00 : f32
    %broadcast_in_dim3A_24 = vector.broadcast %broadcast_in_dim3A_23 : f32 to vector<128x1xf32>
    %slice3A = vector.extract_strided_slice %convert_element_type3A {offsets = [0, 0, 0], sizes = [512, 1, 128], strides = [1, 1, 1]} : vector<512x16x128xbf16> to vector<512x1x128xbf16>
    %squeeze3A = vector.shape_cast %slice3A : vector<512x1x128xbf16> to vector<512x128xbf16>
    %get3A_25 = arith.constant 0 : index
    %get3A_26 = arith.constant 0 : index
    %get3A_27 = vector.load %arg5[%get3A_25, %get3A_26] : memref<128x128xbf16, #tpu.memory_space<vmem>>, vector<128x128xbf16>
    %dot_general3A_28 = arith.constant dense<0.000000e+00> : vector<128x512xf32>
    %dot_general3A_29 = tpu.matmul %get3A_27, %squeeze3A, %dot_general3A_28 {dimension_numbers = #tpu.dot_dimension_numbers<[1], [1], [0], [0], [0, 0, 1, 0], [], []>, transpose_lhs_hint = false} : vector<128x128xbf16>, vector<512x128xbf16>, vector<128x512xf32> -> vector<128x512xf32>
    %slice3A_30 = vector.extract_strided_slice %convert_element_type3A_8 {offsets = [0, 0, 0], sizes = [41, 1, 512], strides = [1, 1, 1]} : vector<41x16x512xbf16> to vector<41x1x512xbf16>
    %squeeze3A_31 = vector.shape_cast %slice3A_30 : vector<41x1x512xbf16> to vector<41x512xbf16>
    %get3A_32 = arith.constant 0 : index
    %get3A_33 = arith.constant 0 : index
    %get3A_34 = vector.load %arg6[%get3A_32, %get3A_33] : memref<128x41xbf16, #tpu.memory_space<vmem>>, vector<128x41xbf16>
    %dot_general3A_35 = arith.constant dense<0.000000e+00> : vector<128x512xf32>
    %dot_general3A_36 = tpu.matmul %get3A_34, %squeeze3A_31, %dot_general3A_35 {dimension_numbers = #tpu.dot_dimension_numbers<[1], [0], [0], [1], [0, 0, 1, 1], [], []>, transpose_lhs_hint = false} : vector<128x41xbf16>, vector<41x512xbf16>, vector<128x512xf32> -> vector<128x512xf32>
    %add3A_37 = arith.addf %dot_general3A_16, %dot_general3A_29 : vector<128x512xf32>
    %add3A_38 = arith.addf %add3A_37, %dot_general3A_36 : vector<128x512xf32>
    %convert_element_type3A_39 = arith.truncf %add3A_38 : vector<128x512xf32> to vector<128x512xbf16>
    %swap3A = arith.constant 0 : index
    %swap3A_40 = arith.constant 0 : index
    %swap3A_41 = arith.constant 0 : index
    %swap3A_42 = vector.load %arg8[%swap3A, %swap3A_40, %swap3A_41] : memref<128x16x512xbf16, #tpu.memory_space<vmem>>, vector<128x1x512xbf16>
    %swap3A_43 = vector.shape_cast %swap3A_42 : vector<128x1x512xbf16> to vector<128x512xbf16>
    %swap3A_44 = vector.shape_cast %convert_element_type3A_39 : vector<128x512xbf16> to vector<128x1x512xbf16>
    tpu.vector_store %arg8[%swap3A, %swap3A_40, %swap3A_41], %swap3A_44 {strides = array<i32>} : memref<128x16x512xbf16, #tpu.memory_space<vmem>>, vector<128x1x512xbf16>,
    %jit3A = arith.constant 0.000000e+00 : f32
    %broadcast_in_dim3A_45 = vector.shape_cast %lt3A_21 : vector<1x512xi1> to vector<1x512xi1>
    %broadcast_in_dim3A_46 = vector.broadcast %broadcast_in_dim3A_45 : vector<1x512xi1> to vector<128x512xi1>
    %broadcast_in_dim3A_47 = vector.broadcast %jit3A : f32 to vector<128x512xf32>
    %select_n3A = arith.select %broadcast_in_dim3A_46, %add3A_38, %broadcast_in_dim3A_47 : vector<128x512xi1>, vector<128x512xf32>
    %reduce_sum3A = arith.constant dense<0.000000e+00> : vector<128xf32>
    %reduce_sum3A_48 = vector.multi_reduction <add>, %select_n3A, %reduce_sum3A [1] : vector<128x512xf32> to vector<128xf32>
    %broadcast_in_dim3A_49 = vector.shape_cast %reduce_sum3A_48 : vector<128xf32> to vector<128x1xf32>
    %add3A_50 = arith.addf %broadcast_in_dim3A_22, %broadcast_in_dim3A_49 : vector<128x1xf32>
    %mul3A_51 = arith.mulf %select_n3A, %select_n3A : vector<128x512xf32>
    %reduce_sum3A_52 = arith.constant dense<0.000000e+00> : vector<128xf32>
    %reduce_sum3A_53 = vector.multi_reduction <add>, %mul3A_51, %reduce_sum3A_52 [1] : vector<128x512xf32> to vector<128xf32>
    %broadcast_in_dim3A_54 = vector.shape_cast %reduce_sum3A_53 : vector<128xf32> to vector<128x1xf32>
    %add3A_55 = arith.addf %broadcast_in_dim3A_24, %broadcast_in_dim3A_54 : vector<128x1xf32>
    %slice3A_56 = vector.extract_strided_slice %convert_element_type3A {offsets = [0, 1, 0], sizes = [512, 1, 128], strides = [1, 1, 1]} : vector<512x16x128xbf16> to vector<512x1x128xbf16>
    %squeeze3A_57 = vector.shape_cast %slice3A_56 : vector<512x1x128xbf16> to vector<512x128xbf16>
    %get3A_58 = arith.constant 0 : index
    %get3A_59 = arith.constant 0 : index
    %get3A_60 = vector.load %arg5[%get3A_58, %get3A_59] : memref<128x128xbf16, #tpu.memory_space<vmem>>, vector<128x128xbf16>
    %dot_general3A_61 = arith.constant dense<0.000000e+00> : vector<128x512xf32>
    %dot_general3A_62 = tpu.matmul %get3A_60, %squeeze3A_57, %dot_general3A_61 {dimension_numbers = #tpu.dot_dimension_numbers<[1], [1], [0], [0], [0, 0, 1, 0], [], []>, transpose_lhs_hint = false} : vector<128x128xbf16>, vector<512x128xbf16>, vector<128x512xf32> -> vector<128x512xf32>
    %slice3A_63 = vector.extract_strided_slice %convert_element_type3A_8 {offsets = [0, 1, 0], sizes = [41, 1, 512], strides = [1, 1, 1]} : vector<41x16x512xbf16> to vector<41x1x512xbf16>
    %squeeze3A_64 = vector.shape_cast %slice3A_63 : vector<41x1x512xbf16> to vector<41x512xbf16>
    %get3A_65 = arith.constant 0 : index
    %get3A_66 = arith.constant 0 : index
    %get3A_67 = vector.load %arg6[%get3A_65, %get3A_66] : memref<128x41xbf16, #tpu.memory_space<vmem>>, vector<128x41xbf16>
    %dot_general3A_68 = arith.constant dense<0.000000e+00> : vector<128x512xf32>
    %dot_general3A_69 = tpu.matmul %get3A_67, %squeeze3A_64, %dot_general3A_68 {dimension_numbers = #tpu.dot_dimension_numbers<[1], [0], [0], [1], [0, 0, 1, 1], [], []>, transpose_lhs_hint = false} : vector<128x41xbf16>, vector<41x512xbf16>, vector<128x512xf32> -> vector<128x512xf32>
    %add3A_70 = arith.addf %dot_general3A_16, %dot_general3A_62 : vector<128x512xf32>
    %add3A_71 = arith.addf %add3A_70, %dot_general3A_69 : vector<128x512xf32>
    %convert_element_type3A_72 = arith.truncf %add3A_71 : vector<128x512xf32> to vector<128x512xbf16>
    %swap3A_73 = arith.constant 0 : index
    %swap3A_74 = arith.constant 1 : index
    %swap3A_75 = arith.constant 0 : index
    %swap3A_76 = vector.load %arg8[%swap3A_73, %swap3A_74, %swap3A_75] : memref<128x16x512xbf16, #tpu.memory_space<vmem>>, vector<128x1x512xbf16>
    %swap3A_77 = vector.shape_cast %swap3A_76 : vector<128x1x512xbf16> to vector<128x512xbf16>
    %swap3A_78 = vector.shape_cast %convert_element_type3A_72 : vector<128x512xbf16> to vector<128x1x512xbf16>
    tpu.vector_store %arg8[%swap3A_73, %swap3A_74, %swap3A_75], %swap3A_78 {strides = array<i32>} : memref<128x16x512xbf16, #tpu.memory_space<vmem>>, vector<128x1x512xbf16>,
    %jit3A_79 = arith.constant 0.000000e+00 : f32
    %broadcast_in_dim3A_80 = vector.shape_cast %lt3A_21 : vector<1x512xi1> to vector<1x512xi1>
    %broadcast_in_dim3A_81 = vector.broadcast %broadcast_in_dim3A_80 : vector<1x512xi1> to vector<128x512xi1>
    %broadcast_in_dim3A_82 = vector.broadcast %jit3A_79 : f32 to vector<128x512xf32>
    %select_n3A_83 = arith.select %broadcast_in_dim3A_81, %add3A_71, %broadcast_in_dim3A_82 : vector<128x512xi1>, vector<128x512xf32>
    %reduce_sum3A_84 = arith.constant dense<0.000000e+00> : vector<128xf32>
    %reduce_sum3A_85 = vector.multi_reduction <add>, %select_n3A_83, %reduce_sum3A_84 [1] : vector<128x512xf32> to vector<128xf32>
    %broadcast_in_dim3A_86 = vector.shape_cast %reduce_sum3A_85 : vector<128xf32> to vector<128x1xf32>
    %add3A_87 = arith.addf %add3A_50, %broadcast_in_dim3A_86 : vector<128x1xf32>
    %mul3A_88 = arith.mulf %select_n3A_83, %select_n3A_83 : vector<128x512xf32>
    %reduce_sum3A_89 = arith.constant dense<0.000000e+00> : vector<128xf32>
    %reduce_sum3A_90 = vector.multi_reduction <add>, %mul3A_88, %reduce_sum3A_89 [1] : vector<128x512xf32> to vector<128xf32>
    %broadcast_in_dim3A_91 = vector.shape_cast %reduce_sum3A_90 : vector<128xf32> to vector<128x1xf32>
    %add3A_92 = arith.addf %add3A_55, %broadcast_in_dim3A_91 : vector<128x1xf32>
    %slice3A_93 = vector.extract_strided_slice %convert_element_type3A {offsets = [0, 2, 0], sizes = [512, 1, 128], strides = [1, 1, 1]} : vector<512x16x128xbf16> to vector<512x1x128xbf16>
    %squeeze3A_94 = vector.shape_cast %slice3A_93 : vector<512x1x128xbf16> to vector<512x128xbf16>
    %get3A_95 = arith.constant 0 : index
    %get3A_96 = arith.constant 0 : index
    %get3A_97 = vector.load %arg5[%get3A_95, %get3A_96] : memref<128x128xbf16, #tpu.memory_space<vmem>>, vector<128x128xbf16>
    %dot_general3A_98 = arith.constant dense<0.000000e+00> : vector<128x512xf32>
    %dot_general3A_99 = tpu.matmul %get3A_97, %squeeze3A_94, %dot_general3A_98 {dimension_numbers = #tpu.dot_dimension_numbers<[1], [1], [0], [0], [0, 0, 1, 0], [], []>, transpose_lhs_hint = false} : vector<128x128xbf16>, vector<512x128xbf16>, vector<128x512xf32> -> vector<128x512xf32>
    %slice3A_100 = vector.extract_strided_slice %convert_element_type3A_8 {offsets = [0, 2, 0], sizes = [41, 1, 512], strides = [1, 1, 1]} : vector<41x16x512xbf16> to vector<41x1x512xbf16>
    %squeeze3A_101 = vector.shape_cast %slice3A_100 : vector<41x1x512xbf16> to vector<41x512xbf16>
    %get3A_102 = arith.constant 0 : index
    %get3A_103 = arith.constant 0 : index
    %get3A_104 = vector.load %arg6[%get3A_102, %get3A_103] : memref<128x41xbf16, #tpu.memory_space<vmem>>, vector<128x41xbf16>
    %dot_general3A_105 = arith.constant dense<0.000000e+00> : vector<128x512xf32>
    %dot_general3A_106 = tpu.matmul %get3A_104, %squeeze3A_101, %dot_general3A_105 {dimension_numbers = #tpu.dot_dimension_numbers<[1], [0], [0], [1], [0, 0, 1, 1], [], []>, transpose_lhs_hint = false} : vector<128x41xbf16>, vector<41x512xbf16>, vector<128x512xf32> -> vector<128x512xf32>
    %add3A_107 = arith.addf %dot_general3A_16, %dot_general3A_99 : vector<128x512xf32>
    %add3A_108 = arith.addf %add3A_107, %dot_general3A_106 : vector<128x512xf32>
    %convert_element_type3A_109 = arith.truncf %add3A_108 : vector<128x512xf32> to vector<128x512xbf16>
    %swap3A_110 = arith.constant 0 : index
    %swap3A_111 = arith.constant 2 : index
    %swap3A_112 = arith.constant 0 : index
    %swap3A_113 = vector.load %arg8[%swap3A_110, %swap3A_111, %swap3A_112] : memref<128x16x512xbf16, #tpu.memory_space<vmem>>, vector<128x1x512xbf16>
    %swap3A_114 = vector.shape_cast %swap3A_113 : vector<128x1x512xbf16> to vector<128x512xbf16>
    %swap3A_115 = vector.shape_cast %convert_element_type3A_109 : vector<128x512xbf16> to vector<128x1x512xbf16>
    tpu.vector_store %arg8[%swap3A_110, %swap3A_111, %swap3A_112], %swap3A_115 {strides = array<i32>} : memref<128x16x512xbf16, #tpu.memory_space<vmem>>, vector<128x1x512xbf16>,
    %jit3A_116 = arith.constant 0.000000e+00 : f32
    %broadcast_in_dim3A_117 = vector.shape_cast %lt3A_21 : vector<1x512xi1> to vector<1x512xi1>
    %broadcast_in_dim3A_118 = vector.broadcast %broadcast_in_dim3A_117 : vector<1x512xi1> to vector<128x512xi1>
    %broadcast_in_dim3A_119 = vector.broadcast %jit3A_116 : f32 to vector<128x512xf32>
    %select_n3A_120 = arith.select %broadcast_in_dim3A_118, %add3A_108, %broadcast_in_dim3A_119 : vector<128x512xi1>, vector<128x512xf32>
    %reduce_sum3A_121 = arith.constant dense<0.000000e+00> : vector<128xf32>
    %reduce_sum3A_122 = vector.multi_reduction <add>, %select_n3A_120, %reduce_sum3A_121 [1] : vector<128x512xf32> to vector<128xf32>
    %broadcast_in_dim3A_123 = vector.shape_cast %reduce_sum3A_122 : vector<128xf32> to vector<128x1xf32>
    %add3A_124 = arith.addf %add3A_87, %broadcast_in_dim3A_123 : vector<128x1xf32>
    %mul3A_125 = arith.mulf %select_n3A_120, %select_n3A_120 : vector<128x512xf32>
    %reduce_sum3A_126 = arith.constant dense<0.000000e+00> : vector<128xf32>
    %reduce_sum3A_127 = vector.multi_reduction <add>, %mul3A_125, %reduce_sum3A_126 [1] : vector<128x512xf32> to vector<128xf32>
    %broadcast_in_dim3A_128 = vector.shape_cast %reduce_sum3A_127 : vector<128xf32> to vector<128x1xf32>
    %add3A_129 = arith.addf %add3A_92, %broadcast_in_dim3A_128 : vector<128x1xf32>
    %slice3A_130 = vector.extract_strided_slice %convert_element_type3A {offsets = [0, 3, 0], sizes = [512, 1, 128], strides = [1, 1, 1]} : vector<512x16x128xbf16> to vector<512x1x128xbf16>
    %squeeze3A_131 = vector.shape_cast %slice3A_130 : vector<512x1x128xbf16> to vector<512x128xbf16>
    %get3A_132 = arith.constant 0 : index
    %get3A_133 = arith.constant 0 : index
    %get3A_134 = vector.load %arg5[%get3A_132, %get3A_133] : memref<128x128xbf16, #tpu.memory_space<vmem>>, vector<128x128xbf16>
    %dot_general3A_135 = arith.constant dense<0.000000e+00> : vector<128x512xf32>
    %dot_general3A_136 = tpu.matmul %get3A_134, %squeeze3A_131, %dot_general3A_135 {dimension_numbers = #tpu.dot_dimension_numbers<[1], [1], [0], [0], [0, 0, 1, 0], [], []>, transpose_lhs_hint = false} : vector<128x128xbf16>, vector<512x128xbf16>, vector<128x512xf32> -> vector<128x512xf32>
    %slice3A_137 = vector.extract_strided_slice %convert_element_type3A_8 {offsets = [0, 3, 0], sizes = [41, 1, 512], strides = [1, 1, 1]} : vector<41x16x512xbf16> to vector<41x1x512xbf16>
    %squeeze3A_138 = vector.shape_cast %slice3A_137 : vector<41x1x512xbf16> to vector<41x512xbf16>
    %get3A_139 = arith.constant 0 : index
    %get3A_140 = arith.constant 0 : index
    %get3A_141 = vector.load %arg6[%get3A_139, %get3A_140] : memref<128x41xbf16, #tpu.memory_space<vmem>>, vector<128x41xbf16>
    %dot_general3A_142 = arith.constant dense<0.000000e+00> : vector<128x512xf32>
    %dot_general3A_143 = tpu.matmul %get3A_141, %squeeze3A_138, %dot_general3A_142 {dimension_numbers = #tpu.dot_dimension_numbers<[1], [0], [0], [1], [0, 0, 1, 1], [], []>, transpose_lhs_hint = false} : vector<128x41xbf16>, vector<41x512xbf16>, vector<128x512xf32> -> vector<128x512xf32>
    %add3A_144 = arith.addf %dot_general3A_16, %dot_general3A_136 : vector<128x512xf32>
    %add3A_145 = arith.addf %add3A_144, %dot_general3A_143 : vector<128x512xf32>
    %convert_element_type3A_146 = arith.truncf %add3A_145 : vector<128x512xf32> to vector<128x512xbf16>
    %swap3A_147 = arith.constant 0 : index
    %swap3A_148 = arith.constant 3 : index
    %swap3A_149 = arith.constant 0 : index
    %swap3A_150 = vector.load %arg8[%swap3A_147, %swap3A_148, %swap3A_149] : memref<128x16x512xbf16, #tpu.memory_space<vmem>>, vector<128x1x512xbf16>
    %swap3A_151 = vector.shape_cast %swap3A_150 : vector<128x1x512xbf16> to vector<128x512xbf16>
    %swap3A_152 = vector.shape_cast %convert_element_type3A_146 : vector<128x512xbf16> to vector<128x1x512xbf16>
    tpu.vector_store %arg8[%swap3A_147, %swap3A_148, %swap3A_149], %swap3A_152 {strides = array<i32>} : memref<128x16x512xbf16, #tpu.memory_space<vmem>>, vector<128x1x512xbf16>,
    %jit3A_153 = arith.constant 0.000000e+00 : f32
    %broadcast_in_dim3A_154 = vector.shape_cast %lt3A_21 : vector<1x512xi1> to vector<1x512xi1>
    %broadcast_in_dim3A_155 = vector.broadcast %broadcast_in_dim3A_154 : vector<1x512xi1> to vector<128x512xi1>
    %broadcast_in_dim3A_156 = vector.broadcast %jit3A_153 : f32 to vector<128x512xf32>
    %select_n3A_157 = arith.select %broadcast_in_dim3A_155, %add3A_145, %broadcast_in_dim3A_156 : vector<128x512xi1>, vector<128x512xf32>
    %reduce_sum3A_158 = arith.constant dense<0.000000e+00> : vector<128xf32>
    %reduce_sum3A_159 = vector.multi_reduction <add>, %select_n3A_157, %reduce_sum3A_158 [1] : vector<128x512xf32> to vector<128xf32>
    %broadcast_in_dim3A_160 = vector.shape_cast %reduce_sum3A_159 : vector<128xf32> to vector<128x1xf32>
    %add3A_161 = arith.addf %add3A_124, %broadcast_in_dim3A_160 : vector<128x1xf32>
    %mul3A_162 = arith.mulf %select_n3A_157, %select_n3A_157 : vector<128x512xf32>
    %reduce_sum3A_163 = arith.constant dense<0.000000e+00> : vector<128xf32>
    %reduce_sum3A_164 = vector.multi_reduction <add>, %mul3A_162, %reduce_sum3A_163 [1] : vector<128x512xf32> to vector<128xf32>
    %broadcast_in_dim3A_165 = vector.shape_cast %reduce_sum3A_164 : vector<128xf32> to vector<128x1xf32>
    %add3A_166 = arith.addf %add3A_129, %broadcast_in_dim3A_165 : vector<128x1xf32>
    %slice3A_167 = vector.extract_strided_slice %convert_element_type3A {offsets = [0, 4, 0], sizes = [512, 1, 128], strides = [1, 1, 1]} : vector<512x16x128xbf16> to vector<512x1x128xbf16>
    %squeeze3A_168 = vector.shape_cast %slice3A_167 : vector<512x1x128xbf16> to vector<512x128xbf16>
    %get3A_169 = arith.constant 0 : index
    %get3A_170 = arith.constant 0 : index
    %get3A_171 = vector.load %arg5[%get3A_169, %get3A_170] : memref<128x128xbf16, #tpu.memory_space<vmem>>, vector<128x128xbf16>
    %dot_general3A_172 = arith.constant dense<0.000000e+00> : vector<128x512xf32>
    %dot_general3A_173 = tpu.matmul %get3A_171, %squeeze3A_168, %dot_general3A_172 {dimension_numbers = #tpu.dot_dimension_numbers<[1], [1], [0], [0], [0, 0, 1, 0], [], []>, transpose_lhs_hint = false} : vector<128x128xbf16>, vector<512x128xbf16>, vector<128x512xf32> -> vector<128x512xf32>
    %slice3A_174 = vector.extract_strided_slice %convert_element_type3A_8 {offsets = [0, 4, 0], sizes = [41, 1, 512], strides = [1, 1, 1]} : vector<41x16x512xbf16> to vector<41x1x512xbf16>
    %squeeze3A_175 = vector.shape_cast %slice3A_174 : vector<41x1x512xbf16> to vector<41x512xbf16>
    %get3A_176 = arith.constant 0 : index
    %get3A_177 = arith.constant 0 : index
    %get3A_178 = vector.load %arg6[%get3A_176, %get3A_177] : memref<128x41xbf16, #tpu.memory_space<vmem>>, vector<128x41xbf16>
    %dot_general3A_179 = arith.constant dense<0.000000e+00> : vector<128x512xf32>
    %dot_general3A_180 = tpu.matmul %get3A_178, %squeeze3A_175, %dot_general3A_179 {dimension_numbers = #tpu.dot_dimension_numbers<[1], [0], [0], [1], [0, 0, 1, 1], [], []>, transpose_lhs_hint = false} : vector<128x41xbf16>, vector<41x512xbf16>, vector<128x512xf32> -> vector<128x512xf32>
    %add3A_181 = arith.addf %dot_general3A_16, %dot_general3A_173 : vector<128x512xf32>
    %add3A_182 = arith.addf %add3A_181, %dot_general3A_180 : vector<128x512xf32>
    %convert_element_type3A_183 = arith.truncf %add3A_182 : vector<128x512xf32> to vector<128x512xbf16>
    %swap3A_184 = arith.constant 0 : index
    %swap3A_185 = arith.constant 4 : index
    %swap3A_186 = arith.constant 0 : index
    %swap3A_187 = vector.load %arg8[%swap3A_184, %swap3A_185, %swap3A_186] : memref<128x16x512xbf16, #tpu.memory_space<vmem>>, vector<128x1x512xbf16>
    %swap3A_188 = vector.shape_cast %swap3A_187 : vector<128x1x512xbf16> to vector<128x512xbf16>
    %swap3A_189 = vector.shape_cast %convert_element_type3A_183 : vector<128x512xbf16> to vector<128x1x512xbf16>
    tpu.vector_store %arg8[%swap3A_184, %swap3A_185, %swap3A_186], %swap3A_189 {strides = array<i32>} : memref<128x16x512xbf16, #tpu.memory_space<vmem>>, vector<128x1x512xbf16>,
    %jit3A_190 = arith.constant 0.000000e+00 : f32
    %broadcast_in_dim3A_191 = vector.shape_cast %lt3A_21 : vector<1x512xi1> to vector<1x512xi1>
    %broadcast_in_dim3A_192 = vector.broadcast %broadcast_in_dim3A_191 : vector<1x512xi1> to vector<128x512xi1>
    %broadcast_in_dim3A_193 = vector.broadcast %jit3A_190 : f32 to vector<128x512xf32>
    %select_n3A_194 = arith.select %broadcast_in_dim3A_192, %add3A_182, %broadcast_in_dim3A_193 : vector<128x512xi1>, vector<128x512xf32>
    %reduce_sum3A_195 = arith.constant dense<0.000000e+00> : vector<128xf32>
    %reduce_sum3A_196 = vector.multi_reduction <add>, %select_n3A_194, %reduce_sum3A_195 [1] : vector<128x512xf32> to vector<128xf32>
    %broadcast_in_dim3A_197 = vector.shape_cast %reduce_sum3A_196 : vector<128xf32> to vector<128x1xf32>
    %add3A_198 = arith.addf %add3A_161, %broadcast_in_dim3A_197 : vector<128x1xf32>
    %mul3A_199 = arith.mulf %select_n3A_194, %select_n3A_194 : vector<128x512xf32>
    %reduce_sum3A_200 = arith.constant dense<0.000000e+00> : vector<128xf32>
    %reduce_sum3A_201 = vector.multi_reduction <add>, %mul3A_199, %reduce_sum3A_200 [1] : vector<128x512xf32> to vector<128xf32>
    %broadcast_in_dim3A_202 = vector.shape_cast %reduce_sum3A_201 : vector<128xf32> to vector<128x1xf32>
    %add3A_203 = arith.addf %add3A_166, %broadcast_in_dim3A_202 : vector<128x1xf32>
    %slice3A_204 = vector.extract_strided_slice %convert_element_type3A {offsets = [0, 5, 0], sizes = [512, 1, 128], strides = [1, 1, 1]} : vector<512x16x128xbf16> to vector<512x1x128xbf16>
    %squeeze3A_205 = vector.shape_cast %slice3A_204 : vector<512x1x128xbf16> to vector<512x128xbf16>
    %get3A_206 = arith.constant 0 : index
    %get3A_207 = arith.constant 0 : index
    %get3A_208 = vector.load %arg5[%get3A_206, %get3A_207] : memref<128x128xbf16, #tpu.memory_space<vmem>>, vector<128x128xbf16>
    %dot_general3A_209 = arith.constant dense<0.000000e+00> : vector<128x512xf32>
    %dot_general3A_210 = tpu.matmul %get3A_208, %squeeze3A_205, %dot_general3A_209 {dimension_numbers = #tpu.dot_dimension_numbers<[1], [1], [0], [0], [0, 0, 1, 0], [], []>, transpose_lhs_hint = false} : vector<128x128xbf16>, vector<512x128xbf16>, vector<128x512xf32> -> vector<128x512xf32>
    %slice3A_211 = vector.extract_strided_slice %convert_element_type3A_8 {offsets = [0, 5, 0], sizes = [41, 1, 512], strides = [1, 1, 1]} : vector<41x16x512xbf16> to vector<41x1x512xbf16>
    %squeeze3A_212 = vector.shape_cast %slice3A_211 : vector<41x1x512xbf16> to vector<41x512xbf16>
    %get3A_213 = arith.constant 0 : index
    %get3A_214 = arith.constant 0 : index
    %get3A_215 = vector.load %arg6[%get3A_213, %get3A_214] : memref<128x41xbf16, #tpu.memory_space<vmem>>, vector<128x41xbf16>
    %dot_general3A_216 = arith.constant dense<0.000000e+00> : vector<128x512xf32>
    %dot_general3A_217 = tpu.matmul %get3A_215, %squeeze3A_212, %dot_general3A_216 {dimension_numbers = #tpu.dot_dimension_numbers<[1], [0], [0], [1], [0, 0, 1, 1], [], []>, transpose_lhs_hint = false} : vector<128x41xbf16>, vector<41x512xbf16>, vector<128x512xf32> -> vector<128x512xf32>
    %add3A_218 = arith.addf %dot_general3A_16, %dot_general3A_210 : vector<128x512xf32>
    %add3A_219 = arith.addf %add3A_218, %dot_general3A_217 : vector<128x512xf32>
    %convert_element_type3A_220 = arith.truncf %add3A_219 : vector<128x512xf32> to vector<128x512xbf16>
    %swap3A_221 = arith.constant 0 : index
    %swap3A_222 = arith.constant 5 : index
    %swap3A_223 = arith.constant 0 : index
    %swap3A_224 = vector.load %arg8[%swap3A_221, %swap3A_222, %swap3A_223] : memref<128x16x512xbf16, #tpu.memory_space<vmem>>, vector<128x1x512xbf16>
    %swap3A_225 = vector.shape_cast %swap3A_224 : vector<128x1x512xbf16> to vector<128x512xbf16>
    %swap3A_226 = vector.shape_cast %convert_element_type3A_220 : vector<128x512xbf16> to vector<128x1x512xbf16>
    tpu.vector_store %arg8[%swap3A_221, %swap3A_222, %swap3A_223], %swap3A_226 {strides = array<i32>} : memref<128x16x512xbf16, #tpu.memory_space<vmem>>, vector<128x1x512xbf16>,
    %jit3A_227 = arith.constant 0.000000e+00 : f32
    %broadcast_in_dim3A_228 = vector.shape_cast %lt3A_21 : vector<1x512xi1> to vector<1x512xi1>
    %broadcast_in_dim3A_229 = vector.broadcast %broadcast_in_dim3A_228 : vector<1x512xi1> to vector<128x512xi1>
    %broadcast_in_dim3A_230 = vector.broadcast %jit3A_227 : f32 to vector<128x512xf32>
    %select_n3A_231 = arith.select %broadcast_in_dim3A_229, %add3A_219, %broadcast_in_dim3A_230 : vector<128x512xi1>, vector<128x512xf32>
    %reduce_sum3A_232 = arith.constant dense<0.000000e+00> : vector<128xf32>
    %reduce_sum3A_233 = vector.multi_reduction <add>, %select_n3A_231, %reduce_sum3A_232 [1] : vector<128x512xf32> to vector<128xf32>
    %broadcast_in_dim3A_234 = vector.shape_cast %reduce_sum3A_233 : vector<128xf32> to vector<128x1xf32>
    %add3A_235 = arith.addf %add3A_198, %broadcast_in_dim3A_234 : vector<128x1xf32>
    %mul3A_236 = arith.mulf %select_n3A_231, %select_n3A_231 : vector<128x512xf32>
    %reduce_sum3A_237 = arith.constant dense<0.000000e+00> : vector<128xf32>
    %reduce_sum3A_238 = vector.multi_reduction <add>, %mul3A_236, %reduce_sum3A_237 [1] : vector<128x512xf32> to vector<128xf32>
    %broadcast_in_dim3A_239 = vector.shape_cast %reduce_sum3A_238 : vector<128xf32> to vector<128x1xf32>
    %add3A_240 = arith.addf %add3A_203, %broadcast_in_dim3A_239 : vector<128x1xf32>
    %slice3A_241 = vector.extract_strided_slice %convert_element_type3A {offsets = [0, 6, 0], sizes = [512, 1, 128], strides = [1, 1, 1]} : vector<512x16x128xbf16> to vector<512x1x128xbf16>
    %squeeze3A_242 = vector.shape_cast %slice3A_241 : vector<512x1x128xbf16> to vector<512x128xbf16>
    %get3A_243 = arith.constant 0 : index
    %get3A_244 = arith.constant 0 : index
    %get3A_245 = vector.load %arg5[%get3A_243, %get3A_244] : memref<128x128xbf16, #tpu.memory_space<vmem>>, vector<128x128xbf16>
    %dot_general3A_246 = arith.constant dense<0.000000e+00> : vector<128x512xf32>
    %dot_general3A_247 = tpu.matmul %get3A_245, %squeeze3A_242, %dot_general3A_246 {dimension_numbers = #tpu.dot_dimension_numbers<[1], [1], [0], [0], [0, 0, 1, 0], [], []>, transpose_lhs_hint = false} : vector<128x128xbf16>, vector<512x128xbf16>, vector<128x512xf32> -> vector<128x512xf32>
    %slice3A_248 = vector.extract_strided_slice %convert_element_type3A_8 {offsets = [0, 6, 0], sizes = [41, 1, 512], strides = [1, 1, 1]} : vector<41x16x512xbf16> to vector<41x1x512xbf16>
    %squeeze3A_249 = vector.shape_cast %slice3A_248 : vector<41x1x512xbf16> to vector<41x512xbf16>
    %get3A_250 = arith.constant 0 : index
    %get3A_251 = arith.constant 0 : index
    %get3A_252 = vector.load %arg6[%get3A_250, %get3A_251] : memref<128x41xbf16, #tpu.memory_space<vmem>>, vector<128x41xbf16>
    %dot_general3A_253 = arith.constant dense<0.000000e+00> : vector<128x512xf32>
    %dot_general3A_254 = tpu.matmul %get3A_252, %squeeze3A_249, %dot_general3A_253 {dimension_numbers = #tpu.dot_dimension_numbers<[1], [0], [0], [1], [0, 0, 1, 1], [], []>, transpose_lhs_hint = false} : vector<128x41xbf16>, vector<41x512xbf16>, vector<128x512xf32> -> vector<128x512xf32>
    %add3A_255 = arith.addf %dot_general3A_16, %dot_general3A_247 : vector<128x512xf32>
    %add3A_256 = arith.addf %add3A_255, %dot_general3A_254 : vector<128x512xf32>
    %convert_element_type3A_257 = arith.truncf %add3A_256 : vector<128x512xf32> to vector<128x512xbf16>
    %swap3A_258 = arith.constant 0 : index
    %swap3A_259 = arith.constant 6 : index
    %swap3A_260 = arith.constant 0 : index
    %swap3A_261 = vector.load %arg8[%swap3A_258, %swap3A_259, %swap3A_260] : memref<128x16x512xbf16, #tpu.memory_space<vmem>>, vector<128x1x512xbf16>
    %swap3A_262 = vector.shape_cast %swap3A_261 : vector<128x1x512xbf16> to vector<128x512xbf16>
    %swap3A_263 = vector.shape_cast %convert_element_type3A_257 : vector<128x512xbf16> to vector<128x1x512xbf16>
    tpu.vector_store %arg8[%swap3A_258, %swap3A_259, %swap3A_260], %swap3A_263 {strides = array<i32>} : memref<128x16x512xbf16, #tpu.memory_space<vmem>>, vector<128x1x512xbf16>,
    %jit3A_264 = arith.constant 0.000000e+00 : f32
    %broadcast_in_dim3A_265 = vector.shape_cast %lt3A_21 : vector<1x512xi1> to vector<1x512xi1>
    %broadcast_in_dim3A_266 = vector.broadcast %broadcast_in_dim3A_265 : vector<1x512xi1> to vector<128x512xi1>
    %broadcast_in_dim3A_267 = vector.broadcast %jit3A_264 : f32 to vector<128x512xf32>
    %select_n3A_268 = arith.select %broadcast_in_dim3A_266, %add3A_256, %broadcast_in_dim3A_267 : vector<128x512xi1>, vector<128x512xf32>
    %reduce_sum3A_269 = arith.constant dense<0.000000e+00> : vector<128xf32>
    %reduce_sum3A_270 = vector.multi_reduction <add>, %select_n3A_268, %reduce_sum3A_269 [1] : vector<128x512xf32> to vector<128xf32>
    %broadcast_in_dim3A_271 = vector.shape_cast %reduce_sum3A_270 : vector<128xf32> to vector<128x1xf32>
    %add3A_272 = arith.addf %add3A_235, %broadcast_in_dim3A_271 : vector<128x1xf32>
    %mul3A_273 = arith.mulf %select_n3A_268, %select_n3A_268 : vector<128x512xf32>
    %reduce_sum3A_274 = arith.constant dense<0.000000e+00> : vector<128xf32>
    %reduce_sum3A_275 = vector.multi_reduction <add>, %mul3A_273, %reduce_sum3A_274 [1] : vector<128x512xf32> to vector<128xf32>
    %broadcast_in_dim3A_276 = vector.shape_cast %reduce_sum3A_275 : vector<128xf32> to vector<128x1xf32>
    %add3A_277 = arith.addf %add3A_240, %broadcast_in_dim3A_276 : vector<128x1xf32>
    %slice3A_278 = vector.extract_strided_slice %convert_element_type3A {offsets = [0, 7, 0], sizes = [512, 1, 128], strides = [1, 1, 1]} : vector<512x16x128xbf16> to vector<512x1x128xbf16>
    %squeeze3A_279 = vector.shape_cast %slice3A_278 : vector<512x1x128xbf16> to vector<512x128xbf16>
    %get3A_280 = arith.constant 0 : index
    %get3A_281 = arith.constant 0 : index
    %get3A_282 = vector.load %arg5[%get3A_280, %get3A_281] : memref<128x128xbf16, #tpu.memory_space<vmem>>, vector<128x128xbf16>
    %dot_general3A_283 = arith.constant dense<0.000000e+00> : vector<128x512xf32>
    %dot_general3A_284 = tpu.matmul %get3A_282, %squeeze3A_279, %dot_general3A_283 {dimension_numbers = #tpu.dot_dimension_numbers<[1], [1], [0], [0], [0, 0, 1, 0], [], []>, transpose_lhs_hint = false} : vector<128x128xbf16>, vector<512x128xbf16>, vector<128x512xf32> -> vector<128x512xf32>
    %slice3A_285 = vector.extract_strided_slice %convert_element_type3A_8 {offsets = [0, 7, 0], sizes = [41, 1, 512], strides = [1, 1, 1]} : vector<41x16x512xbf16> to vector<41x1x512xbf16>
    %squeeze3A_286 = vector.shape_cast %slice3A_285 : vector<41x1x512xbf16> to vector<41x512xbf16>
    %get3A_287 = arith.constant 0 : index
    %get3A_288 = arith.constant 0 : index
    %get3A_289 = vector.load %arg6[%get3A_287, %get3A_288] : memref<128x41xbf16, #tpu.memory_space<vmem>>, vector<128x41xbf16>
    %dot_general3A_290 = arith.constant dense<0.000000e+00> : vector<128x512xf32>
    %dot_general3A_291 = tpu.matmul %get3A_289, %squeeze3A_286, %dot_general3A_290 {dimension_numbers = #tpu.dot_dimension_numbers<[1], [0], [0], [1], [0, 0, 1, 1], [], []>, transpose_lhs_hint = false} : vector<128x41xbf16>, vector<41x512xbf16>, vector<128x512xf32> -> vector<128x512xf32>
    %add3A_292 = arith.addf %dot_general3A_16, %dot_general3A_284 : vector<128x512xf32>
    %add3A_293 = arith.addf %add3A_292, %dot_general3A_291 : vector<128x512xf32>
    %convert_element_type3A_294 = arith.truncf %add3A_293 : vector<128x512xf32> to vector<128x512xbf16>
    %swap3A_295 = arith.constant 0 : index
    %swap3A_296 = arith.constant 7 : index
    %swap3A_297 = arith.constant 0 : index
    %swap3A_298 = vector.load %arg8[%swap3A_295, %swap3A_296, %swap3A_297] : memref<128x16x512xbf16, #tpu.memory_space<vmem>>, vector<128x1x512xbf16>
    %swap3A_299 = vector.shape_cast %swap3A_298 : vector<128x1x512xbf16> to vector<128x512xbf16>
    %swap3A_300 = vector.shape_cast %convert_element_type3A_294 : vector<128x512xbf16> to vector<128x1x512xbf16>
    tpu.vector_store %arg8[%swap3A_295, %swap3A_296, %swap3A_297], %swap3A_300 {strides = array<i32>} : memref<128x16x512xbf16, #tpu.memory_space<vmem>>, vector<128x1x512xbf16>,
    %jit3A_301 = arith.constant 0.000000e+00 : f32
    %broadcast_in_dim3A_302 = vector.shape_cast %lt3A_21 : vector<1x512xi1> to vector<1x512xi1>
    %broadcast_in_dim3A_303 = vector.broadcast %broadcast_in_dim3A_302 : vector<1x512xi1> to vector<128x512xi1>
    %broadcast_in_dim3A_304 = vector.broadcast %jit3A_301 : f32 to vector<128x512xf32>
    %select_n3A_305 = arith.select %broadcast_in_dim3A_303, %add3A_293, %broadcast_in_dim3A_304 : vector<128x512xi1>, vector<128x512xf32>
    %reduce_sum3A_306 = arith.constant dense<0.000000e+00> : vector<128xf32>
    %reduce_sum3A_307 = vector.multi_reduction <add>, %select_n3A_305, %reduce_sum3A_306 [1] : vector<128x512xf32> to vector<128xf32>
    %broadcast_in_dim3A_308 = vector.shape_cast %reduce_sum3A_307 : vector<128xf32> to vector<128x1xf32>
    %add3A_309 = arith.addf %add3A_272, %broadcast_in_dim3A_308 : vector<128x1xf32>
    %mul3A_310 = arith.mulf %select_n3A_305, %select_n3A_305 : vector<128x512xf32>
    %reduce_sum3A_311 = arith.constant dense<0.000000e+00> : vector<128xf32>
    %reduce_sum3A_312 = vector.multi_reduction <add>, %mul3A_310, %reduce_sum3A_311 [1] : vector<128x512xf32> to vector<128xf32>
    %broadcast_in_dim3A_313 = vector.shape_cast %reduce_sum3A_312 : vector<128xf32> to vector<128x1xf32>
    %add3A_314 = arith.addf %add3A_277, %broadcast_in_dim3A_313 : vector<128x1xf32>
    %slice3A_315 = vector.extract_strided_slice %convert_element_type3A {offsets = [0, 8, 0], sizes = [512, 1, 128], strides = [1, 1, 1]} : vector<512x16x128xbf16> to vector<512x1x128xbf16>
    %squeeze3A_316 = vector.shape_cast %slice3A_315 : vector<512x1x128xbf16> to vector<512x128xbf16>
    %get3A_317 = arith.constant 0 : index
    %get3A_318 = arith.constant 0 : index
    %get3A_319 = vector.load %arg5[%get3A_317, %get3A_318] : memref<128x128xbf16, #tpu.memory_space<vmem>>, vector<128x128xbf16>
    %dot_general3A_320 = arith.constant dense<0.000000e+00> : vector<128x512xf32>
    %dot_general3A_321 = tpu.matmul %get3A_319, %squeeze3A_316, %dot_general3A_320 {dimension_numbers = #tpu.dot_dimension_numbers<[1], [1], [0], [0], [0, 0, 1, 0], [], []>, transpose_lhs_hint = false} : vector<128x128xbf16>, vector<512x128xbf16>, vector<128x512xf32> -> vector<128x512xf32>
    %slice3A_322 = vector.extract_strided_slice %convert_element_type3A_8 {offsets = [0, 8, 0], sizes = [41, 1, 512], strides = [1, 1, 1]} : vector<41x16x512xbf16> to vector<41x1x512xbf16>
    %squeeze3A_323 = vector.shape_cast %slice3A_322 : vector<41x1x512xbf16> to vector<41x512xbf16>
    %get3A_324 = arith.constant 0 : index
    %get3A_325 = arith.constant 0 : index
    %get3A_326 = vector.load %arg6[%get3A_324, %get3A_325] : memref<128x41xbf16, #tpu.memory_space<vmem>>, vector<128x41xbf16>
    %dot_general3A_327 = arith.constant dense<0.000000e+00> : vector<128x512xf32>
    %dot_general3A_328 = tpu.matmul %get3A_326, %squeeze3A_323, %dot_general3A_327 {dimension_numbers = #tpu.dot_dimension_numbers<[1], [0], [0], [1], [0, 0, 1, 1], [], []>, transpose_lhs_hint = false} : vector<128x41xbf16>, vector<41x512xbf16>, vector<128x512xf32> -> vector<128x512xf32>
    %add3A_329 = arith.addf %dot_general3A_16, %dot_general3A_321 : vector<128x512xf32>
    %add3A_330 = arith.addf %add3A_329, %dot_general3A_328 : vector<128x512xf32>
    %convert_element_type3A_331 = arith.truncf %add3A_330 : vector<128x512xf32> to vector<128x512xbf16>
    %swap3A_332 = arith.constant 0 : index
    %swap3A_333 = arith.constant 8 : index
    %swap3A_334 = arith.constant 0 : index
    %swap3A_335 = vector.load %arg8[%swap3A_332, %swap3A_333, %swap3A_334] : memref<128x16x512xbf16, #tpu.memory_space<vmem>>, vector<128x1x512xbf16>
    %swap3A_336 = vector.shape_cast %swap3A_335 : vector<128x1x512xbf16> to vector<128x512xbf16>
    %swap3A_337 = vector.shape_cast %convert_element_type3A_331 : vector<128x512xbf16> to vector<128x1x512xbf16>
    tpu.vector_store %arg8[%swap3A_332, %swap3A_333, %swap3A_334], %swap3A_337 {strides = array<i32>} : memref<128x16x512xbf16, #tpu.memory_space<vmem>>, vector<128x1x512xbf16>,
    %jit3A_338 = arith.constant 0.000000e+00 : f32
    %broadcast_in_dim3A_339 = vector.shape_cast %lt3A_21 : vector<1x512xi1> to vector<1x512xi1>
    %broadcast_in_dim3A_340 = vector.broadcast %broadcast_in_dim3A_339 : vector<1x512xi1> to vector<128x512xi1>
    %broadcast_in_dim3A_341 = vector.broadcast %jit3A_338 : f32 to vector<128x512xf32>
    %select_n3A_342 = arith.select %broadcast_in_dim3A_340, %add3A_330, %broadcast_in_dim3A_341 : vector<128x512xi1>, vector<128x512xf32>
    %reduce_sum3A_343 = arith.constant dense<0.000000e+00> : vector<128xf32>
    %reduce_sum3A_344 = vector.multi_reduction <add>, %select_n3A_342, %reduce_sum3A_343 [1] : vector<128x512xf32> to vector<128xf32>
    %broadcast_in_dim3A_345 = vector.shape_cast %reduce_sum3A_344 : vector<128xf32> to vector<128x1xf32>
    %add3A_346 = arith.addf %add3A_309, %broadcast_in_dim3A_345 : vector<128x1xf32>
    %mul3A_347 = arith.mulf %select_n3A_342, %select_n3A_342 : vector<128x512xf32>
    %reduce_sum3A_348 = arith.constant dense<0.000000e+00> : vector<128xf32>
    %reduce_sum3A_349 = vector.multi_reduction <add>, %mul3A_347, %reduce_sum3A_348 [1] : vector<128x512xf32> to vector<128xf32>
    %broadcast_in_dim3A_350 = vector.shape_cast %reduce_sum3A_349 : vector<128xf32> to vector<128x1xf32>
    %add3A_351 = arith.addf %add3A_314, %broadcast_in_dim3A_350 : vector<128x1xf32>
    %slice3A_352 = vector.extract_strided_slice %convert_element_type3A {offsets = [0, 9, 0], sizes = [512, 1, 128], strides = [1, 1, 1]} : vector<512x16x128xbf16> to vector<512x1x128xbf16>
    %squeeze3A_353 = vector.shape_cast %slice3A_352 : vector<512x1x128xbf16> to vector<512x128xbf16>
    %get3A_354 = arith.constant 0 : index
    %get3A_355 = arith.constant 0 : index
    %get3A_356 = vector.load %arg5[%get3A_354, %get3A_355] : memref<128x128xbf16, #tpu.memory_space<vmem>>, vector<128x128xbf16>
    %dot_general3A_357 = arith.constant dense<0.000000e+00> : vector<128x512xf32>
    %dot_general3A_358 = tpu.matmul %get3A_356, %squeeze3A_353, %dot_general3A_357 {dimension_numbers = #tpu.dot_dimension_numbers<[1], [1], [0], [0], [0, 0, 1, 0], [], []>, transpose_lhs_hint = false} : vector<128x128xbf16>, vector<512x128xbf16>, vector<128x512xf32> -> vector<128x512xf32>
    %slice3A_359 = vector.extract_strided_slice %convert_element_type3A_8 {offsets = [0, 9, 0], sizes = [41, 1, 512], strides = [1, 1, 1]} : vector<41x16x512xbf16> to vector<41x1x512xbf16>
    %squeeze3A_360 = vector.shape_cast %slice3A_359 : vector<41x1x512xbf16> to vector<41x512xbf16>
    %get3A_361 = arith.constant 0 : index
    %get3A_362 = arith.constant 0 : index
    %get3A_363 = vector.load %arg6[%get3A_361, %get3A_362] : memref<128x41xbf16, #tpu.memory_space<vmem>>, vector<128x41xbf16>
    %dot_general3A_364 = arith.constant dense<0.000000e+00> : vector<128x512xf32>
    %dot_general3A_365 = tpu.matmul %get3A_363, %squeeze3A_360, %dot_general3A_364 {dimension_numbers = #tpu.dot_dimension_numbers<[1], [0], [0], [1], [0, 0, 1, 1], [], []>, transpose_lhs_hint = false} : vector<128x41xbf16>, vector<41x512xbf16>, vector<128x512xf32> -> vector<128x512xf32>
    %add3A_366 = arith.addf %dot_general3A_16, %dot_general3A_358 : vector<128x512xf32>
    %add3A_367 = arith.addf %add3A_366, %dot_general3A_365 : vector<128x512xf32>
    %convert_element_type3A_368 = arith.truncf %add3A_367 : vector<128x512xf32> to vector<128x512xbf16>
    %swap3A_369 = arith.constant 0 : index
    %swap3A_370 = arith.constant 9 : index
    %swap3A_371 = arith.constant 0 : index
    %swap3A_372 = vector.load %arg8[%swap3A_369, %swap3A_370, %swap3A_371] : memref<128x16x512xbf16, #tpu.memory_space<vmem>>, vector<128x1x512xbf16>
    %swap3A_373 = vector.shape_cast %swap3A_372 : vector<128x1x512xbf16> to vector<128x512xbf16>
    %swap3A_374 = vector.shape_cast %convert_element_type3A_368 : vector<128x512xbf16> to vector<128x1x512xbf16>
    tpu.vector_store %arg8[%swap3A_369, %swap3A_370, %swap3A_371], %swap3A_374 {strides = array<i32>} : memref<128x16x512xbf16, #tpu.memory_space<vmem>>, vector<128x1x512xbf16>,
    %jit3A_375 = arith.constant 0.000000e+00 : f32
    %broadcast_in_dim3A_376 = vector.shape_cast %lt3A_21 : vector<1x512xi1> to vector<1x512xi1>
    %broadcast_in_dim3A_377 = vector.broadcast %broadcast_in_dim3A_376 : vector<1x512xi1> to vector<128x512xi1>
    %broadcast_in_dim3A_378 = vector.broadcast %jit3A_375 : f32 to vector<128x512xf32>
    %select_n3A_379 = arith.select %broadcast_in_dim3A_377, %add3A_367, %broadcast_in_dim3A_378 : vector<128x512xi1>, vector<128x512xf32>
    %reduce_sum3A_380 = arith.constant dense<0.000000e+00> : vector<128xf32>
    %reduce_sum3A_381 = vector.multi_reduction <add>, %select_n3A_379, %reduce_sum3A_380 [1] : vector<128x512xf32> to vector<128xf32>
    %broadcast_in_dim3A_382 = vector.shape_cast %reduce_sum3A_381 : vector<128xf32> to vector<128x1xf32>
    %add3A_383 = arith.addf %add3A_346, %broadcast_in_dim3A_382 : vector<128x1xf32>
    %mul3A_384 = arith.mulf %select_n3A_379, %select_n3A_379 : vector<128x512xf32>
    %reduce_sum3A_385 = arith.constant dense<0.000000e+00> : vector<128xf32>
    %reduce_sum3A_386 = vector.multi_reduction <add>, %mul3A_384, %reduce_sum3A_385 [1] : vector<128x512xf32> to vector<128xf32>
    %broadcast_in_dim3A_387 = vector.shape_cast %reduce_sum3A_386 : vector<128xf32> to vector<128x1xf32>
    %add3A_388 = arith.addf %add3A_351, %broadcast_in_dim3A_387 : vector<128x1xf32>
    %slice3A_389 = vector.extract_strided_slice %convert_element_type3A {offsets = [0, 10, 0], sizes = [512, 1, 128], strides = [1, 1, 1]} : vector<512x16x128xbf16> to vector<512x1x128xbf16>
    %squeeze3A_390 = vector.shape_cast %slice3A_389 : vector<512x1x128xbf16> to vector<512x128xbf16>
    %get3A_391 = arith.constant 0 : index
    %get3A_392 = arith.constant 0 : index
    %get3A_393 = vector.load %arg5[%get3A_391, %get3A_392] : memref<128x128xbf16, #tpu.memory_space<vmem>>, vector<128x128xbf16>
    %dot_general3A_394 = arith.constant dense<0.000000e+00> : vector<128x512xf32>
    %dot_general3A_395 = tpu.matmul %get3A_393, %squeeze3A_390, %dot_general3A_394 {dimension_numbers = #tpu.dot_dimension_numbers<[1], [1], [0], [0], [0, 0, 1, 0], [], []>, transpose_lhs_hint = false} : vector<128x128xbf16>, vector<512x128xbf16>, vector<128x512xf32> -> vector<128x512xf32>
    %slice3A_396 = vector.extract_strided_slice %convert_element_type3A_8 {offsets = [0, 10, 0], sizes = [41, 1, 512], strides = [1, 1, 1]} : vector<41x16x512xbf16> to vector<41x1x512xbf16>
    %squeeze3A_397 = vector.shape_cast %slice3A_396 : vector<41x1x512xbf16> to vector<41x512xbf16>
    %get3A_398 = arith.constant 0 : index
    %get3A_399 = arith.constant 0 : index
    %get3A_400 = vector.load %arg6[%get3A_398, %get3A_399] : memref<128x41xbf16, #tpu.memory_space<vmem>>, vector<128x41xbf16>
    %dot_general3A_401 = arith.constant dense<0.000000e+00> : vector<128x512xf32>
    %dot_general3A_402 = tpu.matmul %get3A_400, %squeeze3A_397, %dot_general3A_401 {dimension_numbers = #tpu.dot_dimension_numbers<[1], [0], [0], [1], [0, 0, 1, 1], [], []>, transpose_lhs_hint = false} : vector<128x41xbf16>, vector<41x512xbf16>, vector<128x512xf32> -> vector<128x512xf32>
    %add3A_403 = arith.addf %dot_general3A_16, %dot_general3A_395 : vector<128x512xf32>
    %add3A_404 = arith.addf %add3A_403, %dot_general3A_402 : vector<128x512xf32>
    %convert_element_type3A_405 = arith.truncf %add3A_404 : vector<128x512xf32> to vector<128x512xbf16>
    %swap3A_406 = arith.constant 0 : index
    %swap3A_407 = arith.constant 10 : index
    %swap3A_408 = arith.constant 0 : index
    %swap3A_409 = vector.load %arg8[%swap3A_406, %swap3A_407, %swap3A_408] : memref<128x16x512xbf16, #tpu.memory_space<vmem>>, vector<128x1x512xbf16>
    %swap3A_410 = vector.shape_cast %swap3A_409 : vector<128x1x512xbf16> to vector<128x512xbf16>
    %swap3A_411 = vector.shape_cast %convert_element_type3A_405 : vector<128x512xbf16> to vector<128x1x512xbf16>
    tpu.vector_store %arg8[%swap3A_406, %swap3A_407, %swap3A_408], %swap3A_411 {strides = array<i32>} : memref<128x16x512xbf16, #tpu.memory_space<vmem>>, vector<128x1x512xbf16>,
    %jit3A_412 = arith.constant 0.000000e+00 : f32
    %broadcast_in_dim3A_413 = vector.shape_cast %lt3A_21 : vector<1x512xi1> to vector<1x512xi1>
    %broadcast_in_dim3A_414 = vector.broadcast %broadcast_in_dim3A_413 : vector<1x512xi1> to vector<128x512xi1>
    %broadcast_in_dim3A_415 = vector.broadcast %jit3A_412 : f32 to vector<128x512xf32>
    %select_n3A_416 = arith.select %broadcast_in_dim3A_414, %add3A_404, %broadcast_in_dim3A_415 : vector<128x512xi1>, vector<128x512xf32>
    %reduce_sum3A_417 = arith.constant dense<0.000000e+00> : vector<128xf32>
    %reduce_sum3A_418 = vector.multi_reduction <add>, %select_n3A_416, %reduce_sum3A_417 [1] : vector<128x512xf32> to vector<128xf32>
    %broadcast_in_dim3A_419 = vector.shape_cast %reduce_sum3A_418 : vector<128xf32> to vector<128x1xf32>
    %add3A_420 = arith.addf %add3A_383, %broadcast_in_dim3A_419 : vector<128x1xf32>
    %mul3A_421 = arith.mulf %select_n3A_416, %select_n3A_416 : vector<128x512xf32>
    %reduce_sum3A_422 = arith.constant dense<0.000000e+00> : vector<128xf32>
    %reduce_sum3A_423 = vector.multi_reduction <add>, %mul3A_421, %reduce_sum3A_422 [1] : vector<128x512xf32> to vector<128xf32>
    %broadcast_in_dim3A_424 = vector.shape_cast %reduce_sum3A_423 : vector<128xf32> to vector<128x1xf32>
    %add3A_425 = arith.addf %add3A_388, %broadcast_in_dim3A_424 : vector<128x1xf32>
    %slice3A_426 = vector.extract_strided_slice %convert_element_type3A {offsets = [0, 11, 0], sizes = [512, 1, 128], strides = [1, 1, 1]} : vector<512x16x128xbf16> to vector<512x1x128xbf16>
    %squeeze3A_427 = vector.shape_cast %slice3A_426 : vector<512x1x128xbf16> to vector<512x128xbf16>
    %get3A_428 = arith.constant 0 : index
    %get3A_429 = arith.constant 0 : index
    %get3A_430 = vector.load %arg5[%get3A_428, %get3A_429] : memref<128x128xbf16, #tpu.memory_space<vmem>>, vector<128x128xbf16>
    %dot_general3A_431 = arith.constant dense<0.000000e+00> : vector<128x512xf32>
    %dot_general3A_432 = tpu.matmul %get3A_430, %squeeze3A_427, %dot_general3A_431 {dimension_numbers = #tpu.dot_dimension_numbers<[1], [1], [0], [0], [0, 0, 1, 0], [], []>, transpose_lhs_hint = false} : vector<128x128xbf16>, vector<512x128xbf16>, vector<128x512xf32> -> vector<128x512xf32>
    %slice3A_433 = vector.extract_strided_slice %convert_element_type3A_8 {offsets = [0, 11, 0], sizes = [41, 1, 512], strides = [1, 1, 1]} : vector<41x16x512xbf16> to vector<41x1x512xbf16>
    %squeeze3A_434 = vector.shape_cast %slice3A_433 : vector<41x1x512xbf16> to vector<41x512xbf16>
    %get3A_435 = arith.constant 0 : index
    %get3A_436 = arith.constant 0 : index
    %get3A_437 = vector.load %arg6[%get3A_435, %get3A_436] : memref<128x41xbf16, #tpu.memory_space<vmem>>, vector<128x41xbf16>
    %dot_general3A_438 = arith.constant dense<0.000000e+00> : vector<128x512xf32>
    %dot_general3A_439 = tpu.matmul %get3A_437, %squeeze3A_434, %dot_general3A_438 {dimension_numbers = #tpu.dot_dimension_numbers<[1], [0], [0], [1], [0, 0, 1, 1], [], []>, transpose_lhs_hint = false} : vector<128x41xbf16>, vector<41x512xbf16>, vector<128x512xf32> -> vector<128x512xf32>
    %add3A_440 = arith.addf %dot_general3A_16, %dot_general3A_432 : vector<128x512xf32>
    %add3A_441 = arith.addf %add3A_440, %dot_general3A_439 : vector<128x512xf32>
    %convert_element_type3A_442 = arith.truncf %add3A_441 : vector<128x512xf32> to vector<128x512xbf16>
    %swap3A_443 = arith.constant 0 : index
    %swap3A_444 = arith.constant 11 : index
    %swap3A_445 = arith.constant 0 : index
    %swap3A_446 = vector.load %arg8[%swap3A_443, %swap3A_444, %swap3A_445] : memref<128x16x512xbf16, #tpu.memory_space<vmem>>, vector<128x1x512xbf16>
    %swap3A_447 = vector.shape_cast %swap3A_446 : vector<128x1x512xbf16> to vector<128x512xbf16>
    %swap3A_448 = vector.shape_cast %convert_element_type3A_442 : vector<128x512xbf16> to vector<128x1x512xbf16>
    tpu.vector_store %arg8[%swap3A_443, %swap3A_444, %swap3A_445], %swap3A_448 {strides = array<i32>} : memref<128x16x512xbf16, #tpu.memory_space<vmem>>, vector<128x1x512xbf16>,
    %jit3A_449 = arith.constant 0.000000e+00 : f32
    %broadcast_in_dim3A_450 = vector.shape_cast %lt3A_21 : vector<1x512xi1> to vector<1x512xi1>
    %broadcast_in_dim3A_451 = vector.broadcast %broadcast_in_dim3A_450 : vector<1x512xi1> to vector<128x512xi1>
    %broadcast_in_dim3A_452 = vector.broadcast %jit3A_449 : f32 to vector<128x512xf32>
    %select_n3A_453 = arith.select %broadcast_in_dim3A_451, %add3A_441, %broadcast_in_dim3A_452 : vector<128x512xi1>, vector<128x512xf32>
    %reduce_sum3A_454 = arith.constant dense<0.000000e+00> : vector<128xf32>
    %reduce_sum3A_455 = vector.multi_reduction <add>, %select_n3A_453, %reduce_sum3A_454 [1] : vector<128x512xf32> to vector<128xf32>
    %broadcast_in_dim3A_456 = vector.shape_cast %reduce_sum3A_455 : vector<128xf32> to vector<128x1xf32>
    %add3A_457 = arith.addf %add3A_420, %broadcast_in_dim3A_456 : vector<128x1xf32>
    %mul3A_458 = arith.mulf %select_n3A_453, %select_n3A_453 : vector<128x512xf32>
    %reduce_sum3A_459 = arith.constant dense<0.000000e+00> : vector<128xf32>
    %reduce_sum3A_460 = vector.multi_reduction <add>, %mul3A_458, %reduce_sum3A_459 [1] : vector<128x512xf32> to vector<128xf32>
    %broadcast_in_dim3A_461 = vector.shape_cast %reduce_sum3A_460 : vector<128xf32> to vector<128x1xf32>
    %add3A_462 = arith.addf %add3A_425, %broadcast_in_dim3A_461 : vector<128x1xf32>
    %slice3A_463 = vector.extract_strided_slice %convert_element_type3A {offsets = [0, 12, 0], sizes = [512, 1, 128], strides = [1, 1, 1]} : vector<512x16x128xbf16> to vector<512x1x128xbf16>
    %squeeze3A_464 = vector.shape_cast %slice3A_463 : vector<512x1x128xbf16> to vector<512x128xbf16>
    %get3A_465 = arith.constant 0 : index
    %get3A_466 = arith.constant 0 : index
    %get3A_467 = vector.load %arg5[%get3A_465, %get3A_466] : memref<128x128xbf16, #tpu.memory_space<vmem>>, vector<128x128xbf16>
    %dot_general3A_468 = arith.constant dense<0.000000e+00> : vector<128x512xf32>
    %dot_general3A_469 = tpu.matmul %get3A_467, %squeeze3A_464, %dot_general3A_468 {dimension_numbers = #tpu.dot_dimension_numbers<[1], [1], [0], [0], [0, 0, 1, 0], [], []>, transpose_lhs_hint = false} : vector<128x128xbf16>, vector<512x128xbf16>, vector<128x512xf32> -> vector<128x512xf32>
    %slice3A_470 = vector.extract_strided_slice %convert_element_type3A_8 {offsets = [0, 12, 0], sizes = [41, 1, 512], strides = [1, 1, 1]} : vector<41x16x512xbf16> to vector<41x1x512xbf16>
    %squeeze3A_471 = vector.shape_cast %slice3A_470 : vector<41x1x512xbf16> to vector<41x512xbf16>
    %get3A_472 = arith.constant 0 : index
    %get3A_473 = arith.constant 0 : index
    %get3A_474 = vector.load %arg6[%get3A_472, %get3A_473] : memref<128x41xbf16, #tpu.memory_space<vmem>>, vector<128x41xbf16>
    %dot_general3A_475 = arith.constant dense<0.000000e+00> : vector<128x512xf32>
    %dot_general3A_476 = tpu.matmul %get3A_474, %squeeze3A_471, %dot_general3A_475 {dimension_numbers = #tpu.dot_dimension_numbers<[1], [0], [0], [1], [0, 0, 1, 1], [], []>, transpose_lhs_hint = false} : vector<128x41xbf16>, vector<41x512xbf16>, vector<128x512xf32> -> vector<128x512xf32>
    %add3A_477 = arith.addf %dot_general3A_16, %dot_general3A_469 : vector<128x512xf32>
    %add3A_478 = arith.addf %add3A_477, %dot_general3A_476 : vector<128x512xf32>
    %convert_element_type3A_479 = arith.truncf %add3A_478 : vector<128x512xf32> to vector<128x512xbf16>
    %swap3A_480 = arith.constant 0 : index
    %swap3A_481 = arith.constant 12 : index
    %swap3A_482 = arith.constant 0 : index
    %swap3A_483 = vector.load %arg8[%swap3A_480, %swap3A_481, %swap3A_482] : memref<128x16x512xbf16, #tpu.memory_space<vmem>>, vector<128x1x512xbf16>
    %swap3A_484 = vector.shape_cast %swap3A_483 : vector<128x1x512xbf16> to vector<128x512xbf16>
    %swap3A_485 = vector.shape_cast %convert_element_type3A_479 : vector<128x512xbf16> to vector<128x1x512xbf16>
    tpu.vector_store %arg8[%swap3A_480, %swap3A_481, %swap3A_482], %swap3A_485 {strides = array<i32>} : memref<128x16x512xbf16, #tpu.memory_space<vmem>>, vector<128x1x512xbf16>,
    %jit3A_486 = arith.constant 0.000000e+00 : f32
    %broadcast_in_dim3A_487 = vector.shape_cast %lt3A_21 : vector<1x512xi1> to vector<1x512xi1>
    %broadcast_in_dim3A_488 = vector.broadcast %broadcast_in_dim3A_487 : vector<1x512xi1> to vector<128x512xi1>
    %broadcast_in_dim3A_489 = vector.broadcast %jit3A_486 : f32 to vector<128x512xf32>
    %select_n3A_490 = arith.select %broadcast_in_dim3A_488, %add3A_478, %broadcast_in_dim3A_489 : vector<128x512xi1>, vector<128x512xf32>
    %reduce_sum3A_491 = arith.constant dense<0.000000e+00> : vector<128xf32>
    %reduce_sum3A_492 = vector.multi_reduction <add>, %select_n3A_490, %reduce_sum3A_491 [1] : vector<128x512xf32> to vector<128xf32>
    %broadcast_in_dim3A_493 = vector.shape_cast %reduce_sum3A_492 : vector<128xf32> to vector<128x1xf32>
    %add3A_494 = arith.addf %add3A_457, %broadcast_in_dim3A_493 : vector<128x1xf32>
    %mul3A_495 = arith.mulf %select_n3A_490, %select_n3A_490 : vector<128x512xf32>
    %reduce_sum3A_496 = arith.constant dense<0.000000e+00> : vector<128xf32>
    %reduce_sum3A_497 = vector.multi_reduction <add>, %mul3A_495, %reduce_sum3A_496 [1] : vector<128x512xf32> to vector<128xf32>
    %broadcast_in_dim3A_498 = vector.shape_cast %reduce_sum3A_497 : vector<128xf32> to vector<128x1xf32>
    %add3A_499 = arith.addf %add3A_462, %broadcast_in_dim3A_498 : vector<128x1xf32>
    %slice3A_500 = vector.extract_strided_slice %convert_element_type3A {offsets = [0, 13, 0], sizes = [512, 1, 128], strides = [1, 1, 1]} : vector<512x16x128xbf16> to vector<512x1x128xbf16>
    %squeeze3A_501 = vector.shape_cast %slice3A_500 : vector<512x1x128xbf16> to vector<512x128xbf16>
    %get3A_502 = arith.constant 0 : index
    %get3A_503 = arith.constant 0 : index
    %get3A_504 = vector.load %arg5[%get3A_502, %get3A_503] : memref<128x128xbf16, #tpu.memory_space<vmem>>, vector<128x128xbf16>
    %dot_general3A_505 = arith.constant dense<0.000000e+00> : vector<128x512xf32>
    %dot_general3A_506 = tpu.matmul %get3A_504, %squeeze3A_501, %dot_general3A_505 {dimension_numbers = #tpu.dot_dimension_numbers<[1], [1], [0], [0], [0, 0, 1, 0], [], []>, transpose_lhs_hint = false} : vector<128x128xbf16>, vector<512x128xbf16>, vector<128x512xf32> -> vector<128x512xf32>
    %slice3A_507 = vector.extract_strided_slice %convert_element_type3A_8 {offsets = [0, 13, 0], sizes = [41, 1, 512], strides = [1, 1, 1]} : vector<41x16x512xbf16> to vector<41x1x512xbf16>
    %squeeze3A_508 = vector.shape_cast %slice3A_507 : vector<41x1x512xbf16> to vector<41x512xbf16>
    %get3A_509 = arith.constant 0 : index
    %get3A_510 = arith.constant 0 : index
    %get3A_511 = vector.load %arg6[%get3A_509, %get3A_510] : memref<128x41xbf16, #tpu.memory_space<vmem>>, vector<128x41xbf16>
    %dot_general3A_512 = arith.constant dense<0.000000e+00> : vector<128x512xf32>
    %dot_general3A_513 = tpu.matmul %get3A_511, %squeeze3A_508, %dot_general3A_512 {dimension_numbers = #tpu.dot_dimension_numbers<[1], [0], [0], [1], [0, 0, 1, 1], [], []>, transpose_lhs_hint = false} : vector<128x41xbf16>, vector<41x512xbf16>, vector<128x512xf32> -> vector<128x512xf32>
    %add3A_514 = arith.addf %dot_general3A_16, %dot_general3A_506 : vector<128x512xf32>
    %add3A_515 = arith.addf %add3A_514, %dot_general3A_513 : vector<128x512xf32>
    %convert_element_type3A_516 = arith.truncf %add3A_515 : vector<128x512xf32> to vector<128x512xbf16>
    %swap3A_517 = arith.constant 0 : index
    %swap3A_518 = arith.constant 13 : index
    %swap3A_519 = arith.constant 0 : index
    %swap3A_520 = vector.load %arg8[%swap3A_517, %swap3A_518, %swap3A_519] : memref<128x16x512xbf16, #tpu.memory_space<vmem>>, vector<128x1x512xbf16>
    %swap3A_521 = vector.shape_cast %swap3A_520 : vector<128x1x512xbf16> to vector<128x512xbf16>
    %swap3A_522 = vector.shape_cast %convert_element_type3A_516 : vector<128x512xbf16> to vector<128x1x512xbf16>
    tpu.vector_store %arg8[%swap3A_517, %swap3A_518, %swap3A_519], %swap3A_522 {strides = array<i32>} : memref<128x16x512xbf16, #tpu.memory_space<vmem>>, vector<128x1x512xbf16>,
    %jit3A_523 = arith.constant 0.000000e+00 : f32
    %broadcast_in_dim3A_524 = vector.shape_cast %lt3A_21 : vector<1x512xi1> to vector<1x512xi1>
    %broadcast_in_dim3A_525 = vector.broadcast %broadcast_in_dim3A_524 : vector<1x512xi1> to vector<128x512xi1>
    %broadcast_in_dim3A_526 = vector.broadcast %jit3A_523 : f32 to vector<128x512xf32>
    %select_n3A_527 = arith.select %broadcast_in_dim3A_525, %add3A_515, %broadcast_in_dim3A_526 : vector<128x512xi1>, vector<128x512xf32>
    %reduce_sum3A_528 = arith.constant dense<0.000000e+00> : vector<128xf32>
    %reduce_sum3A_529 = vector.multi_reduction <add>, %select_n3A_527, %reduce_sum3A_528 [1] : vector<128x512xf32> to vector<128xf32>
    %broadcast_in_dim3A_530 = vector.shape_cast %reduce_sum3A_529 : vector<128xf32> to vector<128x1xf32>
    %add3A_531 = arith.addf %add3A_494, %broadcast_in_dim3A_530 : vector<128x1xf32>
    %mul3A_532 = arith.mulf %select_n3A_527, %select_n3A_527 : vector<128x512xf32>
    %reduce_sum3A_533 = arith.constant dense<0.000000e+00> : vector<128xf32>
    %reduce_sum3A_534 = vector.multi_reduction <add>, %mul3A_532, %reduce_sum3A_533 [1] : vector<128x512xf32> to vector<128xf32>
    %broadcast_in_dim3A_535 = vector.shape_cast %reduce_sum3A_534 : vector<128xf32> to vector<128x1xf32>
    %add3A_536 = arith.addf %add3A_499, %broadcast_in_dim3A_535 : vector<128x1xf32>
    %slice3A_537 = vector.extract_strided_slice %convert_element_type3A {offsets = [0, 14, 0], sizes = [512, 1, 128], strides = [1, 1, 1]} : vector<512x16x128xbf16> to vector<512x1x128xbf16>
    %squeeze3A_538 = vector.shape_cast %slice3A_537 : vector<512x1x128xbf16> to vector<512x128xbf16>
    %get3A_539 = arith.constant 0 : index
    %get3A_540 = arith.constant 0 : index
    %get3A_541 = vector.load %arg5[%get3A_539, %get3A_540] : memref<128x128xbf16, #tpu.memory_space<vmem>>, vector<128x128xbf16>
    %dot_general3A_542 = arith.constant dense<0.000000e+00> : vector<128x512xf32>
    %dot_general3A_543 = tpu.matmul %get3A_541, %squeeze3A_538, %dot_general3A_542 {dimension_numbers = #tpu.dot_dimension_numbers<[1], [1], [0], [0], [0, 0, 1, 0], [], []>, transpose_lhs_hint = false} : vector<128x128xbf16>, vector<512x128xbf16>, vector<128x512xf32> -> vector<128x512xf32>
    %slice3A_544 = vector.extract_strided_slice %convert_element_type3A_8 {offsets = [0, 14, 0], sizes = [41, 1, 512], strides = [1, 1, 1]} : vector<41x16x512xbf16> to vector<41x1x512xbf16>
    %squeeze3A_545 = vector.shape_cast %slice3A_544 : vector<41x1x512xbf16> to vector<41x512xbf16>
    %get3A_546 = arith.constant 0 : index
    %get3A_547 = arith.constant 0 : index
    %get3A_548 = vector.load %arg6[%get3A_546, %get3A_547] : memref<128x41xbf16, #tpu.memory_space<vmem>>, vector<128x41xbf16>
    %dot_general3A_549 = arith.constant dense<0.000000e+00> : vector<128x512xf32>
    %dot_general3A_550 = tpu.matmul %get3A_548, %squeeze3A_545, %dot_general3A_549 {dimension_numbers = #tpu.dot_dimension_numbers<[1], [0], [0], [1], [0, 0, 1, 1], [], []>, transpose_lhs_hint = false} : vector<128x41xbf16>, vector<41x512xbf16>, vector<128x512xf32> -> vector<128x512xf32>
    %add3A_551 = arith.addf %dot_general3A_16, %dot_general3A_543 : vector<128x512xf32>
    %add3A_552 = arith.addf %add3A_551, %dot_general3A_550 : vector<128x512xf32>
    %convert_element_type3A_553 = arith.truncf %add3A_552 : vector<128x512xf32> to vector<128x512xbf16>
    %swap3A_554 = arith.constant 0 : index
    %swap3A_555 = arith.constant 14 : index
    %swap3A_556 = arith.constant 0 : index
    %swap3A_557 = vector.load %arg8[%swap3A_554, %swap3A_555, %swap3A_556] : memref<128x16x512xbf16, #tpu.memory_space<vmem>>, vector<128x1x512xbf16>
    %swap3A_558 = vector.shape_cast %swap3A_557 : vector<128x1x512xbf16> to vector<128x512xbf16>
    %swap3A_559 = vector.shape_cast %convert_element_type3A_553 : vector<128x512xbf16> to vector<128x1x512xbf16>
    tpu.vector_store %arg8[%swap3A_554, %swap3A_555, %swap3A_556], %swap3A_559 {strides = array<i32>} : memref<128x16x512xbf16, #tpu.memory_space<vmem>>, vector<128x1x512xbf16>,
    %jit3A_560 = arith.constant 0.000000e+00 : f32
    %broadcast_in_dim3A_561 = vector.shape_cast %lt3A_21 : vector<1x512xi1> to vector<1x512xi1>
    %broadcast_in_dim3A_562 = vector.broadcast %broadcast_in_dim3A_561 : vector<1x512xi1> to vector<128x512xi1>
    %broadcast_in_dim3A_563 = vector.broadcast %jit3A_560 : f32 to vector<128x512xf32>
    %select_n3A_564 = arith.select %broadcast_in_dim3A_562, %add3A_552, %broadcast_in_dim3A_563 : vector<128x512xi1>, vector<128x512xf32>
    %reduce_sum3A_565 = arith.constant dense<0.000000e+00> : vector<128xf32>
    %reduce_sum3A_566 = vector.multi_reduction <add>, %select_n3A_564, %reduce_sum3A_565 [1] : vector<128x512xf32> to vector<128xf32>
    %broadcast_in_dim3A_567 = vector.shape_cast %reduce_sum3A_566 : vector<128xf32> to vector<128x1xf32>
    %add3A_568 = arith.addf %add3A_531, %broadcast_in_dim3A_567 : vector<128x1xf32>
    %mul3A_569 = arith.mulf %select_n3A_564, %select_n3A_564 : vector<128x512xf32>
    %reduce_sum3A_570 = arith.constant dense<0.000000e+00> : vector<128xf32>
    %reduce_sum3A_571 = vector.multi_reduction <add>, %mul3A_569, %reduce_sum3A_570 [1] : vector<128x512xf32> to vector<128xf32>
    %broadcast_in_dim3A_572 = vector.shape_cast %reduce_sum3A_571 : vector<128xf32> to vector<128x1xf32>
    %add3A_573 = arith.addf %add3A_536, %broadcast_in_dim3A_572 : vector<128x1xf32>
    %slice3A_574 = vector.extract_strided_slice %convert_element_type3A {offsets = [0, 15, 0], sizes = [512, 1, 128], strides = [1, 1, 1]} : vector<512x16x128xbf16> to vector<512x1x128xbf16>
    %squeeze3A_575 = vector.shape_cast %slice3A_574 : vector<512x1x128xbf16> to vector<512x128xbf16>
    %get3A_576 = arith.constant 0 : index
    %get3A_577 = arith.constant 0 : index
    %get3A_578 = vector.load %arg5[%get3A_576, %get3A_577] : memref<128x128xbf16, #tpu.memory_space<vmem>>, vector<128x128xbf16>
    %dot_general3A_579 = arith.constant dense<0.000000e+00> : vector<128x512xf32>
    %dot_general3A_580 = tpu.matmul %get3A_578, %squeeze3A_575, %dot_general3A_579 {dimension_numbers = #tpu.dot_dimension_numbers<[1], [1], [0], [0], [0, 0, 1, 0], [], []>, transpose_lhs_hint = false} : vector<128x128xbf16>, vector<512x128xbf16>, vector<128x512xf32> -> vector<128x512xf32>
    %slice3A_581 = vector.extract_strided_slice %convert_element_type3A_8 {offsets = [0, 15, 0], sizes = [41, 1, 512], strides = [1, 1, 1]} : vector<41x16x512xbf16> to vector<41x1x512xbf16>
    %squeeze3A_582 = vector.shape_cast %slice3A_581 : vector<41x1x512xbf16> to vector<41x512xbf16>
    %get3A_583 = arith.constant 0 : index
    %get3A_584 = arith.constant 0 : index
    %get3A_585 = vector.load %arg6[%get3A_583, %get3A_584] : memref<128x41xbf16, #tpu.memory_space<vmem>>, vector<128x41xbf16>
    %dot_general3A_586 = arith.constant dense<0.000000e+00> : vector<128x512xf32>
    %dot_general3A_587 = tpu.matmul %get3A_585, %squeeze3A_582, %dot_general3A_586 {dimension_numbers = #tpu.dot_dimension_numbers<[1], [0], [0], [1], [0, 0, 1, 1], [], []>, transpose_lhs_hint = false} : vector<128x41xbf16>, vector<41x512xbf16>, vector<128x512xf32> -> vector<128x512xf32>
    %add3A_588 = arith.addf %dot_general3A_16, %dot_general3A_580 : vector<128x512xf32>
    %add3A_589 = arith.addf %add3A_588, %dot_general3A_587 : vector<128x512xf32>
    %convert_element_type3A_590 = arith.truncf %add3A_589 : vector<128x512xf32> to vector<128x512xbf16>
    %swap3A_591 = arith.constant 0 : index
    %swap3A_592 = arith.constant 15 : index
    %swap3A_593 = arith.constant 0 : index
    %swap3A_594 = vector.load %arg8[%swap3A_591, %swap3A_592, %swap3A_593] : memref<128x16x512xbf16, #tpu.memory_space<vmem>>, vector<128x1x512xbf16>
    %swap3A_595 = vector.shape_cast %swap3A_594 : vector<128x1x512xbf16> to vector<128x512xbf16>
    %swap3A_596 = vector.shape_cast %convert_element_type3A_590 : vector<128x512xbf16> to vector<128x1x512xbf16>
    tpu.vector_store %arg8[%swap3A_591, %swap3A_592, %swap3A_593], %swap3A_596 {strides = array<i32>} : memref<128x16x512xbf16, #tpu.memory_space<vmem>>, vector<128x1x512xbf16>,
    %jit3A_597 = arith.constant 0.000000e+00 : f32
    %broadcast_in_dim3A_598 = vector.shape_cast %lt3A_21 : vector<1x512xi1> to vector<1x512xi1>
    %broadcast_in_dim3A_599 = vector.broadcast %broadcast_in_dim3A_598 : vector<1x512xi1> to vector<128x512xi1>
    %broadcast_in_dim3A_600 = vector.broadcast %jit3A_597 : f32 to vector<128x512xf32>
    %select_n3A_601 = arith.select %broadcast_in_dim3A_599, %add3A_589, %broadcast_in_dim3A_600 : vector<128x512xi1>, vector<128x512xf32>
    %reduce_sum3A_602 = arith.constant dense<0.000000e+00> : vector<128xf32>
    %reduce_sum3A_603 = vector.multi_reduction <add>, %select_n3A_601, %reduce_sum3A_602 [1] : vector<128x512xf32> to vector<128xf32>
    %broadcast_in_dim3A_604 = vector.shape_cast %reduce_sum3A_603 : vector<128xf32> to vector<128x1xf32>
    %add3A_605 = arith.addf %add3A_568, %broadcast_in_dim3A_604 : vector<128x1xf32>
    %mul3A_606 = arith.mulf %select_n3A_601, %select_n3A_601 : vector<128x512xf32>
    %reduce_sum3A_607 = arith.constant dense<0.000000e+00> : vector<128xf32>
    %reduce_sum3A_608 = vector.multi_reduction <add>, %mul3A_606, %reduce_sum3A_607 [1] : vector<128x512xf32> to vector<128xf32>
    %broadcast_in_dim3A_609 = vector.shape_cast %reduce_sum3A_608 : vector<128xf32> to vector<128x1xf32>
    %add3A_610 = arith.addf %add3A_573, %broadcast_in_dim3A_609 : vector<128x1xf32>
    %concatenate3A = tpu.concatenate %add3A_605, %add3A_610 in 1 : vector<128x1xf32>, vector<128x1xf32> -> vector<128x2xf32>
    %eq3A = arith.constant 0 : i32
    %eq3A_611 = arith.cmpi eq, %arg0, %eq3A : i32
    %convert_element_type3A_612 = arith.extui %eq3A_611 : i1 to i32
    %cond3A = arith.constant 0 : i32
    %cond3A_613 = arith.cmpi ne, %convert_element_type3A_612, %cond3A : i32
    scf.if %cond3A_613 {
      %broadcast_in_dim3A_621 = arith.constant 0.000000e+00 : f32
      %broadcast_in_dim3A_622 = vector.broadcast %broadcast_in_dim3A_621 : f32 to vector<128x2xf32>
      %swap3A_623 = arith.constant 0 : index
      %swap3A_624 = arith.constant 0 : index
      %swap3A_625 = vector.load %arg7[%swap3A_623, %swap3A_624] : memref<128x2xf32, #tpu.memory_space<vmem>>, vector<128x2xf32>
      tpu.vector_store %arg7[%swap3A_623, %swap3A_624], %broadcast_in_dim3A_622 {strides = array<i32>} : memref<128x2xf32, #tpu.memory_space<vmem>>, vector<128x2xf32>,
    } else {
    }
    %get3A_614 = arith.constant 0 : index
    %get3A_615 = arith.constant 0 : index
    %get3A_616 = vector.load %arg7[%get3A_614, %get3A_615] : memref<128x2xf32, #tpu.memory_space<vmem>>, vector<128x2xf32>
    %add3A_617 = arith.addf %get3A_616, %concatenate3A : vector<128x2xf32>
    %swap3A_618 = arith.constant 0 : index
    %swap3A_619 = arith.constant 0 : index
    %swap3A_620 = vector.load %arg7[%swap3A_618, %swap3A_619] : memref<128x2xf32, #tpu.memory_space<vmem>>, vector<128x2xf32>
    tpu.vector_store %arg7[%swap3A_618, %swap3A_619], %add3A_617 {strides = array<i32>} : memref<128x2xf32, #tpu.memory_space<vmem>>, vector<128x2xf32>,
    return
  }
  func.func @transform_0(%arg0: i32) -> (i32, i32) {
    %add3A = arith.constant 0 : i32
    %add3A_0 = arith.addi %arg0, %add3A : i32
    %c0_i32 = arith.constant 0 : i32
    %c0_i32_1 = arith.constant 0 : i32
    return %c0_i32, %add3A_0 : i32, i32
  }
  func.func @transform_1(%arg0: i32) -> (i32, i32, i32) {
    %c0_i32 = arith.constant 0 : i32
    %c0_i32_0 = arith.constant 0 : i32
    %c0_i32_1 = arith.constant 0 : i32
    return %arg0, %c0_i32, %c0_i32_0 : i32, i32, i32
  }
  func.func @transform_2(%arg0: i32) -> (i32, i32, i32) {
    %add3A = arith.constant 0 : i32
    %add3A_0 = arith.addi %arg0, %add3A : i32
    %c0_i32 = arith.constant 0 : i32
    %c0_i32_1 = arith.constant 0 : i32
    %c0_i32_2 = arith.constant 0 : i32
    return %c0_i32, %c0_i32_1, %add3A_0 : i32, i32, i32
  }
  func.func @transform_3(%arg0: i32) -> (i32, i32) {
    %c0_i32 = arith.constant 0 : i32
    %c0_i32_0 = arith.constant 0 : i32
    %c0_i32_1 = arith.constant 0 : i32
    return %c0_i32, %c0_i32_0 : i32, i32
  }
  func.func @transform_4(%arg0: i32) -> (i32, i32) {
    %c0_i32 = arith.constant 0 : i32
    %c0_i32_0 = arith.constant 0 : i32
    %c0_i32_1 = arith.constant 0 : i32
    return %c0_i32, %c0_i32_0 : i32, i32
  }
  func.func @transform_5(%arg0: i32) -> (i32, i32) {
    %c0_i32 = arith.constant 0 : i32
    %c0_i32_0 = arith.constant 0 : i32
    %c0_i32_1 = arith.constant 0 : i32
    return %c0_i32, %c0_i32_0 : i32, i32
  }
  func.func @transform_6(%arg0: i32) -> (i32, i32) {
    %c0_i32 = arith.constant 0 : i32
    %c0_i32_0 = arith.constant 0 : i32
    %c0_i32_1 = arith.constant 0 : i32
    return %c0_i32, %c0_i32_0 : i32, i32
  }
  func.func @transform_7(%arg0: i32) -> (i32, i32, i32) {
    %c0_i32 = arith.constant 0 : i32
    %c0_i32_0 = arith.constant 0 : i32
    %c0_i32_1 = arith.constant 0 : i32
    return %c0_i32, %c0_i32_0, %arg0 : i32, i32, i32
  }
}

module attributes {stable_mosaic.version = 14 : i64} {
  func.func @_body_apply(%arg0: i32, %arg1: memref<128x16x512xbf16, #tpu.memory_space<vmem>>, %arg2: memref<128x2xf32, #tpu.memory_space<vmem>>, %arg3: memref<64x512xf32, #tpu.memory_space<vmem>>, %arg4: memref<64x2xf32, #tpu.memory_space<vmem>>) attributes {dimension_semantics = [#tpu.dimension_semantics<arbitrary>], iteration_bounds = array<i64: 49>, scalar_prefetch = 0 : i64, scratch_operands = 0 : i64, tpu.core_type = #tpu.core_type<tc>, window_params = [{transform_indices = @transform_0, window_bounds = array<i64: 128, 16, 512>}, {pipeline_mode = #tpu.pipeline_mode<synchronous>, transform_indices = @transform_1, window_bounds = array<i64: 128, 2>}, {transform_indices = @transform_2, window_bounds = array<i64: 64, 512>}, {pipeline_mode = #tpu.pipeline_mode<synchronous>, transform_indices = @transform_3, window_bounds = array<i64: 64, 2>}]} {
    %add3A = arith.constant 49 : i32
    %add3A_0 = arith.addi %arg0, %add3A : i32
    %get3A = arith.constant 0 : index
    %get3A_1 = arith.constant 0 : index
    %get3A_2 = vector.load %arg2[%get3A, %get3A_1] : memref<128x2xf32, #tpu.memory_space<vmem>>, vector<128x2xf32>
    %get3A_3 = arith.constant 0 : index
    %get3A_4 = arith.constant 0 : index
    %get3A_5 = arith.constant 0 : index
    %get3A_6 = vector.load %arg1[%get3A_3, %get3A_4, %get3A_5] : memref<128x16x512xbf16, #tpu.memory_space<vmem>>, vector<128x16x512xbf16>
    %convert_element_type3A = arith.extf %get3A_6 : vector<128x16x512xbf16> to vector<128x16x512xf32>
    %slice3A = vector.extract_strided_slice %get3A_2 {offsets = [0, 0], sizes = [128, 1], strides = [1, 1]} : vector<128x2xf32> to vector<128x1xf32>
    %broadcast_in_dim3A = vector.shape_cast %slice3A : vector<128x1xf32> to vector<128x1x1xf32>
    %mul3A = vector.broadcast %broadcast_in_dim3A : vector<128x1x1xf32> to vector<128x16x512xf32>
    %mul3A_7 = arith.mulf %convert_element_type3A, %mul3A : vector<128x16x512xf32>
    %slice3A_8 = vector.extract_strided_slice %get3A_2 {offsets = [0, 1], sizes = [128, 1], strides = [1, 1]} : vector<128x2xf32> to vector<128x1xf32>
    %broadcast_in_dim3A_9 = vector.shape_cast %slice3A_8 : vector<128x1xf32> to vector<128x1x1xf32>
    %add3A_10 = vector.broadcast %broadcast_in_dim3A_9 : vector<128x1x1xf32> to vector<128x16x512xf32>
    %add3A_11 = arith.addf %mul3A_7, %add3A_10 : vector<128x16x512xf32>
    %slice3A_12 = vector.extract_strided_slice %add3A_11 {offsets = [0, 0, 0], sizes = [64, 16, 512], strides = [1, 1, 1]} : vector<128x16x512xf32> to vector<64x16x512xf32>
    %logistic3A = arith.negf %slice3A_12 : vector<64x16x512xf32>
    %logistic3A_13 = math.exp %logistic3A : vector<64x16x512xf32>
    %logistic3A_14 = arith.constant 1.000000e+00 : f32
    %logistic3A_15 = vector.broadcast %logistic3A_14 : f32 to vector<64x16x512xf32>
    %logistic3A_16 = arith.addf %logistic3A_15, %logistic3A_13 : vector<64x16x512xf32>
    %logistic3A_17 = arith.divf %logistic3A_15, %logistic3A_16 : vector<64x16x512xf32>
    %slice3A_18 = vector.extract_strided_slice %add3A_11 {offsets = [64, 0, 0], sizes = [64, 16, 512], strides = [1, 1, 1]} : vector<128x16x512xf32> to vector<64x16x512xf32>
    %max3A = arith.constant 0.000000e+00 : f32
    %max3A_19 = vector.broadcast %max3A : f32 to vector<64x16x512xf32>
    %max3A_20 = arith.maximumf %slice3A_18, %max3A_19 : vector<64x16x512xf32>
    %abs3A = math.absf %slice3A_18 : vector<64x16x512xf32>
    %neg3A = arith.constant 0.000000e+00 : f32
    %neg3A_21 = vector.broadcast %neg3A : f32 to vector<64x16x512xf32>
    %neg3A_22 = arith.subf %neg3A_21, %abs3A : vector<64x16x512xf32>
    %exp3A = math.exp %neg3A_22 : vector<64x16x512xf32>
    %log1p3A = math.log1p %exp3A : vector<64x16x512xf32>
    %add3A_23 = arith.addf %max3A_20, %log1p3A : vector<64x16x512xf32>
    %mul3A_24 = arith.mulf %logistic3A_17, %add3A_23 : vector<64x16x512xf32>
    %reduce_sum3A = arith.constant dense<0.000000e+00> : vector<64x512xf32>
    %reduce_sum3A_25 = vector.multi_reduction <add>, %mul3A_24, %reduce_sum3A [1] : vector<64x16x512xf32> to vector<64x512xf32>
    %swap3A = arith.constant 0 : index
    %swap3A_26 = arith.constant 0 : index
    %swap3A_27 = vector.load %arg3[%swap3A, %swap3A_26] : memref<64x512xf32, #tpu.memory_space<vmem>>, vector<64x512xf32>
    tpu.vector_store %arg3[%swap3A, %swap3A_26], %reduce_sum3A_25 {strides = array<i32>} : memref<64x512xf32, #tpu.memory_space<vmem>>, vector<64x512xf32>,
    %iota3A = tpu.iota {dimensions = array<i32: 1>} : vector<1x512xi32>
    %mul3A_28 = arith.constant 512 : i32
    %mul3A_29 = arith.muli %add3A_0, %mul3A_28 : i32
    %add3A_30 = vector.broadcast %mul3A_29 : i32 to vector<1x512xi32>
    %add3A_31 = arith.addi %iota3A, %add3A_30 : vector<1x512xi32>
    %lt3A = arith.constant 50000 : i32
    %lt3A_32 = vector.broadcast %lt3A : i32 to vector<1x512xi32>
    %lt3A_33 = arith.cmpi slt, %add3A_31, %lt3A_32 : vector<1x512xi32>
    %jit3A = arith.constant 0.000000e+00 : f32
    %broadcast_in_dim3A_34 = vector.shape_cast %lt3A_33 : vector<1x512xi1> to vector<1x512xi1>
    %broadcast_in_dim3A_35 = vector.broadcast %broadcast_in_dim3A_34 : vector<1x512xi1> to vector<64x512xi1>
    %broadcast_in_dim3A_36 = vector.broadcast %jit3A : f32 to vector<64x512xf32>
    %select_n3A = arith.select %broadcast_in_dim3A_35, %reduce_sum3A_25, %broadcast_in_dim3A_36 : vector<64x512xi1>, vector<64x512xf32>
    %reduce_sum3A_37 = arith.constant dense<0.000000e+00> : vector<64xf32>
    %reduce_sum3A_38 = vector.multi_reduction <add>, %select_n3A, %reduce_sum3A_37 [1] : vector<64x512xf32> to vector<64xf32>
    %broadcast_in_dim3A_39 = vector.shape_cast %reduce_sum3A_38 : vector<64xf32> to vector<64x1xf32>
    %mul3A_40 = arith.mulf %select_n3A, %select_n3A : vector<64x512xf32>
    %reduce_sum3A_41 = arith.constant dense<0.000000e+00> : vector<64xf32>
    %reduce_sum3A_42 = vector.multi_reduction <add>, %mul3A_40, %reduce_sum3A_41 [1] : vector<64x512xf32> to vector<64xf32>
    %broadcast_in_dim3A_43 = vector.shape_cast %reduce_sum3A_42 : vector<64xf32> to vector<64x1xf32>
    %concatenate3A = tpu.concatenate %broadcast_in_dim3A_39, %broadcast_in_dim3A_43 in 1 : vector<64x1xf32>, vector<64x1xf32> -> vector<64x2xf32>
    %eq3A = arith.constant 0 : i32
    %eq3A_44 = arith.cmpi eq, %arg0, %eq3A : i32
    %convert_element_type3A_45 = arith.extui %eq3A_44 : i1 to i32
    %cond3A = arith.constant 0 : i32
    %cond3A_46 = arith.cmpi ne, %convert_element_type3A_45, %cond3A : i32
    scf.if %cond3A_46 {
      %broadcast_in_dim3A_54 = arith.constant 0.000000e+00 : f32
      %broadcast_in_dim3A_55 = vector.broadcast %broadcast_in_dim3A_54 : f32 to vector<64x2xf32>
      %swap3A_56 = arith.constant 0 : index
      %swap3A_57 = arith.constant 0 : index
      %swap3A_58 = vector.load %arg4[%swap3A_56, %swap3A_57] : memref<64x2xf32, #tpu.memory_space<vmem>>, vector<64x2xf32>
      tpu.vector_store %arg4[%swap3A_56, %swap3A_57], %broadcast_in_dim3A_55 {strides = array<i32>} : memref<64x2xf32, #tpu.memory_space<vmem>>, vector<64x2xf32>,
    } else {
    }
    %get3A_47 = arith.constant 0 : index
    %get3A_48 = arith.constant 0 : index
    %get3A_49 = vector.load %arg4[%get3A_47, %get3A_48] : memref<64x2xf32, #tpu.memory_space<vmem>>, vector<64x2xf32>
    %add3A_50 = arith.addf %get3A_49, %concatenate3A : vector<64x2xf32>
    %swap3A_51 = arith.constant 0 : index
    %swap3A_52 = arith.constant 0 : index
    %swap3A_53 = vector.load %arg4[%swap3A_51, %swap3A_52] : memref<64x2xf32, #tpu.memory_space<vmem>>, vector<64x2xf32>
    tpu.vector_store %arg4[%swap3A_51, %swap3A_52], %add3A_50 {strides = array<i32>} : memref<64x2xf32, #tpu.memory_space<vmem>>, vector<64x2xf32>,
    return
  }
  func.func @transform_0(%arg0: i32) -> (i32, i32, i32) {
    %c0_i32 = arith.constant 0 : i32
    %c0_i32_0 = arith.constant 0 : i32
    %c0_i32_1 = arith.constant 0 : i32
    return %c0_i32, %c0_i32_0, %arg0 : i32, i32, i32
  }
  func.func @transform_1(%arg0: i32) -> (i32, i32) {
    %c0_i32 = arith.constant 0 : i32
    %c0_i32_0 = arith.constant 0 : i32
    %c0_i32_1 = arith.constant 0 : i32
    return %c0_i32, %c0_i32_0 : i32, i32
  }
  func.func @transform_2(%arg0: i32) -> (i32, i32) {
    %c0_i32 = arith.constant 0 : i32
    %c0_i32_0 = arith.constant 0 : i32
    return %c0_i32, %arg0 : i32, i32
  }
  func.func @transform_3(%arg0: i32) -> (i32, i32) {
    %c0_i32 = arith.constant 0 : i32
    %c0_i32_0 = arith.constant 0 : i32
    %c0_i32_1 = arith.constant 0 : i32
    return %c0_i32, %c0_i32_0 : i32, i32
  }
}

module attributes {stable_mosaic.version = 14 : i64} {
  func.func @_body_apply(%arg0: i32, %arg1: memref<128x16x512xbf16, #tpu.memory_space<vmem>>, %arg2: memref<128x2xf32, #tpu.memory_space<vmem>>, %arg3: memref<64x512xf32, #tpu.memory_space<vmem>>, %arg4: memref<64x2xf32, #tpu.memory_space<vmem>>) attributes {dimension_semantics = [#tpu.dimension_semantics<arbitrary>], iteration_bounds = array<i64: 49>, scalar_prefetch = 0 : i64, scratch_operands = 0 : i64, tpu.core_type = #tpu.core_type<tc>, window_params = [{transform_indices = @transform_0, window_bounds = array<i64: 128, 16, 512>}, {pipeline_mode = #tpu.pipeline_mode<synchronous>, transform_indices = @transform_1, window_bounds = array<i64: 128, 2>}, {transform_indices = @transform_2, window_bounds = array<i64: 64, 512>}, {pipeline_mode = #tpu.pipeline_mode<synchronous>, transform_indices = @transform_3, window_bounds = array<i64: 64, 2>}]} {
    %add3A = arith.constant 0 : i32
    %add3A_0 = arith.addi %arg0, %add3A : i32
    %get3A = arith.constant 0 : index
    %get3A_1 = arith.constant 0 : index
    %get3A_2 = vector.load %arg2[%get3A, %get3A_1] : memref<128x2xf32, #tpu.memory_space<vmem>>, vector<128x2xf32>
    %get3A_3 = arith.constant 0 : index
    %get3A_4 = arith.constant 0 : index
    %get3A_5 = arith.constant 0 : index
    %get3A_6 = vector.load %arg1[%get3A_3, %get3A_4, %get3A_5] : memref<128x16x512xbf16, #tpu.memory_space<vmem>>, vector<128x16x512xbf16>
    %convert_element_type3A = arith.extf %get3A_6 : vector<128x16x512xbf16> to vector<128x16x512xf32>
    %slice3A = vector.extract_strided_slice %get3A_2 {offsets = [0, 0], sizes = [128, 1], strides = [1, 1]} : vector<128x2xf32> to vector<128x1xf32>
    %broadcast_in_dim3A = vector.shape_cast %slice3A : vector<128x1xf32> to vector<128x1x1xf32>
    %mul3A = vector.broadcast %broadcast_in_dim3A : vector<128x1x1xf32> to vector<128x16x512xf32>
    %mul3A_7 = arith.mulf %convert_element_type3A, %mul3A : vector<128x16x512xf32>
    %slice3A_8 = vector.extract_strided_slice %get3A_2 {offsets = [0, 1], sizes = [128, 1], strides = [1, 1]} : vector<128x2xf32> to vector<128x1xf32>
    %broadcast_in_dim3A_9 = vector.shape_cast %slice3A_8 : vector<128x1xf32> to vector<128x1x1xf32>
    %add3A_10 = vector.broadcast %broadcast_in_dim3A_9 : vector<128x1x1xf32> to vector<128x16x512xf32>
    %add3A_11 = arith.addf %mul3A_7, %add3A_10 : vector<128x16x512xf32>
    %slice3A_12 = vector.extract_strided_slice %add3A_11 {offsets = [0, 0, 0], sizes = [64, 16, 512], strides = [1, 1, 1]} : vector<128x16x512xf32> to vector<64x16x512xf32>
    %logistic3A = arith.negf %slice3A_12 : vector<64x16x512xf32>
    %logistic3A_13 = math.exp %logistic3A : vector<64x16x512xf32>
    %logistic3A_14 = arith.constant 1.000000e+00 : f32
    %logistic3A_15 = vector.broadcast %logistic3A_14 : f32 to vector<64x16x512xf32>
    %logistic3A_16 = arith.addf %logistic3A_15, %logistic3A_13 : vector<64x16x512xf32>
    %logistic3A_17 = arith.divf %logistic3A_15, %logistic3A_16 : vector<64x16x512xf32>
    %slice3A_18 = vector.extract_strided_slice %add3A_11 {offsets = [64, 0, 0], sizes = [64, 16, 512], strides = [1, 1, 1]} : vector<128x16x512xf32> to vector<64x16x512xf32>
    %max3A = arith.constant 0.000000e+00 : f32
    %max3A_19 = vector.broadcast %max3A : f32 to vector<64x16x512xf32>
    %max3A_20 = arith.maximumf %slice3A_18, %max3A_19 : vector<64x16x512xf32>
    %abs3A = math.absf %slice3A_18 : vector<64x16x512xf32>
    %neg3A = arith.constant 0.000000e+00 : f32
    %neg3A_21 = vector.broadcast %neg3A : f32 to vector<64x16x512xf32>
    %neg3A_22 = arith.subf %neg3A_21, %abs3A : vector<64x16x512xf32>
    %exp3A = math.exp %neg3A_22 : vector<64x16x512xf32>
    %log1p3A = math.log1p %exp3A : vector<64x16x512xf32>
    %add3A_23 = arith.addf %max3A_20, %log1p3A : vector<64x16x512xf32>
    %mul3A_24 = arith.mulf %logistic3A_17, %add3A_23 : vector<64x16x512xf32>
    %reduce_sum3A = arith.constant dense<0.000000e+00> : vector<64x512xf32>
    %reduce_sum3A_25 = vector.multi_reduction <add>, %mul3A_24, %reduce_sum3A [1] : vector<64x16x512xf32> to vector<64x512xf32>
    %swap3A = arith.constant 0 : index
    %swap3A_26 = arith.constant 0 : index
    %swap3A_27 = vector.load %arg3[%swap3A, %swap3A_26] : memref<64x512xf32, #tpu.memory_space<vmem>>, vector<64x512xf32>
    tpu.vector_store %arg3[%swap3A, %swap3A_26], %reduce_sum3A_25 {strides = array<i32>} : memref<64x512xf32, #tpu.memory_space<vmem>>, vector<64x512xf32>,
    %iota3A = tpu.iota {dimensions = array<i32: 1>} : vector<1x512xi32>
    %mul3A_28 = arith.constant 512 : i32
    %mul3A_29 = arith.muli %add3A_0, %mul3A_28 : i32
    %add3A_30 = vector.broadcast %mul3A_29 : i32 to vector<1x512xi32>
    %add3A_31 = arith.addi %iota3A, %add3A_30 : vector<1x512xi32>
    %lt3A = arith.constant 50000 : i32
    %lt3A_32 = vector.broadcast %lt3A : i32 to vector<1x512xi32>
    %lt3A_33 = arith.cmpi slt, %add3A_31, %lt3A_32 : vector<1x512xi32>
    %jit3A = arith.constant 0.000000e+00 : f32
    %broadcast_in_dim3A_34 = vector.shape_cast %lt3A_33 : vector<1x512xi1> to vector<1x512xi1>
    %broadcast_in_dim3A_35 = vector.broadcast %broadcast_in_dim3A_34 : vector<1x512xi1> to vector<64x512xi1>
    %broadcast_in_dim3A_36 = vector.broadcast %jit3A : f32 to vector<64x512xf32>
    %select_n3A = arith.select %broadcast_in_dim3A_35, %reduce_sum3A_25, %broadcast_in_dim3A_36 : vector<64x512xi1>, vector<64x512xf32>
    %reduce_sum3A_37 = arith.constant dense<0.000000e+00> : vector<64xf32>
    %reduce_sum3A_38 = vector.multi_reduction <add>, %select_n3A, %reduce_sum3A_37 [1] : vector<64x512xf32> to vector<64xf32>
    %broadcast_in_dim3A_39 = vector.shape_cast %reduce_sum3A_38 : vector<64xf32> to vector<64x1xf32>
    %mul3A_40 = arith.mulf %select_n3A, %select_n3A : vector<64x512xf32>
    %reduce_sum3A_41 = arith.constant dense<0.000000e+00> : vector<64xf32>
    %reduce_sum3A_42 = vector.multi_reduction <add>, %mul3A_40, %reduce_sum3A_41 [1] : vector<64x512xf32> to vector<64xf32>
    %broadcast_in_dim3A_43 = vector.shape_cast %reduce_sum3A_42 : vector<64xf32> to vector<64x1xf32>
    %concatenate3A = tpu.concatenate %broadcast_in_dim3A_39, %broadcast_in_dim3A_43 in 1 : vector<64x1xf32>, vector<64x1xf32> -> vector<64x2xf32>
    %eq3A = arith.constant 0 : i32
    %eq3A_44 = arith.cmpi eq, %arg0, %eq3A : i32
    %convert_element_type3A_45 = arith.extui %eq3A_44 : i1 to i32
    %cond3A = arith.constant 0 : i32
    %cond3A_46 = arith.cmpi ne, %convert_element_type3A_45, %cond3A : i32
    scf.if %cond3A_46 {
      %broadcast_in_dim3A_54 = arith.constant 0.000000e+00 : f32
      %broadcast_in_dim3A_55 = vector.broadcast %broadcast_in_dim3A_54 : f32 to vector<64x2xf32>
      %swap3A_56 = arith.constant 0 : index
      %swap3A_57 = arith.constant 0 : index
      %swap3A_58 = vector.load %arg4[%swap3A_56, %swap3A_57] : memref<64x2xf32, #tpu.memory_space<vmem>>, vector<64x2xf32>
      tpu.vector_store %arg4[%swap3A_56, %swap3A_57], %broadcast_in_dim3A_55 {strides = array<i32>} : memref<64x2xf32, #tpu.memory_space<vmem>>, vector<64x2xf32>,
    } else {
    }
    %get3A_47 = arith.constant 0 : index
    %get3A_48 = arith.constant 0 : index
    %get3A_49 = vector.load %arg4[%get3A_47, %get3A_48] : memref<64x2xf32, #tpu.memory_space<vmem>>, vector<64x2xf32>
    %add3A_50 = arith.addf %get3A_49, %concatenate3A : vector<64x2xf32>
    %swap3A_51 = arith.constant 0 : index
    %swap3A_52 = arith.constant 0 : index
    %swap3A_53 = vector.load %arg4[%swap3A_51, %swap3A_52] : memref<64x2xf32, #tpu.memory_space<vmem>>, vector<64x2xf32>
    tpu.vector_store %arg4[%swap3A_51, %swap3A_52], %add3A_50 {strides = array<i32>} : memref<64x2xf32, #tpu.memory_space<vmem>>, vector<64x2xf32>,
    return
  }
  func.func @transform_0(%arg0: i32) -> (i32, i32, i32) {
    %c0_i32 = arith.constant 0 : i32
    %c0_i32_0 = arith.constant 0 : i32
    %c0_i32_1 = arith.constant 0 : i32
    return %c0_i32, %c0_i32_0, %arg0 : i32, i32, i32
  }
  func.func @transform_1(%arg0: i32) -> (i32, i32) {
    %c0_i32 = arith.constant 0 : i32
    %c0_i32_0 = arith.constant 0 : i32
    %c0_i32_1 = arith.constant 0 : i32
    return %c0_i32, %c0_i32_0 : i32, i32
  }
  func.func @transform_2(%arg0: i32) -> (i32, i32) {
    %c0_i32 = arith.constant 0 : i32
    %c0_i32_0 = arith.constant 0 : i32
    return %c0_i32, %arg0 : i32, i32
  }
  func.func @transform_3(%arg0: i32) -> (i32, i32) {
    %c0_i32 = arith.constant 0 : i32
    %c0_i32_0 = arith.constant 0 : i32
    %c0_i32_1 = arith.constant 0 : i32
    return %c0_i32, %c0_i32_0 : i32, i32
  }
}

module attributes {stable_mosaic.version = 14 : i64} {
  func.func @_body_final(%arg0: i32, %arg1: memref<64x512xf32, #tpu.memory_space<vmem>>, %arg2: memref<64x512xf32, #tpu.memory_space<vmem>>, %arg3: memref<64x2xf32, #tpu.memory_space<vmem>>, %arg4: memref<64x512xf32, #tpu.memory_space<vmem>>) attributes {dimension_semantics = [#tpu.dimension_semantics<arbitrary>], iteration_bounds = array<i64: 49>, scalar_prefetch = 0 : i64, scratch_operands = 0 : i64, tpu.core_type = #tpu.core_type<tc>, window_params = [{transform_indices = @transform_0, window_bounds = array<i64: 64, 512>}, {transform_indices = @transform_1, window_bounds = array<i64: 64, 512>}, {pipeline_mode = #tpu.pipeline_mode<synchronous>, transform_indices = @transform_2, window_bounds = array<i64: 64, 2>}, {transform_indices = @transform_3, window_bounds = array<i64: 64, 512>}]} {
    %get3A = arith.constant 0 : index
    %get3A_0 = arith.constant 0 : index
    %get3A_1 = vector.load %arg3[%get3A, %get3A_0] : memref<64x2xf32, #tpu.memory_space<vmem>>, vector<64x2xf32>
    %get3A_2 = arith.constant 0 : index
    %get3A_3 = arith.constant 0 : index
    %get3A_4 = vector.load %arg2[%get3A_2, %get3A_3] : memref<64x512xf32, #tpu.memory_space<vmem>>, vector<64x512xf32>
    %slice3A = vector.extract_strided_slice %get3A_1 {offsets = [0, 0], sizes = [64, 1], strides = [1, 1]} : vector<64x2xf32> to vector<64x1xf32>
    %mul3A = vector.broadcast %slice3A : vector<64x1xf32> to vector<64x512xf32>
    %mul3A_5 = arith.mulf %get3A_4, %mul3A : vector<64x512xf32>
    %slice3A_6 = vector.extract_strided_slice %get3A_1 {offsets = [0, 1], sizes = [64, 1], strides = [1, 1]} : vector<64x2xf32> to vector<64x1xf32>
    %add3A = vector.broadcast %slice3A_6 : vector<64x1xf32> to vector<64x512xf32>
    %add3A_7 = arith.addf %mul3A_5, %add3A : vector<64x512xf32>
    %get3A_8 = arith.constant 0 : index
    %get3A_9 = arith.constant 0 : index
    %get3A_10 = vector.load %arg1[%get3A_8, %get3A_9] : memref<64x512xf32, #tpu.memory_space<vmem>>, vector<64x512xf32>
    %add3A_11 = arith.addf %get3A_10, %add3A_7 : vector<64x512xf32>
    %max3A = arith.constant 0.000000e+00 : f32
    %max3A_12 = vector.broadcast %max3A : f32 to vector<64x512xf32>
    %max3A_13 = arith.maximumf %add3A_11, %max3A_12 : vector<64x512xf32>
    %abs3A = math.absf %add3A_11 : vector<64x512xf32>
    %neg3A = arith.constant 0.000000e+00 : f32
    %neg3A_14 = vector.broadcast %neg3A : f32 to vector<64x512xf32>
    %neg3A_15 = arith.subf %neg3A_14, %abs3A : vector<64x512xf32>
    %exp3A = math.exp %neg3A_15 : vector<64x512xf32>
    %log1p3A = math.log1p %exp3A : vector<64x512xf32>
    %add3A_16 = arith.addf %max3A_13, %log1p3A : vector<64x512xf32>
    %swap3A = arith.constant 0 : index
    %swap3A_17 = arith.constant 0 : index
    %swap3A_18 = vector.load %arg4[%swap3A, %swap3A_17] : memref<64x512xf32, #tpu.memory_space<vmem>>, vector<64x512xf32>
    tpu.vector_store %arg4[%swap3A, %swap3A_17], %add3A_16 {strides = array<i32>} : memref<64x512xf32, #tpu.memory_space<vmem>>, vector<64x512xf32>,
    return
  }
  func.func @transform_0(%arg0: i32) -> (i32, i32) {
    %add3A = arith.constant 49 : i32
    %add3A_0 = arith.addi %arg0, %add3A : i32
    %c0_i32 = arith.constant 0 : i32
    %c0_i32_1 = arith.constant 0 : i32
    return %c0_i32, %add3A_0 : i32, i32
  }
  func.func @transform_1(%arg0: i32) -> (i32, i32) {
    %c0_i32 = arith.constant 0 : i32
    %c0_i32_0 = arith.constant 0 : i32
    return %c0_i32, %arg0 : i32, i32
  }
  func.func @transform_2(%arg0: i32) -> (i32, i32) {
    %c0_i32 = arith.constant 0 : i32
    %c0_i32_0 = arith.constant 0 : i32
    %c0_i32_1 = arith.constant 0 : i32
    return %c0_i32, %c0_i32_0 : i32, i32
  }
  func.func @transform_3(%arg0: i32) -> (i32, i32) {
    %c0_i32 = arith.constant 0 : i32
    %c0_i32_0 = arith.constant 0 : i32
    return %c0_i32, %arg0 : i32, i32
  }
}

module attributes {stable_mosaic.version = 14 : i64} {
  func.func @_body_final(%arg0: i32, %arg1: memref<64x512xf32, #tpu.memory_space<vmem>>, %arg2: memref<64x512xf32, #tpu.memory_space<vmem>>, %arg3: memref<64x2xf32, #tpu.memory_space<vmem>>, %arg4: memref<64x512xf32, #tpu.memory_space<vmem>>) attributes {dimension_semantics = [#tpu.dimension_semantics<arbitrary>], iteration_bounds = array<i64: 49>, scalar_prefetch = 0 : i64, scratch_operands = 0 : i64, tpu.core_type = #tpu.core_type<tc>, window_params = [{transform_indices = @transform_0, window_bounds = array<i64: 64, 512>}, {transform_indices = @transform_1, window_bounds = array<i64: 64, 512>}, {pipeline_mode = #tpu.pipeline_mode<synchronous>, transform_indices = @transform_2, window_bounds = array<i64: 64, 2>}, {transform_indices = @transform_3, window_bounds = array<i64: 64, 512>}]} {
    %get3A = arith.constant 0 : index
    %get3A_0 = arith.constant 0 : index
    %get3A_1 = vector.load %arg3[%get3A, %get3A_0] : memref<64x2xf32, #tpu.memory_space<vmem>>, vector<64x2xf32>
    %get3A_2 = arith.constant 0 : index
    %get3A_3 = arith.constant 0 : index
    %get3A_4 = vector.load %arg2[%get3A_2, %get3A_3] : memref<64x512xf32, #tpu.memory_space<vmem>>, vector<64x512xf32>
    %slice3A = vector.extract_strided_slice %get3A_1 {offsets = [0, 0], sizes = [64, 1], strides = [1, 1]} : vector<64x2xf32> to vector<64x1xf32>
    %mul3A = vector.broadcast %slice3A : vector<64x1xf32> to vector<64x512xf32>
    %mul3A_5 = arith.mulf %get3A_4, %mul3A : vector<64x512xf32>
    %slice3A_6 = vector.extract_strided_slice %get3A_1 {offsets = [0, 1], sizes = [64, 1], strides = [1, 1]} : vector<64x2xf32> to vector<64x1xf32>
    %add3A = vector.broadcast %slice3A_6 : vector<64x1xf32> to vector<64x512xf32>
    %add3A_7 = arith.addf %mul3A_5, %add3A : vector<64x512xf32>
    %get3A_8 = arith.constant 0 : index
    %get3A_9 = arith.constant 0 : index
    %get3A_10 = vector.load %arg1[%get3A_8, %get3A_9] : memref<64x512xf32, #tpu.memory_space<vmem>>, vector<64x512xf32>
    %add3A_11 = arith.addf %get3A_10, %add3A_7 : vector<64x512xf32>
    %max3A = arith.constant 0.000000e+00 : f32
    %max3A_12 = vector.broadcast %max3A : f32 to vector<64x512xf32>
    %max3A_13 = arith.maximumf %add3A_11, %max3A_12 : vector<64x512xf32>
    %abs3A = math.absf %add3A_11 : vector<64x512xf32>
    %neg3A = arith.constant 0.000000e+00 : f32
    %neg3A_14 = vector.broadcast %neg3A : f32 to vector<64x512xf32>
    %neg3A_15 = arith.subf %neg3A_14, %abs3A : vector<64x512xf32>
    %exp3A = math.exp %neg3A_15 : vector<64x512xf32>
    %log1p3A = math.log1p %exp3A : vector<64x512xf32>
    %add3A_16 = arith.addf %max3A_13, %log1p3A : vector<64x512xf32>
    %swap3A = arith.constant 0 : index
    %swap3A_17 = arith.constant 0 : index
    %swap3A_18 = vector.load %arg4[%swap3A, %swap3A_17] : memref<64x512xf32, #tpu.memory_space<vmem>>, vector<64x512xf32>
    tpu.vector_store %arg4[%swap3A, %swap3A_17], %add3A_16 {strides = array<i32>} : memref<64x512xf32, #tpu.memory_space<vmem>>, vector<64x512xf32>,
    return
  }
  func.func @transform_0(%arg0: i32) -> (i32, i32) {
    %add3A = arith.constant 0 : i32
    %add3A_0 = arith.addi %arg0, %add3A : i32
    %c0_i32 = arith.constant 0 : i32
    %c0_i32_1 = arith.constant 0 : i32
    return %c0_i32, %add3A_0 : i32, i32
  }
  func.func @transform_1(%arg0: i32) -> (i32, i32) {
    %c0_i32 = arith.constant 0 : i32
    %c0_i32_0 = arith.constant 0 : i32
    return %c0_i32, %arg0 : i32, i32
  }
  func.func @transform_2(%arg0: i32) -> (i32, i32) {
    %c0_i32 = arith.constant 0 : i32
    %c0_i32_0 = arith.constant 0 : i32
    %c0_i32_1 = arith.constant 0 : i32
    return %c0_i32, %c0_i32_0 : i32, i32
  }
  func.func @transform_3(%arg0: i32) -> (i32, i32) {
    %c0_i32 = arith.constant 0 : i32
    %c0_i32_0 = arith.constant 0 : i32
    return %c0_i32, %arg0 : i32, i32
  }
}

</mosaic_0001>

<sc_bundles>
// kernel: kernel.11.cloned.1.call-start
scs
__scs_entry_jumppad:
0x0: {  	(pc) =	sbr.rel $0x88, $3  }
0x1: {  	(tag) =	ssettag $0x0;
	lr =	simm.s32 $0x1  }
0x2: {  	[smem:$0x3F99] =	sst lr;
	_ =	strace $0xD0000000  }
0x3: {  	_ = 	snop  }
0x4: {  	_ = 	snop  }
0x5: {  	_ = 	snop  }
0x6: {  	_ = 	snop  }
0x7: {  	_ = 	snop  }
__scs_overlays_trampoline_lowered:
0x8: {  	[smem:$0x3FA8] =	sst s0  }
0x9: {  	[smem:$0x3FA9] =	sst s1  }
0xa: {  	[smem:$0x3FAA] =	sst s2  }
0xb: {  	[smem:$0x3FAB] =	sst s3  }
0xc: {  	[smem:$0x3FAC] =	sst s4  }
0xd: {  	[smem:$0x3FAD] =	sst s5  }
0xe: {  	[smem:$0x3FAE] =	sst s6  }
0xf: {  	[smem:$0x3FAF] =	sst s7  }
0x10: {  	[smem:$0x3FB0] =	sst s8  }
0x11: {  	[smem:$0x3FB1] =	sst s9;
	s0 =	simm.s32 @!p0 $0x0  }
0x12: {  	s1 =	sld [smem:$0x3F97];
	s0 =	simm.s32 @p0 $0x1  }
0x13: {  	[smem:$0x3FB2] =	sst s0;
	s0 =	simm.s32 @!p1 $0x0  }
0x14: {  	s2 =	sld [smem:$0x3F96];
	s0 =	simm.s32 @p1 $0x1  }
0x15: {  	[smem:$0x3FB3] =	sst s0;
	s0 =	simm.s32 @!p2 $0x0  }
0x16: {  	s3 =	sld [smem:$0x3FDB];
	s0 =	simm.s32 @p2 $0x1  }
0x17: {  	s4 =	simm.s32 $0x1BF5;
	[smem:$0x3FB5] =	sst s0  }
0x18: {  	s0 =	sld [smem:$0x3F98];
	_ =	swait.ge [sflag:s4], $0x0  }
0x19: {  	s7 =	sld [smem:$0x3F99]  }
0x1a: {  	s8 =	sadd.s32 $0xFFFFE003, lr  }
0x1b: {  	s9 =	sadd.s32 $0xFFFFFEF7, lr;
	s5 =	simm.s32 $0xFFFFFFFF;
	p2 =	slt.u32 s8, $0xFFFFF086  }
0x1c: {  	p1 =	slt.u32 s9, $0xF7A;
	s5 =	simm.s32 @!p2 $0x0  }
0x1d: {  	s5 =	simm.s32 @p1 $0x1;
	p0 =	seq.s32 s7, s2  }
0x1e: {  	s7 =	smul.u32 @!p0 $0xF7A, s2;
	p2 =	seq.s32 @!p0 s5, $0x0  }
0x1f: {  	s9 =	smul.u32 $0xF7A, s1;
	s8 =	simm.s32 @!p0 $0x1BF5;
	p2 =	por !p2, p0  }
0x20: {  	[sflag:s8] =	ssyncset.s32 @!p0 $0xFFFFF086;
	s6 =	sadd.s32 @!p0 s3, s7;
	s7 =	simm.s32 @!p0 $0x108  }
0x21: {  	s3 =	sadd.s32 s3, s9;
	s6 =	sadd.s32 @!p0 $0x88, s6;
	s7 =	simm.s32 @p2 $0x1082  }
0x22: {  	[simem:s7], [sflag:s8] =	dma.local @!p0 [hbm:s6], $0xF7A  }
0x23: {  	s9 =	sor.u32 $0xD0000000, s2;
	s6 =	simm.s32 $0x108;
	_ =	swait.ge @!p0 [sflag:s8], $0x0  }
0x24: {  	s3 =	sadd.s32 $0x88, s3;
	s6 =	simm.s32 @!p1 $0x1082;
	[sflag:s4] =	ssyncset.s32 $0xFFFFF086  }
0x25: {  	[simem:s6], [sflag:s4] =	dma.local [hbm:s3], $0xF7A  }
0x26: {  	[smem:$0x3F99] =	sst s1;
	(tag) =	ssettag s2;
	_ =	strace s9  }
0x27: {  	s1 =	sld [smem:$0x3FA9]  }
0x28: {  	s2 =	sld [smem:$0x3FAA]  }
0x29: {  	s4 =	sld [smem:$0x3FAC]  }
0x2a: {  	p0 =	seq.s32 s5, $0x0;
	s5 =	sld [smem:$0x3FAD]  }
0x2b: {  	s6 =	sld [smem:$0x3FAE]  }
0x2c: {  	s7 =	sld [smem:$0x3FAF]  }
0x2d: {  	s3 =	simm.s32 $0x108;
	s8 =	sld [smem:$0x3FB0]  }
0x2e: {  	s3 =	simm.s32 @!p0 $0x1082;
	s9 =	sld [smem:$0x3FB1]  }
0x2f: {  	lr =	sadd.s32 s0, s3;
	s0 =	sld [smem:$0x3FA8]  }
0x30: {  	s3 =	sld [smem:$0x3FAB]  }
0x31: {  	[smem:$0x3FB4] =	sst s10  }
0x32: {  	s10 =	sld [smem:$0x3FB2];
	_ =	sdelay $0x3  }
0x33: {  	p0 =	seq.s32 s10, $0x1;
	s10 =	sld [smem:$0x3FB4];
	_ =	sdelay $0x3  }
0x34: {  	[smem:$0x3FB4] =	sst s10  }
0x35: {  	s10 =	sld [smem:$0x3FB3];
	_ =	sdelay $0x3  }
0x36: {  	p1 =	seq.s32 s10, $0x1;
	s10 =	sld [smem:$0x3FB4];
	_ =	sdelay $0x3  }
0x37: {  	[smem:$0x3FB4] =	sst s10  }
0x38: {  	s10 =	sld [smem:$0x3FB5]  }
0x39: {  	_ = 	snop;
	(pc) =	sbr.ind lr, $3  }
0x3a: {  	_ = 	snop  }
0x3b: {  	_ = 	snop  }
0x3c: {  	p2 =	seq.s32 s10, $0x1;
	s10 =	sld [smem:$0x3FB4]  }
0x3d: {  	_ =	shalt  }
0x3e: {  	_ =	shalt  }
0x3f: {  	_ =	shalt  }
0x40: {  	_ =	shalt  }
0x41: {  	_ =	shalt  }
0x42: {  	_ =	shalt  }
0x43: {  	_ =	shalt  }
0x44: {  	_ =	shalt  }
0x45: {  	_ =	shalt  }
0x46: {  	_ =	shalt  }
0x47: {  	_ =	shalt  }
0x48: {  	_ =	shalt  }
0x49: {  	_ =	shalt  }
0x4a: {  	_ =	shalt  }
0x4b: {  	_ =	shalt  }
0x4c: {  	_ =	shalt  }
0x4d: {  	_ =	shalt  }
0x4e: {  	_ =	shalt  }
0x4f: {  	_ =	shalt  }
0x50: {  	_ =	shalt  }
0x51: {  	_ =	shalt  }
0x52: {  	_ =	shalt  }
0x53: {  	_ =	shalt  }
0x54: {  	_ =	shalt  }
0x55: {  	_ =	shalt  }
0x56: {  	_ =	shalt  }
0x57: {  	_ =	shalt  }
0x58: {  	_ =	shalt  }
0x59: {  	_ =	shalt  }
0x5a: {  	_ =	shalt  }
0x5b: {  	_ =	shalt  }
0x5c: {  	_ =	shalt  }
0x5d: {  	_ =	shalt  }
0x5e: {  	_ =	shalt  }
0x5f: {  	_ =	shalt  }
0x60: {  	_ =	shalt  }
0x61: {  	_ =	shalt  }
0x62: {  	_ =	shalt  }
0x63: {  	_ =	shalt  }
0x64: {  	_ =	shalt  }
0x65: {  	_ =	shalt  }
0x66: {  	_ =	shalt  }
0x67: {  	_ =	shalt  }
0x68: {  	_ =	shalt  }
0x69: {  	_ =	shalt  }
0x6a: {  	_ =	shalt  }
0x6b: {  	_ =	shalt  }
0x6c: {  	_ =	shalt  }
0x6d: {  	_ =	shalt  }
0x6e: {  	_ =	shalt  }
0x6f: {  	_ =	shalt  }
0x70: {  	_ =	shalt  }
0x71: {  	_ =	shalt  }
0x72: {  	_ =	shalt  }
0x73: {  	_ =	shalt  }
0x74: {  	_ =	shalt  }
0x75: {  	_ =	shalt  }
0x76: {  	_ =	shalt  }
0x77: {  	_ =	shalt  }
0x78: {  	_ =	shalt  }
0x79: {  	_ =	shalt  }
0x7a: {  	_ =	shalt  }
0x7b: {  	_ =	shalt  }
0x7c: {  	_ =	shalt  }
0x7d: {  	_ =	shalt  }
0x7e: {  	_ =	shalt  }
0x7f: {  	_ =	shalt  }
0x80: {  	_ =	shalt  }
0x81: {  	_ =	shalt  }
0x82: {  	_ =	shalt  }
0x83: {  	_ =	shalt  }
0x84: {  	_ =	shalt  }
0x85: {  	_ =	shalt  }
0x86: {  	_ =	shalt  }
0x87: {  	_ =	shalt  }
.Lfunc_end0:
.L_simem_size_0:
called_computation_lowered:
.L_overlay_start_0:
0x88: {  	s2 =	sld [smem:$0x3FD9]  }
0x89: {  	s3 =	sld [smem:$0x3FFE];
	_ =	sdelay $0x1  }
0x8a: {  	s1 =	srdreg.scid  }
0x8b: {  	s0 =	sand.u32 $0x1, s1  }
0x8c: {  	s17 =	sshll.u32 s0, $0xA;
	s2 =	sadd.s32 s3, s2  }
0x8d: {  	s2 =	sadd.s32 s2, s17  }
0x8e: {  	[smem:$0x3FC0] =	sst s2  }
0x8f: {  	_ = 	snop  }
0x90: {  	(tm) =	ssettm $0x1  }
0x91: {  	s18 =	sld [smem:$0x3FFB];
	_ =	sdelay $0x3  }
0x92: {  	_ =	strace s18  }
0x93: {  	s2 =	sld [smem:$0x3FFC];
	_ =	sdelay $0x3  }
0x94: {  	_ =	strace s2  }
0x95: {  	s2 =	sld [smem:$0x3FFD];
	_ =	sdelay $0x3  }
0x96: {  	_ =	strace s2  }
0x97: {  	_ =	strace $0x8FFFFFFF  }
0x98: {  	s19 =	sld [smem:$0x3FDB];
	_ =	sdelay $0x1  }
0x99: {  	s20 =	simm.s32 $_scs_section_size  }
0x9a: {  	s4 =	simm.s32 $_size__tile_overlayer_lowered;
	s5 =	simm.s32 $_tile_overlayer_lowered  }
0x9b: {  	s6 =	simm.s32 $0x1BFF;
	s21 =	sshll.u32 s5, $0x1;
	s3 =	sadd.s32 s20, s19  }
0x9c: {  	s22 =	simm.s32 $0x0;
	s4 =	sshll.u32 s4, $0x1;
	s5 =	sadd.s32 s21, s3  }
0x9d: {  	[timem:s22], [sflag:s6] =	dma.local [hbm:s5], s4  }
0x9e: {  	_ =	swait.ge [sflag:s6], s4  }
0x9f: {  	s4 =	ssub.s32 $0x0, s4;
	[sflag:s6] =	ssyncset.done $0x0  }
0xa0: {  	[sflag:s6] =	ssyncadd.s32 s4;
	_ =	sdelay $0x1  }
0xa1: {  	s23 =	simm.s32 $0x1B8B  }
0xa2: {  	_ =	swait.ge [sflag:s23], $0x1  }
0xa3: {  	[sflag:s23] =	ssyncset.done $0x0  }
0xa4: {  	[sflag:s23] =	ssyncadd.s32 $0xFFFFFFFF  }
0xa5: {  	s4 =	sld [smem:$0x0]  }
0xa6: {  	s5 =	sand.u32 $0xFFFFFFFE, s1  }
0xa7: {  	p0 =	sne.s32 s1, s5  }
0xa8: {  	s5 =	sshll.u32 @p0 s5, $0xE  }
0xa9: {  	s5 =	sadd.s32 @p0 $0x11B8D, s5;
	s6 =	sshll.u32 @p0 s4, $0x11  }
0xaa: {  	s5 =	sor.u32 @p0 s6, s5  }
0xab: {  	[sflag:s5] =	ssyncadd.remote.s32 @p0 $0x1;
	_ =	sdelay $0x1  }
0xac: {  	s5 =	simm.s32 @p0 $0x1B8D  }
0xad: {  	_ =	swait.eq @p0 [sflag:s5], $0x1  }
0xae: {  	[sflag:s5] =	ssyncadd.s32 @p0 $0xFFFFFFFF  }
0xaf: {  	s6 =	sshll.u32 @!p0 s1, $0xE  }
0xb0: {  	s6 =	sor.u32 @!p0 $0x4000, s6;
	s5 =	simm.s32 @!p0 $0x1B8D  }
0xb1: {  	s4 =	sshll.u32 @!p0 s4, $0x11;
	s6 =	sadd.s32 @!p0 $0x11B8D, s6;
	_ =	swait.eq @!p0 [sflag:s5], $0x1  }
0xb2: {  	s4 =	sor.u32 @!p0 s4, s6;
	[sflag:s5] =	ssyncadd.s32 @!p0 $0xFFFFFFFF  }
0xb3: {  	s25 =	simm.s32 $0x1B8E;
	s24 =	sld [smem:$0x3FFE];
	[sflag:s4] =	ssyncadd.remote.s32 @!p0 $0x1  }
0xb4: {  	s26 =	simm.s32 $execute0_lowered;
	[smem:$0x3FD2] =	sst s25  }
0xb5: {  	s5 =	sshll.u32 s26, $0x1;
	_ =	strace $0x80000049;
	[dreg:$0x1] =	wrdreg $0xFFFFFFFF  }
0xb6: {  	s28 =	simm.s32 $_size_execute0_lowered;
	s3 =	sadd.s32 s3, s5;
	[dreg:$0x0] =	wrdreg $0x0  }
0xb7: {  	s5 =	sshll.u32 s28, $0x1;
	[dreg:$0x2] =	wrdreg s3  }
0xb8: {  	[dreg:$0x3] =	wrdreg s5  }
0xb9: {  	[dreg:$0x4] =	wrdreg $0xC0  }
0xba: {  	_ =	task [dreg:s22], $0x5FFFF  }
0xbb: {  	[dreg:$0x1] =	wrdreg $0xFFFFFFFF  }
0xbc: {  	[dreg:$0x0] =	wrdreg $0x60  }
0xbd: {  	[dreg:$0x2] =	wrdreg s24  }
0xbe: {  	[dreg:$0x3] =	wrdreg $0x9  }
0xbf: {  	_ =	task.clear_ibuf [dreg:s22], $0x4FFFF;
	_ =	strace $0x90000049  }
0xc0: {  	s29 =	simm.s32 $0x9;
	_ =	strace $0x8000004B  }
0xc1: {  	_ =	swait.ge [sflag:s29], $0x1  }
0xc2: {  	[sflag:s29] =	ssyncadd.s32 $0xFFFFFFFF  }
0xc3: {  	_ =	strace $0x9000004B  }
0xc4: {  	_ =	sfence  }
0xc5: {  	s30 =	sld [smem:$0x0];
	_ =	sdelay $0x2  }
0xc6: {  	s31 =	sshll.u32 s1, $0xD;
	s1 =	sshrl.u32 s1, $0x2  }
0xc7: {  	s4 =	sand.u32 $0x4000, s31;
	s1 =	sadd.s32 s1, s30  }
0xc8: {  	s0 =	sor.u32 s4, s0;
	s1 =	sshll.u32 s1, $0x11  }
0xc9: {  	s0 =	sor.u32 s1, s0  }
0xca: {  	s0 =	sadd.s32 $0x8F2B, s0  }
0xcb: {  	[sflag:s0] =	ssyncadd.remote.s32 $0x1  }
0xcc: {  	_ =	sfence.sel $0xFFFF  }
0xcd: {  	[dreg:$0x0] =	wrdreg $0xFFFFFFFF;
	(pc) =	sbr.abs _section_cstart, $3  }
0xce: {  	[dreg:$0x1] =	wrdreg $0xFFFFFFFF  }
0xcf: {  	_ =	task.clear_ibuf [dreg:s22], $0x2FFFF;
	_ =	strace $0x9FFFFFFF  }
0xd0: {  	(tm) =	ssettm $0x7FFFFFFF  }
0xd1: {  	_ =	shalt  }
tec
execute0_lowered:
.L_overlay_start_1:
0x0: {  	(tag) =	ssettag $0x1  }
0x1: {  	s1 =	srdreg.scid  }
0x2: {  	s0 =	stileid.u32;
	s4 =	rddreg [dreg:$0x0]  }
0x3: {  	s2 =	simm.s32 $0x0;
	s14 =	simm.s32 $0xB100;
	s15 =	simm.s32 $0x1  }
0x4: {  	s16 =	simm.s32 $0x200;
	s17 =	simm.s32 $0x13100;
	s18 =	simm.s32 $0x2  }
0x5: {  	s19 =	simm.s32 $0x4;
	s20 =	simm.s32 $0x300;
	s21 =	simm.s32 $0x3  }
0x6: {  	s22 =	simm.s32 $0x5;
	s23 =	simm.s32 $0x400;
	s24 =	simm.s32 $0x6  }
0x7: {  	s5 =	sand.u32 $0x1, s1;
	s3 =	sshll.u32 s0, $0x1;
	s28 =	smul.u32 $0x62000, s0  }
0x8: {  	s1 =	rddreg [dreg:$0x1];
	s6 =	sor.u32 s5, s3;
	s13 =	smul.u32 $0x31000, s5  }
0x9: {  	[smem:$0x7FF] =	sst s2;
	s12 =	sadd.s32 $0x7A8200, s4;
	s7 =	smul.u32 $0x3100, s6  }
0xa: {  	_ =	strace $0x8000004A;
	s9 =	ssub.s32 $0x2, s5;
	s11 =	smul.u32 $0x188000, s6  }
0xb: {  	s3 =	sadd.s32 $0xC4C00, s4;
	s10 =	sshrl.u32 s9, $0x1;
	s25 =	smul.u32 $0x31000, s6  }
0xc: {  	s9 =	ssub.s32 s9, s10;
	s8 =	sshrl.u32 s7, $0x3;
	s26 =	sshrl.u32 s11, $0x3  }
0xd: {  	s29 =	sshll.u32 s7, $0x4;
	s7 =	sadd.s32 s12, s25;
	s11 =	simm.s32 $0x7  }
.Ltmp0:
0xe: {  	s25 =	simm.s32 $0x0;
	s8 =	sadd.s32 s8, s4;
	(pc) =	sbr.rel .LBB2_1-.Ltmp0, $4  }
0xf: {  	s6 =	sadd.s32 s12, s26;
	s30 =	sadd.s32 s12, s29;
	s4 =	sadd.s32 $0x1600, s8  }
0x10: {  	s5 =	sadd.s32 $0x30000, s6;
	s6 =	smax.u32 s9, $0x1;
	s8 =	sadd.s32 s28, s12  }
0x11: {  	s9 =	sadd.s32 $0x2000, s7;
	s12 =	simm.s32 $0x100;
	s31 =	sadd.s32 s13, s8  }
0x12: {  	s8 =	sadd.s32 $0x1000, s30;
	s13 =	simm.s32 $0x3100;
	s10 =	sadd.s32 $0x3000, s31  }
.LBB2_4:
0x13: {  	_ =	swait.ge [sflag:s15], $0x8000  }
0x14: {  	[sflag:s15] =	ssyncset.done $0x0  }
0x15: {  	[sflag:s15] =	ssyncadd.s32 $0xFFFF8000  }
0x16: {  	[hbm4b:s5+s2] =	stream.linear.scatter [tilespmem:s13], [sflag:$0x4], $0x8000, $0x38;
	[tilespmem:$0x1B100] =	vst v63  }
0x17: {  	_ =	swait.ge [sflag:s19], $0x8000  }
0x18: {  	[sflag:s19] =	ssyncset.done $0x0  }
0x19: {  	s25 =	sadd.s32 $0x1, s25;
	[sflag:s19] =	ssyncadd.s32 $0xFFFF8000  }
0x1a: {  	p0 =	sne.s32 s25, s6;
	_ =	swait.ge [sflag:s22], $0x8000  }
.Ltmp1:
0x1b: {  	[sflag:s22] =	ssyncset.done $0x0;
	(pc) =	sbr.rel @!p0 .LBB2_5-.Ltmp1, $4  }
0x1c: {  	[sflag:s22] =	ssyncadd.s32 $0xFFFF8000  }
0x1d: {  	_ =	swait.ge [sflag:s24], $0x8000  }
0x1e: {  	[sflag:s24] =	ssyncset.done $0x0  }
0x1f: {  	[sflag:s24] =	ssyncadd.s32 $0xFFFF8000  }
.LBB2_1:
0x20: {  	[tilespmem:s2], [sflag:$0x7] =	stream.linear.gather [hbm4b:s4+s2], $0x3100, $0x38;
	[tilespmem:$0x1B100] =	vst v63  }
0x21: {  	_ =	swait.ge [sflag:s11], $0x3100  }
0x22: {  	[sflag:s11] =	ssyncset.done $0x0  }
0x23: {  	[sflag:s11] =	ssyncadd.s32 $0xFFFFCF00  }
0x24: {  	[tilespmem:s13], [sflag:$0x1] =	stream.indirect.gather [hbm4b:s3+s12], $0x80, s2, s12, $0xb8;
	[tilespmem:$0x1B100] =	vst v63  }
0x25: {  	_ = 	snop  }
0x26: {  	[tilespmem:s14], [sflag:$0x2] =	stream.indirect.gather [hbm4b:s3+s12], $0x80, s12, s12, $0xb8;
	[tilespmem:$0x1B100] =	vst v63  }
0x27: {  	_ =	swait.ge [sflag:s15], $0x8000  }
0x28: {  	[sflag:s15] =	ssyncset.done $0x0  }
0x29: {  	[sflag:s15] =	ssyncadd.s32 $0xFFFF8000  }
0x2a: {  	[hbm4b:s7+s2] =	stream.linear.scatter [tilespmem:s13], [sflag:$0x4], $0x8000, $0x38;
	[tilespmem:$0x1B100] =	vst v63  }
0x2b: {  	_ = 	snop  }
0x2c: {  	[tilespmem:s17], [sflag:$0x3] =	stream.indirect.gather [hbm4b:s3+s12], $0x80, s16, s12, $0xb8;
	[tilespmem:$0x1B100] =	vst v63  }
0x2d: {  	_ =	swait.ge [sflag:s18], $0x8000  }
0x2e: {  	[sflag:s18] =	ssyncset.done $0x0  }
0x2f: {  	[sflag:s18] =	ssyncadd.s32 $0xFFFF8000  }
0x30: {  	[hbm4b:s8+s2] =	stream.linear.scatter [tilespmem:s14], [sflag:$0x5], $0x8000, $0x38;
	[tilespmem:$0x1B100] =	vst v63  }
0x31: {  	_ =	swait.ge [sflag:s19], $0x8000  }
0x32: {  	[sflag:s19] =	ssyncset.done $0x0  }
0x33: {  	[sflag:s19] =	ssyncadd.s32 $0xFFFF8000  }
0x34: {  	[tilespmem:s13], [sflag:$0x1] =	stream.indirect.gather [hbm4b:s3+s12], $0x80, s20, s12, $0xb8;
	[tilespmem:$0x1B100] =	vst v63  }
0x35: {  	_ =	swait.ge [sflag:s21], $0x8000  }
0x36: {  	[sflag:s21] =	ssyncset.done $0x0  }
0x37: {  	[sflag:s21] =	ssyncadd.s32 $0xFFFF8000  }
0x38: {  	[hbm4b:s9+s2] =	stream.linear.scatter [tilespmem:s17], [sflag:$0x6], $0x8000, $0x38;
	[tilespmem:$0x1B100] =	vst v63  }
0x39: {  	_ =	swait.ge [sflag:s22], $0x8000  }
0x3a: {  	[sflag:s22] =	ssyncset.done $0x0  }
0x3b: {  	s26 =	smov.u32 s10;
	s28 =	simm.s32 $0x0;
	[sflag:s22] =	ssyncadd.s32 $0xFFFF8000  }
0x3c: {  	[tilespmem:s14], [sflag:$0x2] =	stream.indirect.gather [hbm4b:s3+s12], $0x80, s23, s12, $0xb8;
	[tilespmem:$0x1B100] =	vst v63  }
.LBB2_2:
0x3d: {  	_ =	swait.ge [sflag:s15], $0x8000  }
0x3e: {  	[sflag:s15] =	ssyncset.done $0x0  }
0x3f: {  	[sflag:s15] =	ssyncadd.s32 $0xFFFF8000  }
0x40: {  	[hbm4b:s26+s2] =	stream.linear.scatter [tilespmem:s13], [sflag:$0x4], $0x8000, $0x38;
	[tilespmem:$0x1B100] =	vst v63  }
0x41: {  	_ =	swait.ge [sflag:s24], $0x8000  }
0x42: {  	s29 =	sshra.s32 s28, $0x2;
	[sflag:s24] =	ssyncset.done $0x0  }
0x43: {  	s30 =	sadd.s32 $0x500, s29;
	[sflag:s24] =	ssyncadd.s32 $0xFFFF8000  }
0x44: {  	[tilespmem:s17], [sflag:$0x3] =	stream.indirect.gather [hbm4b:s3+s12], $0x80, s30, s12, $0xb8;
	[tilespmem:$0x1B100] =	vst v63  }
0x45: {  	_ =	swait.ge [sflag:s18], $0x8000  }
0x46: {  	[sflag:s18] =	ssyncset.done $0x0  }
0x47: {  	s31 =	sadd.s32 $0x1000, s26;
	[sflag:s18] =	ssyncadd.s32 $0xFFFF8000  }
0x48: {  	[hbm4b:s31+s2] =	stream.linear.scatter [tilespmem:s14], [sflag:$0x5], $0x8000, $0x38;
	[tilespmem:$0x1B100] =	vst v63  }
0x49: {  	_ =	swait.ge [sflag:s19], $0x8000  }
0x4a: {  	[sflag:s19] =	ssyncset.done $0x0  }
0x4b: {  	p0 =	seq.s32 s28, $0xA800;
	s31 =	sadd.s32 $0x600, s29;
	[sflag:s19] =	ssyncadd.s32 $0xFFFF8000  }
0x4c: {  	[tilespmem:s13], [sflag:$0x1] =	stream.indirect.gather [hbm4b:s3+s12], $0x80, s31, s12, $0xb8;
	[tilespmem:$0x1B100] =	vst v63  }
.Ltmp2:
0x4d: {  	_ = 	snop;
	(pc) =	sbr.rel @p0 .LBB2_4-.Ltmp2, $4  }
0x4e: {  	_ =	swait.ge [sflag:s21], $0x8000  }
0x4f: {  	[sflag:s21] =	ssyncset.done $0x0  }
0x50: {  	s31 =	sadd.s32 $0x2000, s26;
	[sflag:s21] =	ssyncadd.s32 $0xFFFF8000  }
0x51: {  	[hbm4b:s31+s2] =	stream.linear.scatter [tilespmem:s17], [sflag:$0x6], $0x8000, $0x38;
	[tilespmem:$0x1B100] =	vst v63  }
.Ltmp3:
0x52: {  	(pc) =	sbr.rel .LBB2_2-.Ltmp3, $4  }
0x53: {  	_ =	swait.ge [sflag:s22], $0x8000  }
0x54: {  	s29 =	sadd.s32 $0x700, s29;
	[sflag:s22] =	ssyncset.done $0x0  }
0x55: {  	s28 =	sadd.s32 $0xC00, s28;
	s26 =	sadd.s32 $0x3000, s26;
	[sflag:s22] =	ssyncadd.s32 $0xFFFF8000  }
0x56: {  	[tilespmem:s14], [sflag:$0x2] =	stream.indirect.gather [hbm4b:s3+s12], $0x80, s29, s12, $0xb8;
	[tilespmem:$0x1B100] =	vst v63  }
.LBB2_5:
0x57: {  	_ =	sfence.sel $0x180000  }
0x58: {  	[bflag:$0x0] =	sbarrier.arrive $0xFFFF  }
0x59: {  	p0 =	sne.s32 s0, $0x0;
	_ =	strace $0x9000004A  }
0x5a: {  	s0 =	sadd.s32 @!p0 $0x100000, s1;
	[bflag:$0x2] =	sbarrier.arrive $0xFFFF  }
0x5b: {  	[sflag:s0] =	ssyncadd.tile.s32 @!p0 $0x1;
	_ =	shalt  }
.Lfunc_end2:
_tile_overlayer_lowered:
.L_overlay_start_2:
0x5c: {  	(tag) =	ssettag $0x2  }
0x5d: {  	s0 =	rddreg [dreg:$0x0];
	s2 =	stileid.u32  }
0x5e: {  	s1 =	rddreg [dreg:$0x1];
	p0 =	sne.s32 s2, $0x0  }
0x5f: {  	s3 =	rddreg [dreg:$0x2];
	[bflag:$0x3] =	sbarrier.arrive $0xFFFF;
	s2 =	simm.s32 @!p0 $0x1C07  }
0x60: {  	[timem:s3], [sflag:s2] =	dma.local @!p0 [hbm:s0], s1  }
0x61: {  	s0 =	simm.s32 @!p0 $0x7  }
0x62: {  	_ =	swait.ge @!p0 [sflag:s0], s1  }
0x63: {  	s1 =	ssub.s32 @!p0 $0x0, s1;
	[sflag:s0] =	ssyncset.done @!p0 $0x0  }
0x64: {  	[sflag:s0] =	ssyncadd.s32 @!p0 s1  }
0x65: {  	[bflag:$0x3] =	sbarrier.arrive $0xFFFF  }
0x66: {  	_ =	shalt  }

// kernel: kernel.14.cloned.1.call-start
scs
__scs_entry_jumppad:
0x0: {  	(pc) =	sbr.rel $0x88, $3  }
0x1: {  	(tag) =	ssettag $0x0;
	lr =	simm.s32 $0x1  }
0x2: {  	[smem:$0x3F99] =	sst lr;
	_ =	strace $0xD0000000  }
0x3: {  	_ = 	snop  }
0x4: {  	_ = 	snop  }
0x5: {  	_ = 	snop  }
0x6: {  	_ = 	snop  }
0x7: {  	_ = 	snop  }
__scs_overlays_trampoline_lowered:
0x8: {  	[smem:$0x3FA8] =	sst s0  }
0x9: {  	[smem:$0x3FA9] =	sst s1  }
0xa: {  	[smem:$0x3FAA] =	sst s2  }
0xb: {  	[smem:$0x3FAB] =	sst s3  }
0xc: {  	[smem:$0x3FAC] =	sst s4  }
0xd: {  	[smem:$0x3FAD] =	sst s5  }
0xe: {  	[smem:$0x3FAE] =	sst s6  }
0xf: {  	[smem:$0x3FAF] =	sst s7  }
0x10: {  	[smem:$0x3FB0] =	sst s8  }
0x11: {  	[smem:$0x3FB1] =	sst s9;
	s0 =	simm.s32 @!p0 $0x0  }
0x12: {  	s1 =	sld [smem:$0x3F97];
	s0 =	simm.s32 @p0 $0x1  }
0x13: {  	[smem:$0x3FB2] =	sst s0;
	s0 =	simm.s32 @!p1 $0x0  }
0x14: {  	s2 =	sld [smem:$0x3F96];
	s0 =	simm.s32 @p1 $0x1  }
0x15: {  	[smem:$0x3FB3] =	sst s0;
	s0 =	simm.s32 @!p2 $0x0  }
0x16: {  	s3 =	sld [smem:$0x3FDB];
	s0 =	simm.s32 @p2 $0x1  }
0x17: {  	s4 =	simm.s32 $0x1BF5;
	[smem:$0x3FB5] =	sst s0  }
0x18: {  	s0 =	sld [smem:$0x3F98];
	_ =	swait.ge [sflag:s4], $0x0  }
0x19: {  	s7 =	sld [smem:$0x3F99]  }
0x1a: {  	s8 =	sadd.s32 $0xFFFFE003, lr  }
0x1b: {  	s9 =	sadd.s32 $0xFFFFFEF7, lr;
	s5 =	simm.s32 $0xFFFFFFFF;
	p2 =	slt.u32 s8, $0xFFFFF086  }
0x1c: {  	p1 =	slt.u32 s9, $0xF7A;
	s5 =	simm.s32 @!p2 $0x0  }
0x1d: {  	s5 =	simm.s32 @p1 $0x1;
	p0 =	seq.s32 s7, s2  }
0x1e: {  	s7 =	smul.u32 @!p0 $0xF7A, s2;
	p2 =	seq.s32 @!p0 s5, $0x0  }
0x1f: {  	s9 =	smul.u32 $0xF7A, s1;
	s8 =	simm.s32 @!p0 $0x1BF5;
	p2 =	por !p2, p0  }
0x20: {  	[sflag:s8] =	ssyncset.s32 @!p0 $0xFFFFF086;
	s6 =	sadd.s32 @!p0 s3, s7;
	s7 =	simm.s32 @!p0 $0x108  }
0x21: {  	s3 =	sadd.s32 s3, s9;
	s6 =	sadd.s32 @!p0 $0x88, s6;
	s7 =	simm.s32 @p2 $0x1082  }
0x22: {  	[simem:s7], [sflag:s8] =	dma.local @!p0 [hbm:s6], $0xF7A  }
0x23: {  	s9 =	sor.u32 $0xD0000000, s2;
	s6 =	simm.s32 $0x108;
	_ =	swait.ge @!p0 [sflag:s8], $0x0  }
0x24: {  	s3 =	sadd.s32 $0x88, s3;
	s6 =	simm.s32 @!p1 $0x1082;
	[sflag:s4] =	ssyncset.s32 $0xFFFFF086  }
0x25: {  	[simem:s6], [sflag:s4] =	dma.local [hbm:s3], $0xF7A  }
0x26: {  	[smem:$0x3F99] =	sst s1;
	(tag) =	ssettag s2;
	_ =	strace s9  }
0x27: {  	s1 =	sld [smem:$0x3FA9]  }
0x28: {  	s2 =	sld [smem:$0x3FAA]  }
0x29: {  	s4 =	sld [smem:$0x3FAC]  }
0x2a: {  	p0 =	seq.s32 s5, $0x0;
	s5 =	sld [smem:$0x3FAD]  }
0x2b: {  	s6 =	sld [smem:$0x3FAE]  }
0x2c: {  	s7 =	sld [smem:$0x3FAF]  }
0x2d: {  	s3 =	simm.s32 $0x108;
	s8 =	sld [smem:$0x3FB0]  }
0x2e: {  	s3 =	simm.s32 @!p0 $0x1082;
	s9 =	sld [smem:$0x3FB1]  }
0x2f: {  	lr =	sadd.s32 s0, s3;
	s0 =	sld [smem:$0x3FA8]  }
0x30: {  	s3 =	sld [smem:$0x3FAB]  }
0x31: {  	[smem:$0x3FB4] =	sst s10  }
0x32: {  	s10 =	sld [smem:$0x3FB2];
	_ =	sdelay $0x3  }
0x33: {  	p0 =	seq.s32 s10, $0x1;
	s10 =	sld [smem:$0x3FB4];
	_ =	sdelay $0x3  }
0x34: {  	[smem:$0x3FB4] =	sst s10  }
0x35: {  	s10 =	sld [smem:$0x3FB3];
	_ =	sdelay $0x3  }
0x36: {  	p1 =	seq.s32 s10, $0x1;
	s10 =	sld [smem:$0x3FB4];
	_ =	sdelay $0x3  }
0x37: {  	[smem:$0x3FB4] =	sst s10  }
0x38: {  	s10 =	sld [smem:$0x3FB5]  }
0x39: {  	_ = 	snop;
	(pc) =	sbr.ind lr, $3  }
0x3a: {  	_ = 	snop  }
0x3b: {  	_ = 	snop  }
0x3c: {  	p2 =	seq.s32 s10, $0x1;
	s10 =	sld [smem:$0x3FB4]  }
0x3d: {  	_ =	shalt  }
0x3e: {  	_ =	shalt  }
0x3f: {  	_ =	shalt  }
0x40: {  	_ =	shalt  }
0x41: {  	_ =	shalt  }
0x42: {  	_ =	shalt  }
0x43: {  	_ =	shalt  }
0x44: {  	_ =	shalt  }
0x45: {  	_ =	shalt  }
0x46: {  	_ =	shalt  }
0x47: {  	_ =	shalt  }
0x48: {  	_ =	shalt  }
0x49: {  	_ =	shalt  }
0x4a: {  	_ =	shalt  }
0x4b: {  	_ =	shalt  }
0x4c: {  	_ =	shalt  }
0x4d: {  	_ =	shalt  }
0x4e: {  	_ =	shalt  }
0x4f: {  	_ =	shalt  }
0x50: {  	_ =	shalt  }
0x51: {  	_ =	shalt  }
0x52: {  	_ =	shalt  }
0x53: {  	_ =	shalt  }
0x54: {  	_ =	shalt  }
0x55: {  	_ =	shalt  }
0x56: {  	_ =	shalt  }
0x57: {  	_ =	shalt  }
0x58: {  	_ =	shalt  }
0x59: {  	_ =	shalt  }
0x5a: {  	_ =	shalt  }
0x5b: {  	_ =	shalt  }
0x5c: {  	_ =	shalt  }
0x5d: {  	_ =	shalt  }
0x5e: {  	_ =	shalt  }
0x5f: {  	_ =	shalt  }
0x60: {  	_ =	shalt  }
0x61: {  	_ =	shalt  }
0x62: {  	_ =	shalt  }
0x63: {  	_ =	shalt  }
0x64: {  	_ =	shalt  }
0x65: {  	_ =	shalt  }
0x66: {  	_ =	shalt  }
0x67: {  	_ =	shalt  }
0x68: {  	_ =	shalt  }
0x69: {  	_ =	shalt  }
0x6a: {  	_ =	shalt  }
0x6b: {  	_ =	shalt  }
0x6c: {  	_ =	shalt  }
0x6d: {  	_ =	shalt  }
0x6e: {  	_ =	shalt  }
0x6f: {  	_ =	shalt  }
0x70: {  	_ =	shalt  }
0x71: {  	_ =	shalt  }
0x72: {  	_ =	shalt  }
0x73: {  	_ =	shalt  }
0x74: {  	_ =	shalt  }
0x75: {  	_ =	shalt  }
0x76: {  	_ =	shalt  }
0x77: {  	_ =	shalt  }
0x78: {  	_ =	shalt  }
0x79: {  	_ =	shalt  }
0x7a: {  	_ =	shalt  }
0x7b: {  	_ =	shalt  }
0x7c: {  	_ =	shalt  }
0x7d: {  	_ =	shalt  }
0x7e: {  	_ =	shalt  }
0x7f: {  	_ =	shalt  }
0x80: {  	_ =	shalt  }
0x81: {  	_ =	shalt  }
0x82: {  	_ =	shalt  }
0x83: {  	_ =	shalt  }
0x84: {  	_ =	shalt  }
0x85: {  	_ =	shalt  }
0x86: {  	_ =	shalt  }
0x87: {  	_ =	shalt  }
.Lfunc_end0:
.L_simem_size_0:
called_computation.1_lowered:
.L_overlay_start_0:
0x88: {  	s2 =	sld [smem:$0x3FD9]  }
0x89: {  	s3 =	sld [smem:$0x3FFE];
	_ =	sdelay $0x1  }
0x8a: {  	s1 =	srdreg.scid  }
0x8b: {  	s0 =	sand.u32 $0x1, s1  }
0x8c: {  	s17 =	sshll.u32 s0, $0xA;
	s2 =	sadd.s32 s3, s2  }
0x8d: {  	s2 =	sadd.s32 s2, s17  }
0x8e: {  	[smem:$0x3FC0] =	sst s2  }
0x8f: {  	_ = 	snop  }
0x90: {  	s2 =	sld [smem:$0x3FD0];
	(tm) =	ssettm $0x1  }
0x91: {  	s18 =	sld [smem:$0x3FFB];
	_ =	sdelay $0x3  }
0x92: {  	_ =	strace s18  }
0x93: {  	s3 =	sld [smem:$0x3FFC];
	_ =	sdelay $0x3  }
0x94: {  	_ =	strace s3  }
0x95: {  	s3 =	sld [smem:$0x3FFD];
	_ =	sdelay $0x3  }
0x96: {  	_ =	strace s3  }
0x97: {  	_ =	strace $0x8FFFFFFF  }
0x98: {  	s19 =	sld [smem:$0x3FDB];
	_ =	sdelay $0x1  }
0x99: {  	s4 =	simm.s32 $_scs_section_size  }
0x9a: {  	s5 =	simm.s32 $_size__tile_overlayer_lowered;
	s6 =	simm.s32 $_tile_overlayer_lowered  }
0x9b: {  	s22 =	simm.s32 $0x1BFF;
	s21 =	sshll.u32 s6, $0x1;
	s3 =	sadd.s32 s4, s19  }
0x9c: {  	s7 =	simm.s32 $0x0;
	s20 =	sshll.u32 s5, $0x1;
	s5 =	sadd.s32 s21, s3  }
0x9d: {  	[timem:s7], [sflag:s22] =	dma.local [hbm:s5], s20  }
0x9e: {  	_ =	swait.ge [sflag:s22], s20  }
0x9f: {  	s4 =	ssub.s32 $0x0, s20;
	[sflag:s22] =	ssyncset.done $0x0  }
0xa0: {  	[sflag:s22] =	ssyncadd.s32 s4;
	_ =	sdelay $0x1  }
0xa1: {  	s23 =	simm.s32 $0x1B8B  }
0xa2: {  	_ =	swait.ge [sflag:s23], $0x1  }
0xa3: {  	[sflag:s23] =	ssyncset.done $0x0  }
0xa4: {  	s25 =	simm.s32 $0x1B8E;
	s24 =	sld [smem:$0x3FFE];
	[sflag:s23] =	ssyncadd.s32 $0xFFFFFFFF  }
0xa5: {  	s26 =	simm.s32 $execute0_lowered;
	[smem:$0x3FD2] =	sst s25  }
0xa6: {  	s5 =	sshll.u32 s26, $0x1;
	_ =	strace $0x80000046;
	[dreg:$0x1] =	wrdreg $0xFFFFFFFF  }
0xa7: {  	s28 =	simm.s32 $_size_execute0_lowered;
	s3 =	sadd.s32 s3, s5;
	[dreg:$0x0] =	wrdreg $0x0  }
0xa8: {  	s5 =	sshll.u32 s28, $0x1;
	[dreg:$0x2] =	wrdreg s3  }
0xa9: {  	[dreg:$0x3] =	wrdreg s5  }
0xaa: {  	[dreg:$0x4] =	wrdreg $0xC0  }
0xab: {  	_ =	task [dreg:s7], $0x5FFFF  }
0xac: {  	[dreg:$0x1] =	wrdreg $0xFFFFFFFF  }
0xad: {  	[dreg:$0x0] =	wrdreg $0x60  }
0xae: {  	[dreg:$0x2] =	wrdreg s24  }
0xaf: {  	[dreg:$0x3] =	wrdreg s2  }
0xb0: {  	[dreg:$0x4] =	wrdreg $0xA  }
0xb1: {  	_ =	task.clear_ibuf [dreg:s7], $0x5FFFF;
	_ =	strace $0x90000046  }
0xb2: {  	s29 =	simm.s32 $0xA;
	_ =	strace $0x80000048  }
0xb3: {  	_ =	swait.ge [sflag:s29], $0x1  }
0xb4: {  	[sflag:s29] =	ssyncadd.s32 $0xFFFFFFFF  }
0xb5: {  	_ =	strace $0x90000048  }
0xb6: {  	_ =	sfence  }
0xb7: {  	s30 =	sld [smem:$0x0];
	_ =	sdelay $0x2  }
0xb8: {  	s31 =	sshll.u32 s1, $0xD;
	s1 =	sshrl.u32 s1, $0x2  }
0xb9: {  	s3 =	sand.u32 $0x4000, s31;
	s1 =	sadd.s32 s1, s30  }
0xba: {  	s0 =	sor.u32 s3, s0;
	s1 =	sshll.u32 s1, $0x11  }
0xbb: {  	s0 =	sor.u32 s1, s0  }
0xbc: {  	s0 =	sadd.s32 $0x8F2B, s0  }
0xbd: {  	[sflag:s0] =	ssyncadd.remote.s32 $0x1  }
0xbe: {  	_ =	sfence.sel $0xFFFF  }
0xbf: {  	[dreg:$0x0] =	wrdreg $0xFFFFFFFF;
	(pc) =	sbr.abs _section_cstart, $3  }
0xc0: {  	[dreg:$0x1] =	wrdreg $0xFFFFFFFF  }
0xc1: {  	_ =	task.clear_ibuf [dreg:s7], $0x2FFFF;
	_ =	strace $0x9FFFFFFF  }
0xc2: {  	(tm) =	ssettm $0x7FFFFFFF  }
0xc3: {  	_ =	shalt  }
tec
execute0_lowered:
.L_overlay_start_1:
0x0: {  	(tag) =	ssettag $0x1  }
0x1: {  	s4 =	rddreg [dreg:$0x0]  }
0x2: {  	s5 =	rddreg [dreg:$0x1]  }
0x3: {  	s0 =	rddreg [dreg:$0x2]  }
0x4: {  	s2 =	simm.s32 $0x0;
	s3 =	srdreg.scid;
	s1 =	stileid.u32  }
0x5: {  	s13 =	simm.s32 $0x3100;
	s14 =	simm.s32 $0xB100;
	s15 =	simm.s32 $0x1  }
0x6: {  	s16 =	simm.s32 $0x200;
	s17 =	simm.s32 $0x13100;
	s18 =	simm.s32 $0x2  }
0x7: {  	s19 =	simm.s32 $0x4;
	s20 =	simm.s32 $0x300;
	s21 =	simm.s32 $0x3  }
0x8: {  	s22 =	simm.s32 $0x5;
	s23 =	simm.s32 $0x400;
	[smem:$0x7FF] =	sst s2  }
0x9: {  	s6 =	sand.u32 $0x1, s3;
	s24 =	sshll.u32 s1, $0x1;
	s29 =	smul.u32 $0x62000, s1  }
0xa: {  	s10 =	sadd.s32 $0x188200, s4;
	s7 =	sor.u32 s6, s24;
	s12 =	smul.u32 $0x31000, s6  }
0xb: {  	s3 =	sadd.s32 $0xC4C00, s4;
	_ =	strace $0x80000047;
	s9 =	smul.u32 $0x3100, s7  }
0xc: {  	s8 =	ssub.s32 $0x2, s6;
	s24 =	simm.s32 $0x6;
	s11 =	smul.u32 $0x188000, s7  }
0xd: {  	s25 =	sshrl.u32 s8, $0x1;
	s7 =	smul.u32 $0x31000, s7;
	s30 =	sadd.s32 s29, s10  }
0xe: {  	s8 =	ssub.s32 s8, s25;
	s31 =	sadd.s32 s12, s30;
	s12 =	simm.s32 $0x100  }
.Ltmp0:
0xf: {  	s25 =	simm.s32 $0x0;
	s26 =	sshrl.u32 s9, $0x3;
	(pc) =	sbr.rel .LBB2_1-.Ltmp0, $4  }
0x10: {  	s28 =	sshrl.u32 s11, $0x3;
	s9 =	sshll.u32 s9, $0x4;
	s6 =	smax.u32 s8, $0x1  }
0x11: {  	s7 =	sadd.s32 s10, s7;
	s11 =	simm.s32 $0x7;
	s4 =	sadd.s32 s5, s26  }
0x12: {  	s5 =	sadd.s32 s10, s28;
	s9 =	sadd.s32 s10, s9;
	s10 =	sadd.s32 $0x3000, s31  }
0x13: {  	s5 =	sadd.s32 $0x30000, s5;
	s8 =	sadd.s32 $0x1000, s9;
	s9 =	sadd.s32 $0x2000, s7  }
.LBB2_4:
0x14: {  	_ =	swait.ge [sflag:s15], $0x8000  }
0x15: {  	[sflag:s15] =	ssyncset.done $0x0  }
0x16: {  	[sflag:s15] =	ssyncadd.s32 $0xFFFF8000  }
0x17: {  	[hbm4b:s5+s2] =	stream.linear.scatter [tilespmem:s13], [sflag:$0x4], $0x8000, $0x38;
	[tilespmem:$0x1B100] =	vst v63  }
0x18: {  	_ =	swait.ge [sflag:s19], $0x8000  }
0x19: {  	[sflag:s19] =	ssyncset.done $0x0  }
0x1a: {  	s25 =	sadd.s32 $0x1, s25;
	[sflag:s19] =	ssyncadd.s32 $0xFFFF8000  }
0x1b: {  	p0 =	sne.s32 s25, s6;
	_ =	swait.ge [sflag:s22], $0x8000  }
.Ltmp1:
0x1c: {  	[sflag:s22] =	ssyncset.done $0x0;
	(pc) =	sbr.rel @!p0 .LBB2_5-.Ltmp1, $4  }
0x1d: {  	[sflag:s22] =	ssyncadd.s32 $0xFFFF8000  }
0x1e: {  	_ =	swait.ge [sflag:s24], $0x8000  }
0x1f: {  	[sflag:s24] =	ssyncset.done $0x0  }
0x20: {  	[sflag:s24] =	ssyncadd.s32 $0xFFFF8000  }
.LBB2_1:
0x21: {  	[tilespmem:s2], [sflag:$0x7] =	stream.linear.gather [hbm4b:s4+s2], $0x3100, $0x38;
	[tilespmem:$0x1B100] =	vst v63  }
0x22: {  	_ =	swait.ge [sflag:s11], $0x3100  }
0x23: {  	[sflag:s11] =	ssyncset.done $0x0  }
0x24: {  	[sflag:s11] =	ssyncadd.s32 $0xFFFFCF00  }
0x25: {  	[tilespmem:s13], [sflag:$0x1] =	stream.indirect.gather [hbm4b:s3+s12], $0x80, s2, s12, $0xb8;
	[tilespmem:$0x1B100] =	vst v63  }
0x26: {  	_ = 	snop  }
0x27: {  	[tilespmem:s14], [sflag:$0x2] =	stream.indirect.gather [hbm4b:s3+s12], $0x80, s12, s12, $0xb8;
	[tilespmem:$0x1B100] =	vst v63  }
0x28: {  	_ =	swait.ge [sflag:s15], $0x8000  }
0x29: {  	[sflag:s15] =	ssyncset.done $0x0  }
0x2a: {  	[sflag:s15] =	ssyncadd.s32 $0xFFFF8000  }
0x2b: {  	[hbm4b:s7+s2] =	stream.linear.scatter [tilespmem:s13], [sflag:$0x4], $0x8000, $0x38;
	[tilespmem:$0x1B100] =	vst v63  }
0x2c: {  	_ = 	snop  }
0x2d: {  	[tilespmem:s17], [sflag:$0x3] =	stream.indirect.gather [hbm4b:s3+s12], $0x80, s16, s12, $0xb8;
	[tilespmem:$0x1B100] =	vst v63  }
0x2e: {  	_ =	swait.ge [sflag:s18], $0x8000  }
0x2f: {  	[sflag:s18] =	ssyncset.done $0x0  }
0x30: {  	[sflag:s18] =	ssyncadd.s32 $0xFFFF8000  }
0x31: {  	[hbm4b:s8+s2] =	stream.linear.scatter [tilespmem:s14], [sflag:$0x5], $0x8000, $0x38;
	[tilespmem:$0x1B100] =	vst v63  }
0x32: {  	_ =	swait.ge [sflag:s19], $0x8000  }
0x33: {  	[sflag:s19] =	ssyncset.done $0x0  }
0x34: {  	[sflag:s19] =	ssyncadd.s32 $0xFFFF8000  }
0x35: {  	[tilespmem:s13], [sflag:$0x1] =	stream.indirect.gather [hbm4b:s3+s12], $0x80, s20, s12, $0xb8;
	[tilespmem:$0x1B100] =	vst v63  }
0x36: {  	_ =	swait.ge [sflag:s21], $0x8000  }
0x37: {  	[sflag:s21] =	ssyncset.done $0x0  }
0x38: {  	[sflag:s21] =	ssyncadd.s32 $0xFFFF8000  }
0x39: {  	[hbm4b:s9+s2] =	stream.linear.scatter [tilespmem:s17], [sflag:$0x6], $0x8000, $0x38;
	[tilespmem:$0x1B100] =	vst v63  }
0x3a: {  	_ =	swait.ge [sflag:s22], $0x8000  }
0x3b: {  	[sflag:s22] =	ssyncset.done $0x0  }
0x3c: {  	s26 =	smov.u32 s10;
	s28 =	simm.s32 $0x0;
	[sflag:s22] =	ssyncadd.s32 $0xFFFF8000  }
0x3d: {  	[tilespmem:s14], [sflag:$0x2] =	stream.indirect.gather [hbm4b:s3+s12], $0x80, s23, s12, $0xb8;
	[tilespmem:$0x1B100] =	vst v63  }
.LBB2_2:
0x3e: {  	_ =	swait.ge [sflag:s15], $0x8000  }
0x3f: {  	[sflag:s15] =	ssyncset.done $0x0  }
0x40: {  	[sflag:s15] =	ssyncadd.s32 $0xFFFF8000  }
0x41: {  	[hbm4b:s26+s2] =	stream.linear.scatter [tilespmem:s13], [sflag:$0x4], $0x8000, $0x38;
	[tilespmem:$0x1B100] =	vst v63  }
0x42: {  	_ =	swait.ge [sflag:s24], $0x8000  }
0x43: {  	s29 =	sshra.s32 s28, $0x2;
	[sflag:s24] =	ssyncset.done $0x0  }
0x44: {  	s30 =	sadd.s32 $0x500, s29;
	[sflag:s24] =	ssyncadd.s32 $0xFFFF8000  }
0x45: {  	[tilespmem:s17], [sflag:$0x3] =	stream.indirect.gather [hbm4b:s3+s12], $0x80, s30, s12, $0xb8;
	[tilespmem:$0x1B100] =	vst v63  }
0x46: {  	_ =	swait.ge [sflag:s18], $0x8000  }
0x47: {  	[sflag:s18] =	ssyncset.done $0x0  }
0x48: {  	s31 =	sadd.s32 $0x1000, s26;
	[sflag:s18] =	ssyncadd.s32 $0xFFFF8000  }
0x49: {  	[hbm4b:s31+s2] =	stream.linear.scatter [tilespmem:s14], [sflag:$0x5], $0x8000, $0x38;
	[tilespmem:$0x1B100] =	vst v63  }
0x4a: {  	_ =	swait.ge [sflag:s19], $0x8000  }
0x4b: {  	[sflag:s19] =	ssyncset.done $0x0  }
0x4c: {  	p0 =	seq.s32 s28, $0xA800;
	s31 =	sadd.s32 $0x600, s29;
	[sflag:s19] =	ssyncadd.s32 $0xFFFF8000  }
0x4d: {  	[tilespmem:s13], [sflag:$0x1] =	stream.indirect.gather [hbm4b:s3+s12], $0x80, s31, s12, $0xb8;
	[tilespmem:$0x1B100] =	vst v63  }
.Ltmp2:
0x4e: {  	_ = 	snop;
	(pc) =	sbr.rel @p0 .LBB2_4-.Ltmp2, $4  }
0x4f: {  	_ =	swait.ge [sflag:s21], $0x8000  }
0x50: {  	[sflag:s21] =	ssyncset.done $0x0  }
0x51: {  	s31 =	sadd.s32 $0x2000, s26;
	[sflag:s21] =	ssyncadd.s32 $0xFFFF8000  }
0x52: {  	[hbm4b:s31+s2] =	stream.linear.scatter [tilespmem:s17], [sflag:$0x6], $0x8000, $0x38;
	[tilespmem:$0x1B100] =	vst v63  }
.Ltmp3:
0x53: {  	(pc) =	sbr.rel .LBB2_2-.Ltmp3, $4  }
0x54: {  	_ =	swait.ge [sflag:s22], $0x8000  }
0x55: {  	s29 =	sadd.s32 $0x700, s29;
	[sflag:s22] =	ssyncset.done $0x0  }
0x56: {  	s28 =	sadd.s32 $0xC00, s28;
	s26 =	sadd.s32 $0x3000, s26;
	[sflag:s22] =	ssyncadd.s32 $0xFFFF8000  }
0x57: {  	[tilespmem:s14], [sflag:$0x2] =	stream.indirect.gather [hbm4b:s3+s12], $0x80, s29, s12, $0xb8;
	[tilespmem:$0x1B100] =	vst v63  }
.LBB2_5:
0x58: {  	_ =	sfence.sel $0x180000  }
0x59: {  	[bflag:$0x0] =	sbarrier.arrive $0xFFFF  }
0x5a: {  	p0 =	sne.s32 s1, $0x0;
	_ =	strace $0x90000047  }
0x5b: {  	s0 =	sadd.s32 @!p0 $0x100000, s0;
	[bflag:$0x2] =	sbarrier.arrive $0xFFFF  }
0x5c: {  	[sflag:s0] =	ssyncadd.tile.s32 @!p0 $0x1;
	_ =	shalt  }
.Lfunc_end2:
_tile_overlayer_lowered:
.L_overlay_start_2:
0x5d: {  	(tag) =	ssettag $0x2  }
0x5e: {  	s0 =	rddreg [dreg:$0x0];
	s2 =	stileid.u32  }
0x5f: {  	s1 =	rddreg [dreg:$0x1];
	p0 =	sne.s32 s2, $0x0  }
0x60: {  	s3 =	rddreg [dreg:$0x2];
	[bflag:$0x3] =	sbarrier.arrive $0xFFFF;
	s2 =	simm.s32 @!p0 $0x1C07  }
0x61: {  	[timem:s3], [sflag:s2] =	dma.local @!p0 [hbm:s0], s1  }
0x62: {  	s0 =	simm.s32 @!p0 $0x7  }
0x63: {  	_ =	swait.ge @!p0 [sflag:s0], s1  }
0x64: {  	s1 =	ssub.s32 @!p0 $0x0, s1;
	[sflag:s0] =	ssyncset.done @!p0 $0x0  }
0x65: {  	[sflag:s0] =	ssyncadd.s32 @!p0 s1  }
0x66: {  	[bflag:$0x3] =	sbarrier.arrive $0xFFFF  }
0x67: {  	_ =	shalt  }

</sc_bundles>
